<compile_context>
chip_gen: v7x
topology: tpu7x:2x2x1
jax: 0.10.2.dev20260603
libtpu: 0.0.44.dev20260713+nightly
codegen_flags: <defaults>
</compile_context>

<pallas_src>
import functools

import jax
import jax.numpy as jnp
from jax import lax
from jax.experimental import pallas as pl
from jax.experimental.pallas import tpu as pltpu
from jax.experimental.pallas import tpu_sc as plsc

D = 128
_NC = 2
_NS = 16
_NW = _NC * _NS
_C = 40
_NBUF = 2


def _mlp1_body(x_ref, w1a_ref, w1b_ref, b1_ref, y1_ref, y2_ref):
    xb = x_ref[...]
    y1_ref[...] = (
        jnp.dot(xb, w1a_ref[...], preferred_element_type=jnp.float32)
        + b1_ref[...]
    )
    y2_ref[...] = jnp.dot(xb, w1b_ref[...], preferred_element_type=jnp.float32)


def _node_tables(x, W1, b1):
    n, d = x.shape
    bn = 1000
    y1, y2 = pl.pallas_call(
        _mlp1_body,
        grid=(n // bn,),
        in_specs=[
            pl.BlockSpec((bn, d), lambda i: (i, 0)),
            pl.BlockSpec((d, d), lambda i: (0, 0)),
            pl.BlockSpec((d, d), lambda i: (0, 0)),
            pl.BlockSpec((1, d), lambda i: (0, 0)),
        ],
        out_specs=[
            pl.BlockSpec((bn, d), lambda i: (i, 0)),
            pl.BlockSpec((bn, d), lambda i: (i, 0)),
        ],
        out_shape=[
            jax.ShapeDtypeStruct((n, d), jnp.float32),
            jax.ShapeDtypeStruct((n, d), jnp.float32),
        ],
    )(x, W1[:d], W1[d:], b1.reshape(1, d))
    return y1, y2


def _make_sc_kernel(E_pad, C, nbuf):
    epw = E_pad // _NW
    n_chunks = epw // C
    assert epw % C == 0 and n_chunks % nbuf == 0 and C % 8 == 0
    mesh = plsc.VectorSubcoreMesh(core_axis_name="c", subcore_axis_name="s")

    @functools.partial(
        pl.kernel,
        mesh=mesh,
        out_type=jax.ShapeDtypeStruct((E_pad * 16,), jnp.float32),
        scratch_types=[
            pltpu.VMEM((nbuf, C), jnp.int32),
            pltpu.VMEM((nbuf, C), jnp.int32),
            pltpu.VMEM((nbuf, C, D), jnp.float32),
            pltpu.VMEM((nbuf, C, D), jnp.float32),
            pltpu.VMEM((nbuf, C * 16), jnp.float32),
            pltpu.VMEM((D,), jnp.float32),
        ] + [pltpu.SemaphoreType.DMA] * (3 * nbuf),
    )
    def sc_edge_mlp(y1_hbm, y2_hbm, ei_hbm, w2_hbm, out_hbm,
                    src_v, dst_v, rows1, rows2, outc, w2_v, *sems):
        sem_i = sems[0:nbuf]
        sem_g = sems[nbuf:2 * nbuf]
        sem_o = sems[2 * nbuf:3 * nbuf]
        wid = lax.axis_index("s") * _NC + lax.axis_index("c")
        base = wid * epw
        pltpu.sync_copy(w2_hbm, w2_v)
        w2r = [w2_v[pl.ds(k * 16, 16)] for k in range(D // 16)]

        def issue_idx(c, b):
            off = base + c * C
            pltpu.async_copy(ei_hbm.at[pl.ds(off, C)], src_v.at[b], sem_i[b])
            pltpu.async_copy(ei_hbm.at[pl.ds(E_pad + off, C)], dst_v.at[b],
                             sem_i[b])

        def wait_idx(b):
            pltpu.make_async_copy(ei_hbm.at[pl.ds(0, C)], src_v.at[b],
                                  sem_i[b]).wait()
            pltpu.make_async_copy(ei_hbm.at[pl.ds(0, C)], dst_v.at[b],
                                  sem_i[b]).wait()

        def issue_gather(b):
            pltpu.async_copy(y1_hbm.at[src_v.at[b]], rows1.at[b], sem_g[b])
            pltpu.async_copy(y2_hbm.at[dst_v.at[b]], rows2.at[b], sem_g[b])

        def wait_gather(b):
            pltpu.make_async_copy(y1_hbm.at[src_v.at[b]], rows1.at[b],
                                  sem_g[b]).wait()
            pltpu.make_async_copy(y2_hbm.at[dst_v.at[b]], rows2.at[b],
                                  sem_g[b]).wait()

        def issue_store(c, b):
            off = (base + c * C) * 16
            pltpu.async_copy(outc.at[b], out_hbm.at[pl.ds(off, C * 16)],
                             sem_o[b])

        def wait_store(b):
            pltpu.make_async_copy(outc.at[b], out_hbm.at[pl.ds(0, C * 16)],
                                  sem_o[b]).wait()

        for c in range(nbuf):
            issue_idx(c, c)
        for c in range(nbuf - 1):
            wait_idx(c)
            issue_gather(c)

        def step(si, carry):
            for b in range(nbuf):
                s = nbuf * si + b
                wait_gather(b)

                @pl.when(s + nbuf < n_chunks)
                def _():
                    issue_idx(s + nbuf, b)

                pg = (b + nbuf - 1) % nbuf

                @pl.when(s + nbuf - 1 < n_chunks)
                def _():
                    wait_idx(pg)
                    issue_gather(pg)

                @pl.when(s >= nbuf)
                def _():
                    wait_store(b)

                def edge(e, c2):
                    acc0 = jnp.zeros((16,), jnp.float32)
                    acc1 = jnp.zeros((16,), jnp.float32)
                    for k in range(D // 16):
                        f = k * 16
                        av = rows1[b, e, pl.ds(f, 16)]
                        bv = rows2[b, e, pl.ds(f, 16)]
                        z = jnp.maximum(av + bv, 0.0)
                        if k % 2 == 0:
                            acc0 = acc0 + z * w2r[k]
                        else:
                            acc1 = acc1 + z * w2r[k]
                    outc[b, pl.ds(e * 16, 16)] = acc0 + acc1
                    return c2

                lax.fori_loop(0, C, edge, 0, unroll=4)
                issue_store(s, b)
            return carry

        lax.fori_loop(0, n_chunks // nbuf, step, 0)
        for b in range(nbuf):
            wait_store(b)

    return sc_edge_mlp


def _lane_sum_body(p_ref, b2_ref, o_ref):
    i = lax.broadcasted_iota(jnp.int32, (D, 8), 0)
    j = lax.broadcasted_iota(jnp.int32, (D, 8), 1)
    m = (i // 16 == j).astype(jnp.float32)
    o_ref[...] = (
        jnp.dot(p_ref[...], m, preferred_element_type=jnp.float32)
        + b2_ref[0]
    )


def _lane_sum(partials, E_pad, b2):
    rows = E_pad // 8
    br = 4000
    p2 = partials.reshape(rows, D)
    out = pl.pallas_call(
        _lane_sum_body,
        grid=(rows // br,),
        in_specs=[
            pl.BlockSpec((br, D), lambda i: (i, 0)),
            pl.BlockSpec(memory_space=pltpu.SMEM),
        ],
        out_specs=pl.BlockSpec((br, 8), lambda i: (i, 0)),
        out_shape=jax.ShapeDtypeStruct((rows, 8), jnp.float32),
    )(p2, b2)
    return out.reshape(E_pad)


def kernel(x, edge_index, W1, b1, W2, b2):
    y1, y2 = _node_tables(x, W1, b1)
    E = edge_index.shape[1]
    grain = _NW * _C * _NBUF
    E_pad = ((E + grain - 1) // grain) * grain
    if E_pad != E:
        ei = jnp.concatenate(
            [edge_index,
             jnp.zeros((2, E_pad - E), jnp.int32)], axis=1).reshape(-1)
    else:
        ei = edge_index.reshape(-1)
    sc = _make_sc_kernel(E_pad, _C, _NBUF)
    partials = sc(y1, y2, ei, W2.reshape(-1))
    scores = _lane_sum(partials, E_pad, b2)
    if E_pad != E:
        scores = scores[:E]
    return scores

# --- scband reference (transcript-rebuilt; emitter-appended) ---
"""Pipeline reference for scband-mlppredictor-21174188769662 (READ-ONLY COPY).

The authoritative reference and input builder live on the scoring server;
editing this copy changes nothing except your own understanding.
"""

import jax, jax.numpy as jnp
import numpy as np

N, E, D = 10000, 320000, 128

def setup_inputs(seed: int = 0) -> dict:
    key = jax.random.key(seed)
    k1, k2, k3, k4 = jax.random.split(key, 4)
    x = jax.random.normal(k1, (N, D), dtype=jnp.float32)
    edge_index = jax.random.randint(k2, (2, E), 0, N, dtype=jnp.int32)
    # Learned parameters sized per init_kwargs (h_feats=128):
    # W1: Linear(2*h_feats -> h_feats), W2: Linear(h_feats -> 1)
    W1 = jax.random.normal(k3, (2 * D, D), dtype=jnp.float32) * (1.0 / np.sqrt(2 * D))
    b1 = jnp.zeros((D,), dtype=jnp.float32)
    W2 = jax.random.normal(k4, (D, 1), dtype=jnp.float32) * (1.0 / np.sqrt(D))
    b2 = jnp.zeros((1,), dtype=jnp.float32)
    return {"x": x, "edge_index": edge_index, "W1": W1, "b1": b1, "W2": W2, "b2": b2}

def reference(x, edge_index, W1, b1, W2, b2):
    # DGL apply_edges: gather src/dst node embeddings per edge, concat, 2-layer MLP -> scalar score per edge
    src = edge_index[0]
    dst = edge_index[1]
    h_src = jnp.take(x, src, axis=0)   # [E, D] gather
    h_dst = jnp.take(x, dst, axis=0)   # [E, D] gather
    h = jnp.concatenate([h_src, h_dst], axis=1)  # [E, 2D]
    h1 = jax.nn.relu(h @ W1 + b1)                # [E, D]
    scores = (h1 @ W2 + b2)[:, 0]                # squeeze(1)
    return scores.reshape(-1)

if __name__ == "__main__":
    import jax
    _d = setup_inputs()
    print(jax.jit(kernel)(*tuple(_d.values())))

</pallas_src>

<mosaic_0001>
#map = affine_map<(d0, d1) -> (0, 0)>
#map1 = affine_map<(d0, d1) -> (0)>
module attributes {stable_mosaic.version = 14 : i64} {
  func.func @sc_edge_mlp(%arg0: i32, %arg1: i32, %arg2: memref<10000x128xf32, #tpu.memory_space<hbm>>, %arg3: memref<10000x128xf32, #tpu.memory_space<hbm>>, %arg4: memref<640000xi32, #tpu.memory_space<hbm>>, %arg5: memref<128xf32, #tpu.memory_space<hbm>>, %arg6: memref<5120000xf32, #tpu.memory_space<hbm>>, %arg7: memref<2x40xi32, #tpu.memory_space<vmem>>, %arg8: memref<2x40xi32, #tpu.memory_space<vmem>>, %arg9: memref<2x40x128xf32, #tpu.memory_space<vmem>>, %arg10: memref<2x40x128xf32, #tpu.memory_space<vmem>>, %arg11: memref<2x640xf32, #tpu.memory_space<vmem>>, %arg12: memref<128xf32, #tpu.memory_space<vmem>>, %arg13: memref<!tpu.dma_semaphore, #tpu.memory_space<semaphore_mem>>, %arg14: memref<!tpu.dma_semaphore, #tpu.memory_space<semaphore_mem>>, %arg15: memref<!tpu.dma_semaphore, #tpu.memory_space<semaphore_mem>>, %arg16: memref<!tpu.dma_semaphore, #tpu.memory_space<semaphore_mem>>, %arg17: memref<!tpu.dma_semaphore, #tpu.memory_space<semaphore_mem>>, %arg18: memref<!tpu.dma_semaphore, #tpu.memory_space<semaphore_mem>>) attributes {dimension_semantics = [#tpu.dimension_semantics<core_parallel>, #tpu.dimension_semantics<subcore_parallel>], iteration_bounds = array<i64: 2, 16>, scalar_prefetch = 0 : i64, scratch_operands = 12 : i64, tpu.core_type = #tpu.core_type<sc_vector_subcore>, window_params = [{transform_indices = #map}, {transform_indices = #map}, {transform_indices = #map1}, {transform_indices = #map1}, {transform_indices = #map1}]} {
    %mul3A = arith.constant 2 : i32
    %mul3A_0 = arith.muli %arg1, %mul3A : i32
    %add3A = arith.addi %mul3A_0, %arg0 : i32
    %mul3A_1 = arith.constant 10000 : i32
    %mul3A_2 = arith.muli %add3A, %mul3A_1 : i32
    "tpu.region"() ({
      %run_scoped3A = tpu.sem_alloc : memref<!tpu.dma_semaphore, #tpu.memory_space<semaphore_mem>>
      tpu.enqueue_dma source(%arg5 : memref<128xf32, #tpu.memory_space<hbm>>) target(%arg12 : memref<128xf32, #tpu.memory_space<vmem>>) target_semaphore(%run_scoped3A : memref<!tpu.dma_semaphore, #tpu.memory_space<semaphore_mem>>)
      tpu.wait_dma2 semaphore(%run_scoped3A : memref<!tpu.dma_semaphore, #tpu.memory_space<semaphore_mem>>) src(%arg5 : memref<128xf32, #tpu.memory_space<hbm>>) dst(%arg12 : memref<128xf32, #tpu.memory_space<vmem>>)
      tpu.yield
    }) : () -> ()
    %get3A = arith.constant 0 : index
    %get3A_3 = tpu.vector_load %arg12[%get3A] {strides = array<i32>} : memref<128xf32, #tpu.memory_space<vmem>>, vector<16xf32>,
    %get3A_4 = vector.shape_cast %get3A_3 : vector<16xf32> to vector<16xf32>
    %get3A_5 = arith.constant 16 : index
    %get3A_6 = tpu.vector_load %arg12[%get3A_5] {strides = array<i32>} : memref<128xf32, #tpu.memory_space<vmem>>, vector<16xf32>,
    %get3A_7 = vector.shape_cast %get3A_6 : vector<16xf32> to vector<16xf32>
    %get3A_8 = arith.constant 32 : index
    %get3A_9 = tpu.vector_load %arg12[%get3A_8] {strides = array<i32>} : memref<128xf32, #tpu.memory_space<vmem>>, vector<16xf32>,
    %get3A_10 = vector.shape_cast %get3A_9 : vector<16xf32> to vector<16xf32>
    %get3A_11 = arith.constant 48 : index
    %get3A_12 = tpu.vector_load %arg12[%get3A_11] {strides = array<i32>} : memref<128xf32, #tpu.memory_space<vmem>>, vector<16xf32>,
    %get3A_13 = vector.shape_cast %get3A_12 : vector<16xf32> to vector<16xf32>
    %get3A_14 = arith.constant 64 : index
    %get3A_15 = tpu.vector_load %arg12[%get3A_14] {strides = array<i32>} : memref<128xf32, #tpu.memory_space<vmem>>, vector<16xf32>,
    %get3A_16 = vector.shape_cast %get3A_15 : vector<16xf32> to vector<16xf32>
    %get3A_17 = arith.constant 80 : index
    %get3A_18 = tpu.vector_load %arg12[%get3A_17] {strides = array<i32>} : memref<128xf32, #tpu.memory_space<vmem>>, vector<16xf32>,
    %get3A_19 = vector.shape_cast %get3A_18 : vector<16xf32> to vector<16xf32>
    %get3A_20 = arith.constant 96 : index
    %get3A_21 = tpu.vector_load %arg12[%get3A_20] {strides = array<i32>} : memref<128xf32, #tpu.memory_space<vmem>>, vector<16xf32>,
    %get3A_22 = vector.shape_cast %get3A_21 : vector<16xf32> to vector<16xf32>
    %get3A_23 = arith.constant 112 : index
    %get3A_24 = tpu.vector_load %arg12[%get3A_23] {strides = array<i32>} : memref<128xf32, #tpu.memory_space<vmem>>, vector<16xf32>,
    %get3A_25 = vector.shape_cast %get3A_24 : vector<16xf32> to vector<16xf32>
    %add3A_26 = arith.constant 0 : i32
    %add3A_27 = arith.addi %mul3A_2, %add3A_26 : i32
    %dma_start3A = arith.constant 0 : i32
    %dma_start3A_28 = arith.constant 0 : i32
    %dma_start3A_29 = tpu.memref_slice %arg7[%dma_start3A, %dma_start3A_28] : memref<2x40xi32, #tpu.memory_space<vmem>> -> memref<1x40xi32, #tpu.memory_space<vmem>>
    %dma_start3A_30 = tpu.memref_squeeze %dma_start3A_29 : memref<1x40xi32, #tpu.memory_space<vmem>> -> memref<40xi32, #tpu.memory_space<vmem>>
    %dma_start3A_31 = tpu.memref_slice %arg4[%add3A_27] : memref<640000xi32, #tpu.memory_space<hbm>> -> memref<40xi32, #tpu.memory_space<hbm>>
    %dma_start3A_32 = arith.constant 0 : i32
    %dma_start3A_33 = tpu.memref_slice %arg7[%dma_start3A, %dma_start3A_32] : memref<2x40xi32, #tpu.memory_space<vmem>> -> memref<1x40xi32, #tpu.memory_space<vmem>>
    %dma_start3A_34 = tpu.memref_squeeze %dma_start3A_33 : memref<1x40xi32, #tpu.memory_space<vmem>> -> memref<40xi32, #tpu.memory_space<vmem>>
    %dma_start3A_35 = tpu.memref_slice %arg4[%add3A_27] : memref<640000xi32, #tpu.memory_space<hbm>> -> memref<40xi32, #tpu.memory_space<hbm>>
    tpu.enqueue_dma source(%dma_start3A_35 : memref<40xi32, #tpu.memory_space<hbm>>) target(%dma_start3A_34 : memref<40xi32, #tpu.memory_space<vmem>>) target_semaphore(%arg13 : memref<!tpu.dma_semaphore, #tpu.memory_space<semaphore_mem>>)
    %add3A_36 = arith.constant 320000 : i32
    %add3A_37 = arith.addi %add3A_36, %add3A_27 : i32
    %dma_start3A_38 = arith.constant 0 : i32
    %dma_start3A_39 = arith.constant 0 : i32
    %dma_start3A_40 = tpu.memref_slice %arg8[%dma_start3A_38, %dma_start3A_39] : memref<2x40xi32, #tpu.memory_space<vmem>> -> memref<1x40xi32, #tpu.memory_space<vmem>>
    %dma_start3A_41 = tpu.memref_squeeze %dma_start3A_40 : memref<1x40xi32, #tpu.memory_space<vmem>> -> memref<40xi32, #tpu.memory_space<vmem>>
    %dma_start3A_42 = tpu.memref_slice %arg4[%add3A_37] : memref<640000xi32, #tpu.memory_space<hbm>> -> memref<40xi32, #tpu.memory_space<hbm>>
    %dma_start3A_43 = arith.constant 0 : i32
    %dma_start3A_44 = tpu.memref_slice %arg8[%dma_start3A_38, %dma_start3A_43] : memref<2x40xi32, #tpu.memory_space<vmem>> -> memref<1x40xi32, #tpu.memory_space<vmem>>
    %dma_start3A_45 = tpu.memref_squeeze %dma_start3A_44 : memref<1x40xi32, #tpu.memory_space<vmem>> -> memref<40xi32, #tpu.memory_space<vmem>>
    %dma_start3A_46 = tpu.memref_slice %arg4[%add3A_37] : memref<640000xi32, #tpu.memory_space<hbm>> -> memref<40xi32, #tpu.memory_space<hbm>>
    tpu.enqueue_dma source(%dma_start3A_46 : memref<40xi32, #tpu.memory_space<hbm>>) target(%dma_start3A_45 : memref<40xi32, #tpu.memory_space<vmem>>) target_semaphore(%arg13 : memref<!tpu.dma_semaphore, #tpu.memory_space<semaphore_mem>>)
    %add3A_47 = arith.constant 40 : i32
    %add3A_48 = arith.addi %mul3A_2, %add3A_47 : i32
    %dma_start3A_49 = arith.constant 1 : i32
    %dma_start3A_50 = arith.constant 0 : i32
    %dma_start3A_51 = tpu.memref_slice %arg7[%dma_start3A_49, %dma_start3A_50] : memref<2x40xi32, #tpu.memory_space<vmem>> -> memref<1x40xi32, #tpu.memory_space<vmem>>
    %dma_start3A_52 = tpu.memref_squeeze %dma_start3A_51 : memref<1x40xi32, #tpu.memory_space<vmem>> -> memref<40xi32, #tpu.memory_space<vmem>>
    %dma_start3A_53 = tpu.memref_slice %arg4[%add3A_48] : memref<640000xi32, #tpu.memory_space<hbm>> -> memref<40xi32, #tpu.memory_space<hbm>>
    %dma_start3A_54 = arith.constant 0 : i32
    %dma_start3A_55 = tpu.memref_slice %arg7[%dma_start3A_49, %dma_start3A_54] : memref<2x40xi32, #tpu.memory_space<vmem>> -> memref<1x40xi32, #tpu.memory_space<vmem>>
    %dma_start3A_56 = tpu.memref_squeeze %dma_start3A_55 : memref<1x40xi32, #tpu.memory_space<vmem>> -> memref<40xi32, #tpu.memory_space<vmem>>
    %dma_start3A_57 = tpu.memref_slice %arg4[%add3A_48] : memref<640000xi32, #tpu.memory_space<hbm>> -> memref<40xi32, #tpu.memory_space<hbm>>
    tpu.enqueue_dma source(%dma_start3A_57 : memref<40xi32, #tpu.memory_space<hbm>>) target(%dma_start3A_56 : memref<40xi32, #tpu.memory_space<vmem>>) target_semaphore(%arg14 : memref<!tpu.dma_semaphore, #tpu.memory_space<semaphore_mem>>)
    %add3A_58 = arith.constant 320000 : i32
    %add3A_59 = arith.addi %add3A_58, %add3A_48 : i32
    %dma_start3A_60 = arith.constant 1 : i32
    %dma_start3A_61 = arith.constant 0 : i32
    %dma_start3A_62 = tpu.memref_slice %arg8[%dma_start3A_60, %dma_start3A_61] : memref<2x40xi32, #tpu.memory_space<vmem>> -> memref<1x40xi32, #tpu.memory_space<vmem>>
    %dma_start3A_63 = tpu.memref_squeeze %dma_start3A_62 : memref<1x40xi32, #tpu.memory_space<vmem>> -> memref<40xi32, #tpu.memory_space<vmem>>
    %dma_start3A_64 = tpu.memref_slice %arg4[%add3A_59] : memref<640000xi32, #tpu.memory_space<hbm>> -> memref<40xi32, #tpu.memory_space<hbm>>
    %dma_start3A_65 = arith.constant 0 : i32
    %dma_start3A_66 = tpu.memref_slice %arg8[%dma_start3A_60, %dma_start3A_65] : memref<2x40xi32, #tpu.memory_space<vmem>> -> memref<1x40xi32, #tpu.memory_space<vmem>>
    %dma_start3A_67 = tpu.memref_squeeze %dma_start3A_66 : memref<1x40xi32, #tpu.memory_space<vmem>> -> memref<40xi32, #tpu.memory_space<vmem>>
    %dma_start3A_68 = tpu.memref_slice %arg4[%add3A_59] : memref<640000xi32, #tpu.memory_space<hbm>> -> memref<40xi32, #tpu.memory_space<hbm>>
    tpu.enqueue_dma source(%dma_start3A_68 : memref<40xi32, #tpu.memory_space<hbm>>) target(%dma_start3A_67 : memref<40xi32, #tpu.memory_space<vmem>>) target_semaphore(%arg14 : memref<!tpu.dma_semaphore, #tpu.memory_space<semaphore_mem>>)
    %dma_wait3A = arith.constant 0 : i32
    %dma_wait3A_69 = arith.constant 0 : i32
    %dma_wait3A_70 = tpu.memref_slice %arg7[%dma_wait3A, %dma_wait3A_69] : memref<2x40xi32, #tpu.memory_space<vmem>> -> memref<1x40xi32, #tpu.memory_space<vmem>>
    %dma_wait3A_71 = tpu.memref_squeeze %dma_wait3A_70 : memref<1x40xi32, #tpu.memory_space<vmem>> -> memref<40xi32, #tpu.memory_space<vmem>>
    %dma_wait3A_72 = arith.constant 0 : i32
    %dma_wait3A_73 = tpu.memref_slice %arg4[%dma_wait3A_72] : memref<640000xi32, #tpu.memory_space<hbm>> -> memref<40xi32, #tpu.memory_space<hbm>>
    %dma_wait3A_74 = arith.constant 0 : i32
    %dma_wait3A_75 = tpu.memref_slice %arg7[%dma_wait3A, %dma_wait3A_74] : memref<2x40xi32, #tpu.memory_space<vmem>> -> memref<1x40xi32, #tpu.memory_space<vmem>>
    %dma_wait3A_76 = tpu.memref_squeeze %dma_wait3A_75 : memref<1x40xi32, #tpu.memory_space<vmem>> -> memref<40xi32, #tpu.memory_space<vmem>>
    %dma_wait3A_77 = arith.constant 0 : i32
    %dma_wait3A_78 = tpu.memref_slice %arg4[%dma_wait3A_77] : memref<640000xi32, #tpu.memory_space<hbm>> -> memref<40xi32, #tpu.memory_space<hbm>>
    tpu.wait_dma2 semaphore(%arg13 : memref<!tpu.dma_semaphore, #tpu.memory_space<semaphore_mem>>) src(%dma_wait3A_78 : memref<40xi32, #tpu.memory_space<hbm>>) dst(%dma_wait3A_76 : memref<40xi32, #tpu.memory_space<vmem>>)
    %dma_wait3A_79 = arith.constant 0 : i32
    %dma_wait3A_80 = arith.constant 0 : i32
    %dma_wait3A_81 = tpu.memref_slice %arg8[%dma_wait3A_79, %dma_wait3A_80] : memref<2x40xi32, #tpu.memory_space<vmem>> -> memref<1x40xi32, #tpu.memory_space<vmem>>
    %dma_wait3A_82 = tpu.memref_squeeze %dma_wait3A_81 : memref<1x40xi32, #tpu.memory_space<vmem>> -> memref<40xi32, #tpu.memory_space<vmem>>
    %dma_wait3A_83 = arith.constant 0 : i32
    %dma_wait3A_84 = tpu.memref_slice %arg4[%dma_wait3A_83] : memref<640000xi32, #tpu.memory_space<hbm>> -> memref<40xi32, #tpu.memory_space<hbm>>
    %dma_wait3A_85 = arith.constant 0 : i32
    %dma_wait3A_86 = tpu.memref_slice %arg8[%dma_wait3A_79, %dma_wait3A_85] : memref<2x40xi32, #tpu.memory_space<vmem>> -> memref<1x40xi32, #tpu.memory_space<vmem>>
    %dma_wait3A_87 = tpu.memref_squeeze %dma_wait3A_86 : memref<1x40xi32, #tpu.memory_space<vmem>> -> memref<40xi32, #tpu.memory_space<vmem>>
    %dma_wait3A_88 = arith.constant 0 : i32
    %dma_wait3A_89 = tpu.memref_slice %arg4[%dma_wait3A_88] : memref<640000xi32, #tpu.memory_space<hbm>> -> memref<40xi32, #tpu.memory_space<hbm>>
    tpu.wait_dma2 semaphore(%arg13 : memref<!tpu.dma_semaphore, #tpu.memory_space<semaphore_mem>>) src(%dma_wait3A_89 : memref<40xi32, #tpu.memory_space<hbm>>) dst(%dma_wait3A_87 : memref<40xi32, #tpu.memory_space<vmem>>)
    %dma_start3A_90 = arith.constant 0 : i32
    %dma_start3A_91 = arith.constant 0 : i32
    %dma_start3A_92 = arith.constant 0 : i32
    %dma_start3A_93 = arith.constant 0 : i32
    %dma_start3A_94 = tpu.memref_slice %arg9[%dma_start3A_91, %dma_start3A_92, %dma_start3A_93] : memref<2x40x128xf32, #tpu.memory_space<vmem>> -> memref<1x40x128xf32, #tpu.memory_space<vmem>>
    %dma_start3A_95 = tpu.memref_squeeze %dma_start3A_94 : memref<1x40x128xf32, #tpu.memory_space<vmem>> -> memref<40x128xf32, #tpu.memory_space<vmem>>
    %dma_start3A_96 = arith.constant 0 : i32
    %dma_start3A_97 = tpu.memref_slice %arg7[%dma_start3A_90, %dma_start3A_96] : memref<2x40xi32, #tpu.memory_space<vmem>> -> memref<1x40xi32, #tpu.memory_space<vmem>>
    %dma_start3A_98 = tpu.memref_squeeze %dma_start3A_97 : memref<1x40xi32, #tpu.memory_space<vmem>> -> memref<40xi32, #tpu.memory_space<vmem>>
    %dma_start3A_99 = arith.constant 0 : i32
    %dma_start3A_100 = arith.constant 0 : i32
    %dma_start3A_101 = tpu.memref_slice %arg2[%dma_start3A_99, %dma_start3A_100] : memref<10000x128xf32, #tpu.memory_space<hbm>> -> memref<10000x128xf32, #tpu.memory_space<hbm>>
    tpu.enqueue_indirect_dma source(%dma_start3A_101 : memref<10000x128xf32, #tpu.memory_space<hbm>>) target(%dma_start3A_95 : memref<40x128xf32, #tpu.memory_space<vmem>>) offsets(%dma_start3A_98 : memref<40xi32, #tpu.memory_space<vmem>>) semaphore(%arg15 : memref<!tpu.dma_semaphore, #tpu.memory_space<semaphore_mem>>)
    %dma_start3A_102 = arith.constant 0 : i32
    %dma_start3A_103 = arith.constant 0 : i32
    %dma_start3A_104 = arith.constant 0 : i32
    %dma_start3A_105 = arith.constant 0 : i32
    %dma_start3A_106 = tpu.memref_slice %arg10[%dma_start3A_103, %dma_start3A_104, %dma_start3A_105] : memref<2x40x128xf32, #tpu.memory_space<vmem>> -> memref<1x40x128xf32, #tpu.memory_space<vmem>>
    %dma_start3A_107 = tpu.memref_squeeze %dma_start3A_106 : memref<1x40x128xf32, #tpu.memory_space<vmem>> -> memref<40x128xf32, #tpu.memory_space<vmem>>
    %dma_start3A_108 = arith.constant 0 : i32
    %dma_start3A_109 = tpu.memref_slice %arg8[%dma_start3A_102, %dma_start3A_108] : memref<2x40xi32, #tpu.memory_space<vmem>> -> memref<1x40xi32, #tpu.memory_space<vmem>>
    %dma_start3A_110 = tpu.memref_squeeze %dma_start3A_109 : memref<1x40xi32, #tpu.memory_space<vmem>> -> memref<40xi32, #tpu.memory_space<vmem>>
    %dma_start3A_111 = arith.constant 0 : i32
    %dma_start3A_112 = arith.constant 0 : i32
    %dma_start3A_113 = tpu.memref_slice %arg3[%dma_start3A_111, %dma_start3A_112] : memref<10000x128xf32, #tpu.memory_space<hbm>> -> memref<10000x128xf32, #tpu.memory_space<hbm>>
    tpu.enqueue_indirect_dma source(%dma_start3A_113 : memref<10000x128xf32, #tpu.memory_space<hbm>>) target(%dma_start3A_107 : memref<40x128xf32, #tpu.memory_space<vmem>>) offsets(%dma_start3A_110 : memref<40xi32, #tpu.memory_space<vmem>>) semaphore(%arg15 : memref<!tpu.dma_semaphore, #tpu.memory_space<semaphore_mem>>)
    %scan3A = arith.constant 0 : i32
    %scan3A_114 = arith.constant 0 : i32
    %scan3A_115 = arith.constant 125 : i32
    %scan3A_116 = arith.addi %scan3A_114, %scan3A_115 : i32
    %scan3A_117 = arith.constant 1 : i32
    scf.for %scan3A_141 = %scan3A_114 to %scan3A_116 step %scan3A_117  : i32 {
      %mul3A_142 = arith.constant 2 : i32
      %mul3A_143 = arith.muli %mul3A_142, %scan3A_141 : i32
      %add3A_144 = arith.constant 0 : i32
      %add3A_145 = arith.addi %mul3A_143, %add3A_144 : i32
      %dma_wait3A_146 = arith.constant 0 : i32
      %dma_wait3A_147 = arith.constant 0 : i32
      %dma_wait3A_148 = arith.constant 0 : i32
      %dma_wait3A_149 = arith.constant 0 : i32
      %dma_wait3A_150 = tpu.memref_slice %arg9[%dma_wait3A_147, %dma_wait3A_148, %dma_wait3A_149] : memref<2x40x128xf32, #tpu.memory_space<vmem>> -> memref<1x40x128xf32, #tpu.memory_space<vmem>>
      %dma_wait3A_151 = tpu.memref_squeeze %dma_wait3A_150 : memref<1x40x128xf32, #tpu.memory_space<vmem>> -> memref<40x128xf32, #tpu.memory_space<vmem>>
      %dma_wait3A_152 = arith.constant 0 : i32
      %dma_wait3A_153 = tpu.memref_slice %arg7[%dma_wait3A_146, %dma_wait3A_152] : memref<2x40xi32, #tpu.memory_space<vmem>> -> memref<1x40xi32, #tpu.memory_space<vmem>>
      %dma_wait3A_154 = tpu.memref_squeeze %dma_wait3A_153 : memref<1x40xi32, #tpu.memory_space<vmem>> -> memref<40xi32, #tpu.memory_space<vmem>>
      %dma_wait3A_155 = arith.constant 0 : i32
      %dma_wait3A_156 = arith.constant 0 : i32
      %dma_wait3A_157 = tpu.memref_slice %arg2[%dma_wait3A_155, %dma_wait3A_156] : memref<10000x128xf32, #tpu.memory_space<hbm>> -> memref<10000x128xf32, #tpu.memory_space<hbm>>
      tpu.wait_indirect_dma semaphore(%arg15 : memref<!tpu.dma_semaphore, #tpu.memory_space<semaphore_mem>>) src(%dma_wait3A_157 : memref<10000x128xf32, #tpu.memory_space<hbm>>) dst(%dma_wait3A_151 : memref<40x128xf32, #tpu.memory_space<vmem>>)
      %dma_wait3A_158 = arith.constant 0 : i32
      %dma_wait3A_159 = arith.constant 0 : i32
      %dma_wait3A_160 = arith.constant 0 : i32
      %dma_wait3A_161 = arith.constant 0 : i32
      %dma_wait3A_162 = tpu.memref_slice %arg10[%dma_wait3A_159, %dma_wait3A_160, %dma_wait3A_161] : memref<2x40x128xf32, #tpu.memory_space<vmem>> -> memref<1x40x128xf32, #tpu.memory_space<vmem>>
      %dma_wait3A_163 = tpu.memref_squeeze %dma_wait3A_162 : memref<1x40x128xf32, #tpu.memory_space<vmem>> -> memref<40x128xf32, #tpu.memory_space<vmem>>
      %dma_wait3A_164 = arith.constant 0 : i32
      %dma_wait3A_165 = tpu.memref_slice %arg8[%dma_wait3A_158, %dma_wait3A_164] : memref<2x40xi32, #tpu.memory_space<vmem>> -> memref<1x40xi32, #tpu.memory_space<vmem>>
      %dma_wait3A_166 = tpu.memref_squeeze %dma_wait3A_165 : memref<1x40xi32, #tpu.memory_space<vmem>> -> memref<40xi32, #tpu.memory_space<vmem>>
      %dma_wait3A_167 = arith.constant 0 : i32
      %dma_wait3A_168 = arith.constant 0 : i32
      %dma_wait3A_169 = tpu.memref_slice %arg3[%dma_wait3A_167, %dma_wait3A_168] : memref<10000x128xf32, #tpu.memory_space<hbm>> -> memref<10000x128xf32, #tpu.memory_space<hbm>>
      tpu.wait_indirect_dma semaphore(%arg15 : memref<!tpu.dma_semaphore, #tpu.memory_space<semaphore_mem>>) src(%dma_wait3A_169 : memref<10000x128xf32, #tpu.memory_space<hbm>>) dst(%dma_wait3A_163 : memref<40x128xf32, #tpu.memory_space<vmem>>)
      %add3A_170 = arith.constant 2 : i32
      %add3A_171 = arith.addi %add3A_145, %add3A_170 : i32
      %lt3A = arith.constant 250 : i32
      %lt3A_172 = arith.cmpi slt, %add3A_171, %lt3A : i32
      %convert_element_type3A = arith.extui %lt3A_172 : i1 to i32
      %cond3A = arith.constant 0 : i32
      %cond3A_173 = arith.cmpi ne, %convert_element_type3A, %cond3A : i32
      scf.if %cond3A_173 {
        %add3A_275 = arith.constant 2 : i32
        %add3A_276 = arith.addi %add3A_145, %add3A_275 : i32
        %mul3A_277 = arith.constant 40 : i32
        %mul3A_278 = arith.muli %add3A_276, %mul3A_277 : i32
        %add3A_279 = arith.addi %mul3A_2, %mul3A_278 : i32
        %dma_start3A_280 = arith.constant 0 : i32
        %dma_start3A_281 = arith.constant 0 : i32
        %dma_start3A_282 = tpu.memref_slice %arg7[%dma_start3A_280, %dma_start3A_281] : memref<2x40xi32, #tpu.memory_space<vmem>> -> memref<1x40xi32, #tpu.memory_space<vmem>>
        %dma_start3A_283 = tpu.memref_squeeze %dma_start3A_282 : memref<1x40xi32, #tpu.memory_space<vmem>> -> memref<40xi32, #tpu.memory_space<vmem>>
        %dma_start3A_284 = tpu.memref_slice %arg4[%add3A_279] : memref<640000xi32, #tpu.memory_space<hbm>> -> memref<40xi32, #tpu.memory_space<hbm>>
        %dma_start3A_285 = arith.constant 0 : i32
        %dma_start3A_286 = tpu.memref_slice %arg7[%dma_start3A_280, %dma_start3A_285] : memref<2x40xi32, #tpu.memory_space<vmem>> -> memref<1x40xi32, #tpu.memory_space<vmem>>
        %dma_start3A_287 = tpu.memref_squeeze %dma_start3A_286 : memref<1x40xi32, #tpu.memory_space<vmem>> -> memref<40xi32, #tpu.memory_space<vmem>>
        %dma_start3A_288 = tpu.memref_slice %arg4[%add3A_279] : memref<640000xi32, #tpu.memory_space<hbm>> -> memref<40xi32, #tpu.memory_space<hbm>>
        tpu.enqueue_dma source(%dma_start3A_288 : memref<40xi32, #tpu.memory_space<hbm>>) target(%dma_start3A_287 : memref<40xi32, #tpu.memory_space<vmem>>) target_semaphore(%arg13 : memref<!tpu.dma_semaphore, #tpu.memory_space<semaphore_mem>>)
        %add3A_289 = arith.constant 320000 : i32
        %add3A_290 = arith.addi %add3A_289, %add3A_279 : i32
        %dma_start3A_291 = arith.constant 0 : i32
        %dma_start3A_292 = arith.constant 0 : i32
        %dma_start3A_293 = tpu.memref_slice %arg8[%dma_start3A_291, %dma_start3A_292] : memref<2x40xi32, #tpu.memory_space<vmem>> -> memref<1x40xi32, #tpu.memory_space<vmem>>
        %dma_start3A_294 = tpu.memref_squeeze %dma_start3A_293 : memref<1x40xi32, #tpu.memory_space<vmem>> -> memref<40xi32, #tpu.memory_space<vmem>>
        %dma_start3A_295 = tpu.memref_slice %arg4[%add3A_290] : memref<640000xi32, #tpu.memory_space<hbm>> -> memref<40xi32, #tpu.memory_space<hbm>>
        %dma_start3A_296 = arith.constant 0 : i32
        %dma_start3A_297 = tpu.memref_slice %arg8[%dma_start3A_291, %dma_start3A_296] : memref<2x40xi32, #tpu.memory_space<vmem>> -> memref<1x40xi32, #tpu.memory_space<vmem>>
        %dma_start3A_298 = tpu.memref_squeeze %dma_start3A_297 : memref<1x40xi32, #tpu.memory_space<vmem>> -> memref<40xi32, #tpu.memory_space<vmem>>
        %dma_start3A_299 = tpu.memref_slice %arg4[%add3A_290] : memref<640000xi32, #tpu.memory_space<hbm>> -> memref<40xi32, #tpu.memory_space<hbm>>
        tpu.enqueue_dma source(%dma_start3A_299 : memref<40xi32, #tpu.memory_space<hbm>>) target(%dma_start3A_298 : memref<40xi32, #tpu.memory_space<vmem>>) target_semaphore(%arg13 : memref<!tpu.dma_semaphore, #tpu.memory_space<semaphore_mem>>)
      } else {
      }
      %add3A_174 = arith.constant 2 : i32
      %add3A_175 = arith.addi %add3A_145, %add3A_174 : i32
      %sub3A = arith.constant 1 : i32
      %sub3A_176 = arith.subi %add3A_175, %sub3A : i32
      %lt3A_177 = arith.constant 250 : i32
      %lt3A_178 = arith.cmpi slt, %sub3A_176, %lt3A_177 : i32
      %convert_element_type3A_179 = arith.extui %lt3A_178 : i1 to i32
      %cond3A_180 = arith.constant 0 : i32
      %cond3A_181 = arith.cmpi ne, %convert_element_type3A_179, %cond3A_180 : i32
      scf.if %cond3A_181 {
        %dma_wait3A_275 = arith.constant 1 : i32
        %dma_wait3A_276 = arith.constant 0 : i32
        %dma_wait3A_277 = tpu.memref_slice %arg7[%dma_wait3A_275, %dma_wait3A_276] : memref<2x40xi32, #tpu.memory_space<vmem>> -> memref<1x40xi32, #tpu.memory_space<vmem>>
        %dma_wait3A_278 = tpu.memref_squeeze %dma_wait3A_277 : memref<1x40xi32, #tpu.memory_space<vmem>> -> memref<40xi32, #tpu.memory_space<vmem>>
        %dma_wait3A_279 = arith.constant 0 : i32
        %dma_wait3A_280 = tpu.memref_slice %arg4[%dma_wait3A_279] : memref<640000xi32, #tpu.memory_space<hbm>> -> memref<40xi32, #tpu.memory_space<hbm>>
        %dma_wait3A_281 = arith.constant 0 : i32
        %dma_wait3A_282 = tpu.memref_slice %arg7[%dma_wait3A_275, %dma_wait3A_281] : memref<2x40xi32, #tpu.memory_space<vmem>> -> memref<1x40xi32, #tpu.memory_space<vmem>>
        %dma_wait3A_283 = tpu.memref_squeeze %dma_wait3A_282 : memref<1x40xi32, #tpu.memory_space<vmem>> -> memref<40xi32, #tpu.memory_space<vmem>>
        %dma_wait3A_284 = arith.constant 0 : i32
        %dma_wait3A_285 = tpu.memref_slice %arg4[%dma_wait3A_284] : memref<640000xi32, #tpu.memory_space<hbm>> -> memref<40xi32, #tpu.memory_space<hbm>>
        tpu.wait_dma2 semaphore(%arg14 : memref<!tpu.dma_semaphore, #tpu.memory_space<semaphore_mem>>) src(%dma_wait3A_285 : memref<40xi32, #tpu.memory_space<hbm>>) dst(%dma_wait3A_283 : memref<40xi32, #tpu.memory_space<vmem>>)
        %dma_wait3A_286 = arith.constant 1 : i32
        %dma_wait3A_287 = arith.constant 0 : i32
        %dma_wait3A_288 = tpu.memref_slice %arg8[%dma_wait3A_286, %dma_wait3A_287] : memref<2x40xi32, #tpu.memory_space<vmem>> -> memref<1x40xi32, #tpu.memory_space<vmem>>
        %dma_wait3A_289 = tpu.memref_squeeze %dma_wait3A_288 : memref<1x40xi32, #tpu.memory_space<vmem>> -> memref<40xi32, #tpu.memory_space<vmem>>
        %dma_wait3A_290 = arith.constant 0 : i32
        %dma_wait3A_291 = tpu.memref_slice %arg4[%dma_wait3A_290] : memref<640000xi32, #tpu.memory_space<hbm>> -> memref<40xi32, #tpu.memory_space<hbm>>
        %dma_wait3A_292 = arith.constant 0 : i32
        %dma_wait3A_293 = tpu.memref_slice %arg8[%dma_wait3A_286, %dma_wait3A_292] : memref<2x40xi32, #tpu.memory_space<vmem>> -> memref<1x40xi32, #tpu.memory_space<vmem>>
        %dma_wait3A_294 = tpu.memref_squeeze %dma_wait3A_293 : memref<1x40xi32, #tpu.memory_space<vmem>> -> memref<40xi32, #tpu.memory_space<vmem>>
        %dma_wait3A_295 = arith.constant 0 : i32
        %dma_wait3A_296 = tpu.memref_slice %arg4[%dma_wait3A_295] : memref<640000xi32, #tpu.memory_space<hbm>> -> memref<40xi32, #tpu.memory_space<hbm>>
        tpu.wait_dma2 semaphore(%arg14 : memref<!tpu.dma_semaphore, #tpu.memory_space<semaphore_mem>>) src(%dma_wait3A_296 : memref<40xi32, #tpu.memory_space<hbm>>) dst(%dma_wait3A_294 : memref<40xi32, #tpu.memory_space<vmem>>)
        %dma_start3A_297 = arith.constant 1 : i32
        %dma_start3A_298 = arith.constant 1 : i32
        %dma_start3A_299 = arith.constant 0 : i32
        %dma_start3A_300 = arith.constant 0 : i32
        %dma_start3A_301 = tpu.memref_slice %arg9[%dma_start3A_298, %dma_start3A_299, %dma_start3A_300] : memref<2x40x128xf32, #tpu.memory_space<vmem>> -> memref<1x40x128xf32, #tpu.memory_space<vmem>>
        %dma_start3A_302 = tpu.memref_squeeze %dma_start3A_301 : memref<1x40x128xf32, #tpu.memory_space<vmem>> -> memref<40x128xf32, #tpu.memory_space<vmem>>
        %dma_start3A_303 = arith.constant 0 : i32
        %dma_start3A_304 = tpu.memref_slice %arg7[%dma_start3A_297, %dma_start3A_303] : memref<2x40xi32, #tpu.memory_space<vmem>> -> memref<1x40xi32, #tpu.memory_space<vmem>>
        %dma_start3A_305 = tpu.memref_squeeze %dma_start3A_304 : memref<1x40xi32, #tpu.memory_space<vmem>> -> memref<40xi32, #tpu.memory_space<vmem>>
        %dma_start3A_306 = arith.constant 0 : i32
        %dma_start3A_307 = arith.constant 0 : i32
        %dma_start3A_308 = tpu.memref_slice %arg2[%dma_start3A_306, %dma_start3A_307] : memref<10000x128xf32, #tpu.memory_space<hbm>> -> memref<10000x128xf32, #tpu.memory_space<hbm>>
        tpu.enqueue_indirect_dma source(%dma_start3A_308 : memref<10000x128xf32, #tpu.memory_space<hbm>>) target(%dma_start3A_302 : memref<40x128xf32, #tpu.memory_space<vmem>>) offsets(%dma_start3A_305 : memref<40xi32, #tpu.memory_space<vmem>>) semaphore(%arg16 : memref<!tpu.dma_semaphore, #tpu.memory_space<semaphore_mem>>)
        %dma_start3A_309 = arith.constant 1 : i32
        %dma_start3A_310 = arith.constant 1 : i32
        %dma_start3A_311 = arith.constant 0 : i32
        %dma_start3A_312 = arith.constant 0 : i32
        %dma_start3A_313 = tpu.memref_slice %arg10[%dma_start3A_310, %dma_start3A_311, %dma_start3A_312] : memref<2x40x128xf32, #tpu.memory_space<vmem>> -> memref<1x40x128xf32, #tpu.memory_space<vmem>>
        %dma_start3A_314 = tpu.memref_squeeze %dma_start3A_313 : memref<1x40x128xf32, #tpu.memory_space<vmem>> -> memref<40x128xf32, #tpu.memory_space<vmem>>
        %dma_start3A_315 = arith.constant 0 : i32
        %dma_start3A_316 = tpu.memref_slice %arg8[%dma_start3A_309, %dma_start3A_315] : memref<2x40xi32, #tpu.memory_space<vmem>> -> memref<1x40xi32, #tpu.memory_space<vmem>>
        %dma_start3A_317 = tpu.memref_squeeze %dma_start3A_316 : memref<1x40xi32, #tpu.memory_space<vmem>> -> memref<40xi32, #tpu.memory_space<vmem>>
        %dma_start3A_318 = arith.constant 0 : i32
        %dma_start3A_319 = arith.constant 0 : i32
        %dma_start3A_320 = tpu.memref_slice %arg3[%dma_start3A_318, %dma_start3A_319] : memref<10000x128xf32, #tpu.memory_space<hbm>> -> memref<10000x128xf32, #tpu.memory_space<hbm>>
        tpu.enqueue_indirect_dma source(%dma_start3A_320 : memref<10000x128xf32, #tpu.memory_space<hbm>>) target(%dma_start3A_314 : memref<40x128xf32, #tpu.memory_space<vmem>>) offsets(%dma_start3A_317 : memref<40xi32, #tpu.memory_space<vmem>>) semaphore(%arg16 : memref<!tpu.dma_semaphore, #tpu.memory_space<semaphore_mem>>)
      } else {
      }
      %ge3A = arith.constant 2 : i32
      %ge3A_182 = arith.cmpi sge, %add3A_145, %ge3A : i32
      %convert_element_type3A_183 = arith.extui %ge3A_182 : i1 to i32
      %cond3A_184 = arith.constant 0 : i32
      %cond3A_185 = arith.cmpi ne, %convert_element_type3A_183, %cond3A_184 : i32
      scf.if %cond3A_185 {
        %dma_wait3A_275 = arith.constant 0 : i32
        %dma_wait3A_276 = arith.constant 0 : i32
        %dma_wait3A_277 = tpu.memref_slice %arg11[%dma_wait3A_275, %dma_wait3A_276] : memref<2x640xf32, #tpu.memory_space<vmem>> -> memref<1x640xf32, #tpu.memory_space<vmem>>
        %dma_wait3A_278 = tpu.memref_squeeze %dma_wait3A_277 : memref<1x640xf32, #tpu.memory_space<vmem>> -> memref<640xf32, #tpu.memory_space<vmem>>
        %dma_wait3A_279 = arith.constant 0 : i32
        %dma_wait3A_280 = tpu.memref_slice %arg6[%dma_wait3A_279] : memref<5120000xf32, #tpu.memory_space<hbm>> -> memref<640xf32, #tpu.memory_space<hbm>>
        %dma_wait3A_281 = arith.constant 0 : i32
        %dma_wait3A_282 = tpu.memref_slice %arg6[%dma_wait3A_281] : memref<5120000xf32, #tpu.memory_space<hbm>> -> memref<640xf32, #tpu.memory_space<hbm>>
        %dma_wait3A_283 = arith.constant 0 : i32
        %dma_wait3A_284 = tpu.memref_slice %arg11[%dma_wait3A_275, %dma_wait3A_283] : memref<2x640xf32, #tpu.memory_space<vmem>> -> memref<1x640xf32, #tpu.memory_space<vmem>>
        %dma_wait3A_285 = tpu.memref_squeeze %dma_wait3A_284 : memref<1x640xf32, #tpu.memory_space<vmem>> -> memref<640xf32, #tpu.memory_space<vmem>>
        tpu.wait_dma2 semaphore(%arg17 : memref<!tpu.dma_semaphore, #tpu.memory_space<semaphore_mem>>) src(%dma_wait3A_285 : memref<640xf32, #tpu.memory_space<vmem>>) dst(%dma_wait3A_282 : memref<640xf32, #tpu.memory_space<hbm>>)
      } else {
      }
      %scan3A_186 = arith.constant 0 : i32
      %scan3A_187 = arith.constant 0 : i32
      %scan3A_188 = arith.constant 40 : i32
      %scan3A_189 = arith.addi %scan3A_187, %scan3A_188 : i32
      %scan3A_190 = arith.constant 4 : i32
      scf.for %scan3A_275 = %scan3A_187 to %scan3A_189 step %scan3A_190  : i32 {
        %broadcast_in_dim3A = arith.constant 0.000000e+00 : f32
        %broadcast_in_dim3A_276 = vector.broadcast %broadcast_in_dim3A : f32 to vector<16xf32>
        %broadcast_in_dim3A_277 = arith.constant 0.000000e+00 : f32
        %broadcast_in_dim3A_278 = vector.broadcast %broadcast_in_dim3A_277 : f32 to vector<16xf32>
        %get3A_279 = arith.constant 0 : i32
        %get3A_280 = arith.index_cast %get3A_279 : i32 to index
        %get3A_281 = arith.index_cast %scan3A_275 : i32 to index
        %get3A_282 = arith.constant 0 : index
        %get3A_283 = tpu.vector_load %arg9[%get3A_280, %get3A_281, %get3A_282] {strides = array<i32>} : memref<2x40x128xf32, #tpu.memory_space<vmem>>, vector<1x1x16xf32>,
        %get3A_284 = vector.shape_cast %get3A_283 : vector<1x1x16xf32> to vector<16xf32>
        %get3A_285 = arith.constant 0 : i32
        %get3A_286 = arith.index_cast %get3A_285 : i32 to index
        %get3A_287 = arith.index_cast %scan3A_275 : i32 to index
        %get3A_288 = arith.constant 0 : index
        %get3A_289 = tpu.vector_load %arg10[%get3A_286, %get3A_287, %get3A_288] {strides = array<i32>} : memref<2x40x128xf32, #tpu.memory_space<vmem>>, vector<1x1x16xf32>,
        %get3A_290 = vector.shape_cast %get3A_289 : vector<1x1x16xf32> to vector<16xf32>
        %add3A_291 = arith.addf %get3A_284, %get3A_290 : vector<16xf32>
        %max3A = arith.constant 0.000000e+00 : f32
        %max3A_292 = vector.broadcast %max3A : f32 to vector<16xf32>
        %max3A_293 = arith.maximumf %add3A_291, %max3A_292 : vector<16xf32>
        %mul3A_294 = arith.mulf %max3A_293, %get3A_4 : vector<16xf32>
        %add3A_295 = arith.addf %broadcast_in_dim3A_276, %mul3A_294 : vector<16xf32>
        %get3A_296 = arith.constant 0 : i32
        %get3A_297 = arith.index_cast %get3A_296 : i32 to index
        %get3A_298 = arith.index_cast %scan3A_275 : i32 to index
        %get3A_299 = arith.constant 16 : index
        %get3A_300 = tpu.vector_load %arg9[%get3A_297, %get3A_298, %get3A_299] {strides = array<i32>} : memref<2x40x128xf32, #tpu.memory_space<vmem>>, vector<1x1x16xf32>,
        %get3A_301 = vector.shape_cast %get3A_300 : vector<1x1x16xf32> to vector<16xf32>
        %get3A_302 = arith.constant 0 : i32
        %get3A_303 = arith.index_cast %get3A_302 : i32 to index
        %get3A_304 = arith.index_cast %scan3A_275 : i32 to index
        %get3A_305 = arith.constant 16 : index
        %get3A_306 = tpu.vector_load %arg10[%get3A_303, %get3A_304, %get3A_305] {strides = array<i32>} : memref<2x40x128xf32, #tpu.memory_space<vmem>>, vector<1x1x16xf32>,
        %get3A_307 = vector.shape_cast %get3A_306 : vector<1x1x16xf32> to vector<16xf32>
        %add3A_308 = arith.addf %get3A_301, %get3A_307 : vector<16xf32>
        %max3A_309 = arith.constant 0.000000e+00 : f32
        %max3A_310 = vector.broadcast %max3A_309 : f32 to vector<16xf32>
        %max3A_311 = arith.maximumf %add3A_308, %max3A_310 : vector<16xf32>
        %mul3A_312 = arith.mulf %max3A_311, %get3A_7 : vector<16xf32>
        %add3A_313 = arith.addf %broadcast_in_dim3A_278, %mul3A_312 : vector<16xf32>
        %get3A_314 = arith.constant 0 : i32
        %get3A_315 = arith.index_cast %get3A_314 : i32 to index
        %get3A_316 = arith.index_cast %scan3A_275 : i32 to index
        %get3A_317 = arith.constant 32 : index
        %get3A_318 = tpu.vector_load %arg9[%get3A_315, %get3A_316, %get3A_317] {strides = array<i32>} : memref<2x40x128xf32, #tpu.memory_space<vmem>>, vector<1x1x16xf32>,
        %get3A_319 = vector.shape_cast %get3A_318 : vector<1x1x16xf32> to vector<16xf32>
        %get3A_320 = arith.constant 0 : i32
        %get3A_321 = arith.index_cast %get3A_320 : i32 to index
        %get3A_322 = arith.index_cast %scan3A_275 : i32 to index
        %get3A_323 = arith.constant 32 : index
        %get3A_324 = tpu.vector_load %arg10[%get3A_321, %get3A_322, %get3A_323] {strides = array<i32>} : memref<2x40x128xf32, #tpu.memory_space<vmem>>, vector<1x1x16xf32>,
        %get3A_325 = vector.shape_cast %get3A_324 : vector<1x1x16xf32> to vector<16xf32>
        %add3A_326 = arith.addf %get3A_319, %get3A_325 : vector<16xf32>
        %max3A_327 = arith.constant 0.000000e+00 : f32
        %max3A_328 = vector.broadcast %max3A_327 : f32 to vector<16xf32>
        %max3A_329 = arith.maximumf %add3A_326, %max3A_328 : vector<16xf32>
        %mul3A_330 = arith.mulf %max3A_329, %get3A_10 : vector<16xf32>
        %add3A_331 = arith.addf %add3A_295, %mul3A_330 : vector<16xf32>
        %get3A_332 = arith.constant 0 : i32
        %get3A_333 = arith.index_cast %get3A_332 : i32 to index
        %get3A_334 = arith.index_cast %scan3A_275 : i32 to index
        %get3A_335 = arith.constant 48 : index
        %get3A_336 = tpu.vector_load %arg9[%get3A_333, %get3A_334, %get3A_335] {strides = array<i32>} : memref<2x40x128xf32, #tpu.memory_space<vmem>>, vector<1x1x16xf32>,
        %get3A_337 = vector.shape_cast %get3A_336 : vector<1x1x16xf32> to vector<16xf32>
        %get3A_338 = arith.constant 0 : i32
        %get3A_339 = arith.index_cast %get3A_338 : i32 to index
        %get3A_340 = arith.index_cast %scan3A_275 : i32 to index
        %get3A_341 = arith.constant 48 : index
        %get3A_342 = tpu.vector_load %arg10[%get3A_339, %get3A_340, %get3A_341] {strides = array<i32>} : memref<2x40x128xf32, #tpu.memory_space<vmem>>, vector<1x1x16xf32>,
        %get3A_343 = vector.shape_cast %get3A_342 : vector<1x1x16xf32> to vector<16xf32>
        %add3A_344 = arith.addf %get3A_337, %get3A_343 : vector<16xf32>
        %max3A_345 = arith.constant 0.000000e+00 : f32
        %max3A_346 = vector.broadcast %max3A_345 : f32 to vector<16xf32>
        %max3A_347 = arith.maximumf %add3A_344, %max3A_346 : vector<16xf32>
        %mul3A_348 = arith.mulf %max3A_347, %get3A_13 : vector<16xf32>
        %add3A_349 = arith.addf %add3A_313, %mul3A_348 : vector<16xf32>
        %get3A_350 = arith.constant 0 : i32
        %get3A_351 = arith.index_cast %get3A_350 : i32 to index
        %get3A_352 = arith.index_cast %scan3A_275 : i32 to index
        %get3A_353 = arith.constant 64 : index
        %get3A_354 = tpu.vector_load %arg9[%get3A_351, %get3A_352, %get3A_353] {strides = array<i32>} : memref<2x40x128xf32, #tpu.memory_space<vmem>>, vector<1x1x16xf32>,
        %get3A_355 = vector.shape_cast %get3A_354 : vector<1x1x16xf32> to vector<16xf32>
        %get3A_356 = arith.constant 0 : i32
        %get3A_357 = arith.index_cast %get3A_356 : i32 to index
        %get3A_358 = arith.index_cast %scan3A_275 : i32 to index
        %get3A_359 = arith.constant 64 : index
        %get3A_360 = tpu.vector_load %arg10[%get3A_357, %get3A_358, %get3A_359] {strides = array<i32>} : memref<2x40x128xf32, #tpu.memory_space<vmem>>, vector<1x1x16xf32>,
        %get3A_361 = vector.shape_cast %get3A_360 : vector<1x1x16xf32> to vector<16xf32>
        %add3A_362 = arith.addf %get3A_355, %get3A_361 : vector<16xf32>
        %max3A_363 = arith.constant 0.000000e+00 : f32
        %max3A_364 = vector.broadcast %max3A_363 : f32 to vector<16xf32>
        %max3A_365 = arith.maximumf %add3A_362, %max3A_364 : vector<16xf32>
        %mul3A_366 = arith.mulf %max3A_365, %get3A_16 : vector<16xf32>
        %add3A_367 = arith.addf %add3A_331, %mul3A_366 : vector<16xf32>
        %get3A_368 = arith.constant 0 : i32
        %get3A_369 = arith.index_cast %get3A_368 : i32 to index
        %get3A_370 = arith.index_cast %scan3A_275 : i32 to index
        %get3A_371 = arith.constant 80 : index
        %get3A_372 = tpu.vector_load %arg9[%get3A_369, %get3A_370, %get3A_371] {strides = array<i32>} : memref<2x40x128xf32, #tpu.memory_space<vmem>>, vector<1x1x16xf32>,
        %get3A_373 = vector.shape_cast %get3A_372 : vector<1x1x16xf32> to vector<16xf32>
        %get3A_374 = arith.constant 0 : i32
        %get3A_375 = arith.index_cast %get3A_374 : i32 to index
        %get3A_376 = arith.index_cast %scan3A_275 : i32 to index
        %get3A_377 = arith.constant 80 : index
        %get3A_378 = tpu.vector_load %arg10[%get3A_375, %get3A_376, %get3A_377] {strides = array<i32>} : memref<2x40x128xf32, #tpu.memory_space<vmem>>, vector<1x1x16xf32>,
        %get3A_379 = vector.shape_cast %get3A_378 : vector<1x1x16xf32> to vector<16xf32>
        %add3A_380 = arith.addf %get3A_373, %get3A_379 : vector<16xf32>
        %max3A_381 = arith.constant 0.000000e+00 : f32
        %max3A_382 = vector.broadcast %max3A_381 : f32 to vector<16xf32>
        %max3A_383 = arith.maximumf %add3A_380, %max3A_382 : vector<16xf32>
        %mul3A_384 = arith.mulf %max3A_383, %get3A_19 : vector<16xf32>
        %add3A_385 = arith.addf %add3A_349, %mul3A_384 : vector<16xf32>
        %get3A_386 = arith.constant 0 : i32
        %get3A_387 = arith.index_cast %get3A_386 : i32 to index
        %get3A_388 = arith.index_cast %scan3A_275 : i32 to index
        %get3A_389 = arith.constant 96 : index
        %get3A_390 = tpu.vector_load %arg9[%get3A_387, %get3A_388, %get3A_389] {strides = array<i32>} : memref<2x40x128xf32, #tpu.memory_space<vmem>>, vector<1x1x16xf32>,
        %get3A_391 = vector.shape_cast %get3A_390 : vector<1x1x16xf32> to vector<16xf32>
        %get3A_392 = arith.constant 0 : i32
        %get3A_393 = arith.index_cast %get3A_392 : i32 to index
        %get3A_394 = arith.index_cast %scan3A_275 : i32 to index
        %get3A_395 = arith.constant 96 : index
        %get3A_396 = tpu.vector_load %arg10[%get3A_393, %get3A_394, %get3A_395] {strides = array<i32>} : memref<2x40x128xf32, #tpu.memory_space<vmem>>, vector<1x1x16xf32>,
        %get3A_397 = vector.shape_cast %get3A_396 : vector<1x1x16xf32> to vector<16xf32>
        %add3A_398 = arith.addf %get3A_391, %get3A_397 : vector<16xf32>
        %max3A_399 = arith.constant 0.000000e+00 : f32
        %max3A_400 = vector.broadcast %max3A_399 : f32 to vector<16xf32>
        %max3A_401 = arith.maximumf %add3A_398, %max3A_400 : vector<16xf32>
        %mul3A_402 = arith.mulf %max3A_401, %get3A_22 : vector<16xf32>
        %add3A_403 = arith.addf %add3A_367, %mul3A_402 : vector<16xf32>
        %get3A_404 = arith.constant 0 : i32
        %get3A_405 = arith.index_cast %get3A_404 : i32 to index
        %get3A_406 = arith.index_cast %scan3A_275 : i32 to index
        %get3A_407 = arith.constant 112 : index
        %get3A_408 = tpu.vector_load %arg9[%get3A_405, %get3A_406, %get3A_407] {strides = array<i32>} : memref<2x40x128xf32, #tpu.memory_space<vmem>>, vector<1x1x16xf32>,
        %get3A_409 = vector.shape_cast %get3A_408 : vector<1x1x16xf32> to vector<16xf32>
        %get3A_410 = arith.constant 0 : i32
        %get3A_411 = arith.index_cast %get3A_410 : i32 to index
        %get3A_412 = arith.index_cast %scan3A_275 : i32 to index
        %get3A_413 = arith.constant 112 : index
        %get3A_414 = tpu.vector_load %arg10[%get3A_411, %get3A_412, %get3A_413] {strides = array<i32>} : memref<2x40x128xf32, #tpu.memory_space<vmem>>, vector<1x1x16xf32>,
        %get3A_415 = vector.shape_cast %get3A_414 : vector<1x1x16xf32> to vector<16xf32>
        %add3A_416 = arith.addf %get3A_409, %get3A_415 : vector<16xf32>
        %max3A_417 = arith.constant 0.000000e+00 : f32
        %max3A_418 = vector.broadcast %max3A_417 : f32 to vector<16xf32>
        %max3A_419 = arith.maximumf %add3A_416, %max3A_418 : vector<16xf32>
        %mul3A_420 = arith.mulf %max3A_419, %get3A_25 : vector<16xf32>
        %add3A_421 = arith.addf %add3A_385, %mul3A_420 : vector<16xf32>
        %add3A_422 = arith.addf %add3A_403, %add3A_421 : vector<16xf32>
        %mul3A_423 = arith.constant 16 : i32
        %mul3A_424 = arith.muli %scan3A_275, %mul3A_423 : i32
        %swap3A = arith.constant 0 : i32
        %swap3A_425 = arith.index_cast %swap3A : i32 to index
        %swap3A_426 = arith.index_cast %mul3A_424 : i32 to index
        %swap3A_427 = tpu.vector_load %arg11[%swap3A_425, %swap3A_426] {strides = array<i32>} : memref<2x640xf32, #tpu.memory_space<vmem>>, vector<1x16xf32>,
        %swap3A_428 = vector.shape_cast %swap3A_427 : vector<1x16xf32> to vector<16xf32>
        %swap3A_429 = vector.shape_cast %add3A_422 : vector<16xf32> to vector<1x16xf32>
        tpu.vector_store %arg11[%swap3A_425, %swap3A_426], %swap3A_429 {strides = array<i32>} : memref<2x640xf32, #tpu.memory_space<vmem>>, vector<1x16xf32>,
        %scan3A_430 = arith.constant 1 : i32
        %scan3A_431 = arith.addi %scan3A_275, %scan3A_430 : i32
        %broadcast_in_dim3A_432 = arith.constant 0.000000e+00 : f32
        %broadcast_in_dim3A_433 = vector.broadcast %broadcast_in_dim3A_432 : f32 to vector<16xf32>
        %broadcast_in_dim3A_434 = arith.constant 0.000000e+00 : f32
        %broadcast_in_dim3A_435 = vector.broadcast %broadcast_in_dim3A_434 : f32 to vector<16xf32>
        %get3A_436 = arith.constant 0 : i32
        %get3A_437 = arith.index_cast %get3A_436 : i32 to index
        %get3A_438 = arith.index_cast %scan3A_431 : i32 to index
        %get3A_439 = arith.constant 0 : index
        %get3A_440 = tpu.vector_load %arg9[%get3A_437, %get3A_438, %get3A_439] {strides = array<i32>} : memref<2x40x128xf32, #tpu.memory_space<vmem>>, vector<1x1x16xf32>,
        %get3A_441 = vector.shape_cast %get3A_440 : vector<1x1x16xf32> to vector<16xf32>
        %get3A_442 = arith.constant 0 : i32
        %get3A_443 = arith.index_cast %get3A_442 : i32 to index
        %get3A_444 = arith.index_cast %scan3A_431 : i32 to index
        %get3A_445 = arith.constant 0 : index
        %get3A_446 = tpu.vector_load %arg10[%get3A_443, %get3A_444, %get3A_445] {strides = array<i32>} : memref<2x40x128xf32, #tpu.memory_space<vmem>>, vector<1x1x16xf32>,
        %get3A_447 = vector.shape_cast %get3A_446 : vector<1x1x16xf32> to vector<16xf32>
        %add3A_448 = arith.addf %get3A_441, %get3A_447 : vector<16xf32>
        %max3A_449 = arith.constant 0.000000e+00 : f32
        %max3A_450 = vector.broadcast %max3A_449 : f32 to vector<16xf32>
        %max3A_451 = arith.maximumf %add3A_448, %max3A_450 : vector<16xf32>
        %mul3A_452 = arith.mulf %max3A_451, %get3A_4 : vector<16xf32>
        %add3A_453 = arith.addf %broadcast_in_dim3A_433, %mul3A_452 : vector<16xf32>
        %get3A_454 = arith.constant 0 : i32
        %get3A_455 = arith.index_cast %get3A_454 : i32 to index
        %get3A_456 = arith.index_cast %scan3A_431 : i32 to index
        %get3A_457 = arith.constant 16 : index
        %get3A_458 = tpu.vector_load %arg9[%get3A_455, %get3A_456, %get3A_457] {strides = array<i32>} : memref<2x40x128xf32, #tpu.memory_space<vmem>>, vector<1x1x16xf32>,
        %get3A_459 = vector.shape_cast %get3A_458 : vector<1x1x16xf32> to vector<16xf32>
        %get3A_460 = arith.constant 0 : i32
        %get3A_461 = arith.index_cast %get3A_460 : i32 to index
        %get3A_462 = arith.index_cast %scan3A_431 : i32 to index
        %get3A_463 = arith.constant 16 : index
        %get3A_464 = tpu.vector_load %arg10[%get3A_461, %get3A_462, %get3A_463] {strides = array<i32>} : memref<2x40x128xf32, #tpu.memory_space<vmem>>, vector<1x1x16xf32>,
        %get3A_465 = vector.shape_cast %get3A_464 : vector<1x1x16xf32> to vector<16xf32>
        %add3A_466 = arith.addf %get3A_459, %get3A_465 : vector<16xf32>
        %max3A_467 = arith.constant 0.000000e+00 : f32
        %max3A_468 = vector.broadcast %max3A_467 : f32 to vector<16xf32>
        %max3A_469 = arith.maximumf %add3A_466, %max3A_468 : vector<16xf32>
        %mul3A_470 = arith.mulf %max3A_469, %get3A_7 : vector<16xf32>
        %add3A_471 = arith.addf %broadcast_in_dim3A_435, %mul3A_470 : vector<16xf32>
        %get3A_472 = arith.constant 0 : i32
        %get3A_473 = arith.index_cast %get3A_472 : i32 to index
        %get3A_474 = arith.index_cast %scan3A_431 : i32 to index
        %get3A_475 = arith.constant 32 : index
        %get3A_476 = tpu.vector_load %arg9[%get3A_473, %get3A_474, %get3A_475] {strides = array<i32>} : memref<2x40x128xf32, #tpu.memory_space<vmem>>, vector<1x1x16xf32>,
        %get3A_477 = vector.shape_cast %get3A_476 : vector<1x1x16xf32> to vector<16xf32>
        %get3A_478 = arith.constant 0 : i32
        %get3A_479 = arith.index_cast %get3A_478 : i32 to index
        %get3A_480 = arith.index_cast %scan3A_431 : i32 to index
        %get3A_481 = arith.constant 32 : index
        %get3A_482 = tpu.vector_load %arg10[%get3A_479, %get3A_480, %get3A_481] {strides = array<i32>} : memref<2x40x128xf32, #tpu.memory_space<vmem>>, vector<1x1x16xf32>,
        %get3A_483 = vector.shape_cast %get3A_482 : vector<1x1x16xf32> to vector<16xf32>
        %add3A_484 = arith.addf %get3A_477, %get3A_483 : vector<16xf32>
        %max3A_485 = arith.constant 0.000000e+00 : f32
        %max3A_486 = vector.broadcast %max3A_485 : f32 to vector<16xf32>
        %max3A_487 = arith.maximumf %add3A_484, %max3A_486 : vector<16xf32>
        %mul3A_488 = arith.mulf %max3A_487, %get3A_10 : vector<16xf32>
        %add3A_489 = arith.addf %add3A_453, %mul3A_488 : vector<16xf32>
        %get3A_490 = arith.constant 0 : i32
        %get3A_491 = arith.index_cast %get3A_490 : i32 to index
        %get3A_492 = arith.index_cast %scan3A_431 : i32 to index
        %get3A_493 = arith.constant 48 : index
        %get3A_494 = tpu.vector_load %arg9[%get3A_491, %get3A_492, %get3A_493] {strides = array<i32>} : memref<2x40x128xf32, #tpu.memory_space<vmem>>, vector<1x1x16xf32>,
        %get3A_495 = vector.shape_cast %get3A_494 : vector<1x1x16xf32> to vector<16xf32>
        %get3A_496 = arith.constant 0 : i32
        %get3A_497 = arith.index_cast %get3A_496 : i32 to index
        %get3A_498 = arith.index_cast %scan3A_431 : i32 to index
        %get3A_499 = arith.constant 48 : index
        %get3A_500 = tpu.vector_load %arg10[%get3A_497, %get3A_498, %get3A_499] {strides = array<i32>} : memref<2x40x128xf32, #tpu.memory_space<vmem>>, vector<1x1x16xf32>,
        %get3A_501 = vector.shape_cast %get3A_500 : vector<1x1x16xf32> to vector<16xf32>
        %add3A_502 = arith.addf %get3A_495, %get3A_501 : vector<16xf32>
        %max3A_503 = arith.constant 0.000000e+00 : f32
        %max3A_504 = vector.broadcast %max3A_503 : f32 to vector<16xf32>
        %max3A_505 = arith.maximumf %add3A_502, %max3A_504 : vector<16xf32>
        %mul3A_506 = arith.mulf %max3A_505, %get3A_13 : vector<16xf32>
        %add3A_507 = arith.addf %add3A_471, %mul3A_506 : vector<16xf32>
        %get3A_508 = arith.constant 0 : i32
        %get3A_509 = arith.index_cast %get3A_508 : i32 to index
        %get3A_510 = arith.index_cast %scan3A_431 : i32 to index
        %get3A_511 = arith.constant 64 : index
        %get3A_512 = tpu.vector_load %arg9[%get3A_509, %get3A_510, %get3A_511] {strides = array<i32>} : memref<2x40x128xf32, #tpu.memory_space<vmem>>, vector<1x1x16xf32>,
        %get3A_513 = vector.shape_cast %get3A_512 : vector<1x1x16xf32> to vector<16xf32>
        %get3A_514 = arith.constant 0 : i32
        %get3A_515 = arith.index_cast %get3A_514 : i32 to index
        %get3A_516 = arith.index_cast %scan3A_431 : i32 to index
        %get3A_517 = arith.constant 64 : index
        %get3A_518 = tpu.vector_load %arg10[%get3A_515, %get3A_516, %get3A_517] {strides = array<i32>} : memref<2x40x128xf32, #tpu.memory_space<vmem>>, vector<1x1x16xf32>,
        %get3A_519 = vector.shape_cast %get3A_518 : vector<1x1x16xf32> to vector<16xf32>
        %add3A_520 = arith.addf %get3A_513, %get3A_519 : vector<16xf32>
        %max3A_521 = arith.constant 0.000000e+00 : f32
        %max3A_522 = vector.broadcast %max3A_521 : f32 to vector<16xf32>
        %max3A_523 = arith.maximumf %add3A_520, %max3A_522 : vector<16xf32>
        %mul3A_524 = arith.mulf %max3A_523, %get3A_16 : vector<16xf32>
        %add3A_525 = arith.addf %add3A_489, %mul3A_524 : vector<16xf32>
        %get3A_526 = arith.constant 0 : i32
        %get3A_527 = arith.index_cast %get3A_526 : i32 to index
        %get3A_528 = arith.index_cast %scan3A_431 : i32 to index
        %get3A_529 = arith.constant 80 : index
        %get3A_530 = tpu.vector_load %arg9[%get3A_527, %get3A_528, %get3A_529] {strides = array<i32>} : memref<2x40x128xf32, #tpu.memory_space<vmem>>, vector<1x1x16xf32>,
        %get3A_531 = vector.shape_cast %get3A_530 : vector<1x1x16xf32> to vector<16xf32>
        %get3A_532 = arith.constant 0 : i32
        %get3A_533 = arith.index_cast %get3A_532 : i32 to index
        %get3A_534 = arith.index_cast %scan3A_431 : i32 to index
        %get3A_535 = arith.constant 80 : index
        %get3A_536 = tpu.vector_load %arg10[%get3A_533, %get3A_534, %get3A_535] {strides = array<i32>} : memref<2x40x128xf32, #tpu.memory_space<vmem>>, vector<1x1x16xf32>,
        %get3A_537 = vector.shape_cast %get3A_536 : vector<1x1x16xf32> to vector<16xf32>
        %add3A_538 = arith.addf %get3A_531, %get3A_537 : vector<16xf32>
        %max3A_539 = arith.constant 0.000000e+00 : f32
        %max3A_540 = vector.broadcast %max3A_539 : f32 to vector<16xf32>
        %max3A_541 = arith.maximumf %add3A_538, %max3A_540 : vector<16xf32>
        %mul3A_542 = arith.mulf %max3A_541, %get3A_19 : vector<16xf32>
        %add3A_543 = arith.addf %add3A_507, %mul3A_542 : vector<16xf32>
        %get3A_544 = arith.constant 0 : i32
        %get3A_545 = arith.index_cast %get3A_544 : i32 to index
        %get3A_546 = arith.index_cast %scan3A_431 : i32 to index
        %get3A_547 = arith.constant 96 : index
        %get3A_548 = tpu.vector_load %arg9[%get3A_545, %get3A_546, %get3A_547] {strides = array<i32>} : memref<2x40x128xf32, #tpu.memory_space<vmem>>, vector<1x1x16xf32>,
        %get3A_549 = vector.shape_cast %get3A_548 : vector<1x1x16xf32> to vector<16xf32>
        %get3A_550 = arith.constant 0 : i32
        %get3A_551 = arith.index_cast %get3A_550 : i32 to index
        %get3A_552 = arith.index_cast %scan3A_431 : i32 to index
        %get3A_553 = arith.constant 96 : index
        %get3A_554 = tpu.vector_load %arg10[%get3A_551, %get3A_552, %get3A_553] {strides = array<i32>} : memref<2x40x128xf32, #tpu.memory_space<vmem>>, vector<1x1x16xf32>,
        %get3A_555 = vector.shape_cast %get3A_554 : vector<1x1x16xf32> to vector<16xf32>
        %add3A_556 = arith.addf %get3A_549, %get3A_555 : vector<16xf32>
        %max3A_557 = arith.constant 0.000000e+00 : f32
        %max3A_558 = vector.broadcast %max3A_557 : f32 to vector<16xf32>
        %max3A_559 = arith.maximumf %add3A_556, %max3A_558 : vector<16xf32>
        %mul3A_560 = arith.mulf %max3A_559, %get3A_22 : vector<16xf32>
        %add3A_561 = arith.addf %add3A_525, %mul3A_560 : vector<16xf32>
        %get3A_562 = arith.constant 0 : i32
        %get3A_563 = arith.index_cast %get3A_562 : i32 to index
        %get3A_564 = arith.index_cast %scan3A_431 : i32 to index
        %get3A_565 = arith.constant 112 : index
        %get3A_566 = tpu.vector_load %arg9[%get3A_563, %get3A_564, %get3A_565] {strides = array<i32>} : memref<2x40x128xf32, #tpu.memory_space<vmem>>, vector<1x1x16xf32>,
        %get3A_567 = vector.shape_cast %get3A_566 : vector<1x1x16xf32> to vector<16xf32>
        %get3A_568 = arith.constant 0 : i32
        %get3A_569 = arith.index_cast %get3A_568 : i32 to index
        %get3A_570 = arith.index_cast %scan3A_431 : i32 to index
        %get3A_571 = arith.constant 112 : index
        %get3A_572 = tpu.vector_load %arg10[%get3A_569, %get3A_570, %get3A_571] {strides = array<i32>} : memref<2x40x128xf32, #tpu.memory_space<vmem>>, vector<1x1x16xf32>,
        %get3A_573 = vector.shape_cast %get3A_572 : vector<1x1x16xf32> to vector<16xf32>
        %add3A_574 = arith.addf %get3A_567, %get3A_573 : vector<16xf32>
        %max3A_575 = arith.constant 0.000000e+00 : f32
        %max3A_576 = vector.broadcast %max3A_575 : f32 to vector<16xf32>
        %max3A_577 = arith.maximumf %add3A_574, %max3A_576 : vector<16xf32>
        %mul3A_578 = arith.mulf %max3A_577, %get3A_25 : vector<16xf32>
        %add3A_579 = arith.addf %add3A_543, %mul3A_578 : vector<16xf32>
        %add3A_580 = arith.addf %add3A_561, %add3A_579 : vector<16xf32>
        %mul3A_581 = arith.constant 16 : i32
        %mul3A_582 = arith.muli %scan3A_431, %mul3A_581 : i32
        %swap3A_583 = arith.constant 0 : i32
        %swap3A_584 = arith.index_cast %swap3A_583 : i32 to index
        %swap3A_585 = arith.index_cast %mul3A_582 : i32 to index
        %swap3A_586 = tpu.vector_load %arg11[%swap3A_584, %swap3A_585] {strides = array<i32>} : memref<2x640xf32, #tpu.memory_space<vmem>>, vector<1x16xf32>,
        %swap3A_587 = vector.shape_cast %swap3A_586 : vector<1x16xf32> to vector<16xf32>
        %swap3A_588 = vector.shape_cast %add3A_580 : vector<16xf32> to vector<1x16xf32>
        tpu.vector_store %arg11[%swap3A_584, %swap3A_585], %swap3A_588 {strides = array<i32>} : memref<2x640xf32, #tpu.memory_space<vmem>>, vector<1x16xf32>,
        %scan3A_589 = arith.constant 2 : i32
        %scan3A_590 = arith.addi %scan3A_275, %scan3A_589 : i32
        %broadcast_in_dim3A_591 = arith.constant 0.000000e+00 : f32
        %broadcast_in_dim3A_592 = vector.broadcast %broadcast_in_dim3A_591 : f32 to vector<16xf32>
        %broadcast_in_dim3A_593 = arith.constant 0.000000e+00 : f32
        %broadcast_in_dim3A_594 = vector.broadcast %broadcast_in_dim3A_593 : f32 to vector<16xf32>
        %get3A_595 = arith.constant 0 : i32
        %get3A_596 = arith.index_cast %get3A_595 : i32 to index
        %get3A_597 = arith.index_cast %scan3A_590 : i32 to index
        %get3A_598 = arith.constant 0 : index
        %get3A_599 = tpu.vector_load %arg9[%get3A_596, %get3A_597, %get3A_598] {strides = array<i32>} : memref<2x40x128xf32, #tpu.memory_space<vmem>>, vector<1x1x16xf32>,
        %get3A_600 = vector.shape_cast %get3A_599 : vector<1x1x16xf32> to vector<16xf32>
        %get3A_601 = arith.constant 0 : i32
        %get3A_602 = arith.index_cast %get3A_601 : i32 to index
        %get3A_603 = arith.index_cast %scan3A_590 : i32 to index
        %get3A_604 = arith.constant 0 : index
        %get3A_605 = tpu.vector_load %arg10[%get3A_602, %get3A_603, %get3A_604] {strides = array<i32>} : memref<2x40x128xf32, #tpu.memory_space<vmem>>, vector<1x1x16xf32>,
        %get3A_606 = vector.shape_cast %get3A_605 : vector<1x1x16xf32> to vector<16xf32>
        %add3A_607 = arith.addf %get3A_600, %get3A_606 : vector<16xf32>
        %max3A_608 = arith.constant 0.000000e+00 : f32
        %max3A_609 = vector.broadcast %max3A_608 : f32 to vector<16xf32>
        %max3A_610 = arith.maximumf %add3A_607, %max3A_609 : vector<16xf32>
        %mul3A_611 = arith.mulf %max3A_610, %get3A_4 : vector<16xf32>
        %add3A_612 = arith.addf %broadcast_in_dim3A_592, %mul3A_611 : vector<16xf32>
        %get3A_613 = arith.constant 0 : i32
        %get3A_614 = arith.index_cast %get3A_613 : i32 to index
        %get3A_615 = arith.index_cast %scan3A_590 : i32 to index
        %get3A_616 = arith.constant 16 : index
        %get3A_617 = tpu.vector_load %arg9[%get3A_614, %get3A_615, %get3A_616] {strides = array<i32>} : memref<2x40x128xf32, #tpu.memory_space<vmem>>, vector<1x1x16xf32>,
        %get3A_618 = vector.shape_cast %get3A_617 : vector<1x1x16xf32> to vector<16xf32>
        %get3A_619 = arith.constant 0 : i32
        %get3A_620 = arith.index_cast %get3A_619 : i32 to index
        %get3A_621 = arith.index_cast %scan3A_590 : i32 to index
        %get3A_622 = arith.constant 16 : index
        %get3A_623 = tpu.vector_load %arg10[%get3A_620, %get3A_621, %get3A_622] {strides = array<i32>} : memref<2x40x128xf32, #tpu.memory_space<vmem>>, vector<1x1x16xf32>,
        %get3A_624 = vector.shape_cast %get3A_623 : vector<1x1x16xf32> to vector<16xf32>
        %add3A_625 = arith.addf %get3A_618, %get3A_624 : vector<16xf32>
        %max3A_626 = arith.constant 0.000000e+00 : f32
        %max3A_627 = vector.broadcast %max3A_626 : f32 to vector<16xf32>
        %max3A_628 = arith.maximumf %add3A_625, %max3A_627 : vector<16xf32>
        %mul3A_629 = arith.mulf %max3A_628, %get3A_7 : vector<16xf32>
        %add3A_630 = arith.addf %broadcast_in_dim3A_594, %mul3A_629 : vector<16xf32>
        %get3A_631 = arith.constant 0 : i32
        %get3A_632 = arith.index_cast %get3A_631 : i32 to index
        %get3A_633 = arith.index_cast %scan3A_590 : i32 to index
        %get3A_634 = arith.constant 32 : index
        %get3A_635 = tpu.vector_load %arg9[%get3A_632, %get3A_633, %get3A_634] {strides = array<i32>} : memref<2x40x128xf32, #tpu.memory_space<vmem>>, vector<1x1x16xf32>,
        %get3A_636 = vector.shape_cast %get3A_635 : vector<1x1x16xf32> to vector<16xf32>
        %get3A_637 = arith.constant 0 : i32
        %get3A_638 = arith.index_cast %get3A_637 : i32 to index
        %get3A_639 = arith.index_cast %scan3A_590 : i32 to index
        %get3A_640 = arith.constant 32 : index
        %get3A_641 = tpu.vector_load %arg10[%get3A_638, %get3A_639, %get3A_640] {strides = array<i32>} : memref<2x40x128xf32, #tpu.memory_space<vmem>>, vector<1x1x16xf32>,
        %get3A_642 = vector.shape_cast %get3A_641 : vector<1x1x16xf32> to vector<16xf32>
        %add3A_643 = arith.addf %get3A_636, %get3A_642 : vector<16xf32>
        %max3A_644 = arith.constant 0.000000e+00 : f32
        %max3A_645 = vector.broadcast %max3A_644 : f32 to vector<16xf32>
        %max3A_646 = arith.maximumf %add3A_643, %max3A_645 : vector<16xf32>
        %mul3A_647 = arith.mulf %max3A_646, %get3A_10 : vector<16xf32>
        %add3A_648 = arith.addf %add3A_612, %mul3A_647 : vector<16xf32>
        %get3A_649 = arith.constant 0 : i32
        %get3A_650 = arith.index_cast %get3A_649 : i32 to index
        %get3A_651 = arith.index_cast %scan3A_590 : i32 to index
        %get3A_652 = arith.constant 48 : index
        %get3A_653 = tpu.vector_load %arg9[%get3A_650, %get3A_651, %get3A_652] {strides = array<i32>} : memref<2x40x128xf32, #tpu.memory_space<vmem>>, vector<1x1x16xf32>,
        %get3A_654 = vector.shape_cast %get3A_653 : vector<1x1x16xf32> to vector<16xf32>
        %get3A_655 = arith.constant 0 : i32
        %get3A_656 = arith.index_cast %get3A_655 : i32 to index
        %get3A_657 = arith.index_cast %scan3A_590 : i32 to index
        %get3A_658 = arith.constant 48 : index
        %get3A_659 = tpu.vector_load %arg10[%get3A_656, %get3A_657, %get3A_658] {strides = array<i32>} : memref<2x40x128xf32, #tpu.memory_space<vmem>>, vector<1x1x16xf32>,
        %get3A_660 = vector.shape_cast %get3A_659 : vector<1x1x16xf32> to vector<16xf32>
        %add3A_661 = arith.addf %get3A_654, %get3A_660 : vector<16xf32>
        %max3A_662 = arith.constant 0.000000e+00 : f32
        %max3A_663 = vector.broadcast %max3A_662 : f32 to vector<16xf32>
        %max3A_664 = arith.maximumf %add3A_661, %max3A_663 : vector<16xf32>
        %mul3A_665 = arith.mulf %max3A_664, %get3A_13 : vector<16xf32>
        %add3A_666 = arith.addf %add3A_630, %mul3A_665 : vector<16xf32>
        %get3A_667 = arith.constant 0 : i32
        %get3A_668 = arith.index_cast %get3A_667 : i32 to index
        %get3A_669 = arith.index_cast %scan3A_590 : i32 to index
        %get3A_670 = arith.constant 64 : index
        %get3A_671 = tpu.vector_load %arg9[%get3A_668, %get3A_669, %get3A_670] {strides = array<i32>} : memref<2x40x128xf32, #tpu.memory_space<vmem>>, vector<1x1x16xf32>,
        %get3A_672 = vector.shape_cast %get3A_671 : vector<1x1x16xf32> to vector<16xf32>
        %get3A_673 = arith.constant 0 : i32
        %get3A_674 = arith.index_cast %get3A_673 : i32 to index
        %get3A_675 = arith.index_cast %scan3A_590 : i32 to index
        %get3A_676 = arith.constant 64 : index
        %get3A_677 = tpu.vector_load %arg10[%get3A_674, %get3A_675, %get3A_676] {strides = array<i32>} : memref<2x40x128xf32, #tpu.memory_space<vmem>>, vector<1x1x16xf32>,
        %get3A_678 = vector.shape_cast %get3A_677 : vector<1x1x16xf32> to vector<16xf32>
        %add3A_679 = arith.addf %get3A_672, %get3A_678 : vector<16xf32>
        %max3A_680 = arith.constant 0.000000e+00 : f32
        %max3A_681 = vector.broadcast %max3A_680 : f32 to vector<16xf32>
        %max3A_682 = arith.maximumf %add3A_679, %max3A_681 : vector<16xf32>
        %mul3A_683 = arith.mulf %max3A_682, %get3A_16 : vector<16xf32>
        %add3A_684 = arith.addf %add3A_648, %mul3A_683 : vector<16xf32>
        %get3A_685 = arith.constant 0 : i32
        %get3A_686 = arith.index_cast %get3A_685 : i32 to index
        %get3A_687 = arith.index_cast %scan3A_590 : i32 to index
        %get3A_688 = arith.constant 80 : index
        %get3A_689 = tpu.vector_load %arg9[%get3A_686, %get3A_687, %get3A_688] {strides = array<i32>} : memref<2x40x128xf32, #tpu.memory_space<vmem>>, vector<1x1x16xf32>,
        %get3A_690 = vector.shape_cast %get3A_689 : vector<1x1x16xf32> to vector<16xf32>
        %get3A_691 = arith.constant 0 : i32
        %get3A_692 = arith.index_cast %get3A_691 : i32 to index
        %get3A_693 = arith.index_cast %scan3A_590 : i32 to index
        %get3A_694 = arith.constant 80 : index
        %get3A_695 = tpu.vector_load %arg10[%get3A_692, %get3A_693, %get3A_694] {strides = array<i32>} : memref<2x40x128xf32, #tpu.memory_space<vmem>>, vector<1x1x16xf32>,
        %get3A_696 = vector.shape_cast %get3A_695 : vector<1x1x16xf32> to vector<16xf32>
        %add3A_697 = arith.addf %get3A_690, %get3A_696 : vector<16xf32>
        %max3A_698 = arith.constant 0.000000e+00 : f32
        %max3A_699 = vector.broadcast %max3A_698 : f32 to vector<16xf32>
        %max3A_700 = arith.maximumf %add3A_697, %max3A_699 : vector<16xf32>
        %mul3A_701 = arith.mulf %max3A_700, %get3A_19 : vector<16xf32>
        %add3A_702 = arith.addf %add3A_666, %mul3A_701 : vector<16xf32>
        %get3A_703 = arith.constant 0 : i32
        %get3A_704 = arith.index_cast %get3A_703 : i32 to index
        %get3A_705 = arith.index_cast %scan3A_590 : i32 to index
        %get3A_706 = arith.constant 96 : index
        %get3A_707 = tpu.vector_load %arg9[%get3A_704, %get3A_705, %get3A_706] {strides = array<i32>} : memref<2x40x128xf32, #tpu.memory_space<vmem>>, vector<1x1x16xf32>,
        %get3A_708 = vector.shape_cast %get3A_707 : vector<1x1x16xf32> to vector<16xf32>
        %get3A_709 = arith.constant 0 : i32
        %get3A_710 = arith.index_cast %get3A_709 : i32 to index
        %get3A_711 = arith.index_cast %scan3A_590 : i32 to index
        %get3A_712 = arith.constant 96 : index
        %get3A_713 = tpu.vector_load %arg10[%get3A_710, %get3A_711, %get3A_712] {strides = array<i32>} : memref<2x40x128xf32, #tpu.memory_space<vmem>>, vector<1x1x16xf32>,
        %get3A_714 = vector.shape_cast %get3A_713 : vector<1x1x16xf32> to vector<16xf32>
        %add3A_715 = arith.addf %get3A_708, %get3A_714 : vector<16xf32>
        %max3A_716 = arith.constant 0.000000e+00 : f32
        %max3A_717 = vector.broadcast %max3A_716 : f32 to vector<16xf32>
        %max3A_718 = arith.maximumf %add3A_715, %max3A_717 : vector<16xf32>
        %mul3A_719 = arith.mulf %max3A_718, %get3A_22 : vector<16xf32>
        %add3A_720 = arith.addf %add3A_684, %mul3A_719 : vector<16xf32>
        %get3A_721 = arith.constant 0 : i32
        %get3A_722 = arith.index_cast %get3A_721 : i32 to index
        %get3A_723 = arith.index_cast %scan3A_590 : i32 to index
        %get3A_724 = arith.constant 112 : index
        %get3A_725 = tpu.vector_load %arg9[%get3A_722, %get3A_723, %get3A_724] {strides = array<i32>} : memref<2x40x128xf32, #tpu.memory_space<vmem>>, vector<1x1x16xf32>,
        %get3A_726 = vector.shape_cast %get3A_725 : vector<1x1x16xf32> to vector<16xf32>
        %get3A_727 = arith.constant 0 : i32
        %get3A_728 = arith.index_cast %get3A_727 : i32 to index
        %get3A_729 = arith.index_cast %scan3A_590 : i32 to index
        %get3A_730 = arith.constant 112 : index
        %get3A_731 = tpu.vector_load %arg10[%get3A_728, %get3A_729, %get3A_730] {strides = array<i32>} : memref<2x40x128xf32, #tpu.memory_space<vmem>>, vector<1x1x16xf32>,
        %get3A_732 = vector.shape_cast %get3A_731 : vector<1x1x16xf32> to vector<16xf32>
        %add3A_733 = arith.addf %get3A_726, %get3A_732 : vector<16xf32>
        %max3A_734 = arith.constant 0.000000e+00 : f32
        %max3A_735 = vector.broadcast %max3A_734 : f32 to vector<16xf32>
        %max3A_736 = arith.maximumf %add3A_733, %max3A_735 : vector<16xf32>
        %mul3A_737 = arith.mulf %max3A_736, %get3A_25 : vector<16xf32>
        %add3A_738 = arith.addf %add3A_702, %mul3A_737 : vector<16xf32>
        %add3A_739 = arith.addf %add3A_720, %add3A_738 : vector<16xf32>
        %mul3A_740 = arith.constant 16 : i32
        %mul3A_741 = arith.muli %scan3A_590, %mul3A_740 : i32
        %swap3A_742 = arith.constant 0 : i32
        %swap3A_743 = arith.index_cast %swap3A_742 : i32 to index
        %swap3A_744 = arith.index_cast %mul3A_741 : i32 to index
        %swap3A_745 = tpu.vector_load %arg11[%swap3A_743, %swap3A_744] {strides = array<i32>} : memref<2x640xf32, #tpu.memory_space<vmem>>, vector<1x16xf32>,
        %swap3A_746 = vector.shape_cast %swap3A_745 : vector<1x16xf32> to vector<16xf32>
        %swap3A_747 = vector.shape_cast %add3A_739 : vector<16xf32> to vector<1x16xf32>
        tpu.vector_store %arg11[%swap3A_743, %swap3A_744], %swap3A_747 {strides = array<i32>} : memref<2x640xf32, #tpu.memory_space<vmem>>, vector<1x16xf32>,
        %scan3A_748 = arith.constant 3 : i32
        %scan3A_749 = arith.addi %scan3A_275, %scan3A_748 : i32
        %broadcast_in_dim3A_750 = arith.constant 0.000000e+00 : f32
        %broadcast_in_dim3A_751 = vector.broadcast %broadcast_in_dim3A_750 : f32 to vector<16xf32>
        %broadcast_in_dim3A_752 = arith.constant 0.000000e+00 : f32
        %broadcast_in_dim3A_753 = vector.broadcast %broadcast_in_dim3A_752 : f32 to vector<16xf32>
        %get3A_754 = arith.constant 0 : i32
        %get3A_755 = arith.index_cast %get3A_754 : i32 to index
        %get3A_756 = arith.index_cast %scan3A_749 : i32 to index
        %get3A_757 = arith.constant 0 : index
        %get3A_758 = tpu.vector_load %arg9[%get3A_755, %get3A_756, %get3A_757] {strides = array<i32>} : memref<2x40x128xf32, #tpu.memory_space<vmem>>, vector<1x1x16xf32>,
        %get3A_759 = vector.shape_cast %get3A_758 : vector<1x1x16xf32> to vector<16xf32>
        %get3A_760 = arith.constant 0 : i32
        %get3A_761 = arith.index_cast %get3A_760 : i32 to index
        %get3A_762 = arith.index_cast %scan3A_749 : i32 to index
        %get3A_763 = arith.constant 0 : index
        %get3A_764 = tpu.vector_load %arg10[%get3A_761, %get3A_762, %get3A_763] {strides = array<i32>} : memref<2x40x128xf32, #tpu.memory_space<vmem>>, vector<1x1x16xf32>,
        %get3A_765 = vector.shape_cast %get3A_764 : vector<1x1x16xf32> to vector<16xf32>
        %add3A_766 = arith.addf %get3A_759, %get3A_765 : vector<16xf32>
        %max3A_767 = arith.constant 0.000000e+00 : f32
        %max3A_768 = vector.broadcast %max3A_767 : f32 to vector<16xf32>
        %max3A_769 = arith.maximumf %add3A_766, %max3A_768 : vector<16xf32>
        %mul3A_770 = arith.mulf %max3A_769, %get3A_4 : vector<16xf32>
        %add3A_771 = arith.addf %broadcast_in_dim3A_751, %mul3A_770 : vector<16xf32>
        %get3A_772 = arith.constant 0 : i32
        %get3A_773 = arith.index_cast %get3A_772 : i32 to index
        %get3A_774 = arith.index_cast %scan3A_749 : i32 to index
        %get3A_775 = arith.constant 16 : index
        %get3A_776 = tpu.vector_load %arg9[%get3A_773, %get3A_774, %get3A_775] {strides = array<i32>} : memref<2x40x128xf32, #tpu.memory_space<vmem>>, vector<1x1x16xf32>,
        %get3A_777 = vector.shape_cast %get3A_776 : vector<1x1x16xf32> to vector<16xf32>
        %get3A_778 = arith.constant 0 : i32
        %get3A_779 = arith.index_cast %get3A_778 : i32 to index
        %get3A_780 = arith.index_cast %scan3A_749 : i32 to index
        %get3A_781 = arith.constant 16 : index
        %get3A_782 = tpu.vector_load %arg10[%get3A_779, %get3A_780, %get3A_781] {strides = array<i32>} : memref<2x40x128xf32, #tpu.memory_space<vmem>>, vector<1x1x16xf32>,
        %get3A_783 = vector.shape_cast %get3A_782 : vector<1x1x16xf32> to vector<16xf32>
        %add3A_784 = arith.addf %get3A_777, %get3A_783 : vector<16xf32>
        %max3A_785 = arith.constant 0.000000e+00 : f32
        %max3A_786 = vector.broadcast %max3A_785 : f32 to vector<16xf32>
        %max3A_787 = arith.maximumf %add3A_784, %max3A_786 : vector<16xf32>
        %mul3A_788 = arith.mulf %max3A_787, %get3A_7 : vector<16xf32>
        %add3A_789 = arith.addf %broadcast_in_dim3A_753, %mul3A_788 : vector<16xf32>
        %get3A_790 = arith.constant 0 : i32
        %get3A_791 = arith.index_cast %get3A_790 : i32 to index
        %get3A_792 = arith.index_cast %scan3A_749 : i32 to index
        %get3A_793 = arith.constant 32 : index
        %get3A_794 = tpu.vector_load %arg9[%get3A_791, %get3A_792, %get3A_793] {strides = array<i32>} : memref<2x40x128xf32, #tpu.memory_space<vmem>>, vector<1x1x16xf32>,
        %get3A_795 = vector.shape_cast %get3A_794 : vector<1x1x16xf32> to vector<16xf32>
        %get3A_796 = arith.constant 0 : i32
        %get3A_797 = arith.index_cast %get3A_796 : i32 to index
        %get3A_798 = arith.index_cast %scan3A_749 : i32 to index
        %get3A_799 = arith.constant 32 : index
        %get3A_800 = tpu.vector_load %arg10[%get3A_797, %get3A_798, %get3A_799] {strides = array<i32>} : memref<2x40x128xf32, #tpu.memory_space<vmem>>, vector<1x1x16xf32>,
        %get3A_801 = vector.shape_cast %get3A_800 : vector<1x1x16xf32> to vector<16xf32>
        %add3A_802 = arith.addf %get3A_795, %get3A_801 : vector<16xf32>
        %max3A_803 = arith.constant 0.000000e+00 : f32
        %max3A_804 = vector.broadcast %max3A_803 : f32 to vector<16xf32>
        %max3A_805 = arith.maximumf %add3A_802, %max3A_804 : vector<16xf32>
        %mul3A_806 = arith.mulf %max3A_805, %get3A_10 : vector<16xf32>
        %add3A_807 = arith.addf %add3A_771, %mul3A_806 : vector<16xf32>
        %get3A_808 = arith.constant 0 : i32
        %get3A_809 = arith.index_cast %get3A_808 : i32 to index
        %get3A_810 = arith.index_cast %scan3A_749 : i32 to index
        %get3A_811 = arith.constant 48 : index
        %get3A_812 = tpu.vector_load %arg9[%get3A_809, %get3A_810, %get3A_811] {strides = array<i32>} : memref<2x40x128xf32, #tpu.memory_space<vmem>>, vector<1x1x16xf32>,
        %get3A_813 = vector.shape_cast %get3A_812 : vector<1x1x16xf32> to vector<16xf32>
        %get3A_814 = arith.constant 0 : i32
        %get3A_815 = arith.index_cast %get3A_814 : i32 to index
        %get3A_816 = arith.index_cast %scan3A_749 : i32 to index
        %get3A_817 = arith.constant 48 : index
        %get3A_818 = tpu.vector_load %arg10[%get3A_815, %get3A_816, %get3A_817] {strides = array<i32>} : memref<2x40x128xf32, #tpu.memory_space<vmem>>, vector<1x1x16xf32>,
        %get3A_819 = vector.shape_cast %get3A_818 : vector<1x1x16xf32> to vector<16xf32>
        %add3A_820 = arith.addf %get3A_813, %get3A_819 : vector<16xf32>
        %max3A_821 = arith.constant 0.000000e+00 : f32
        %max3A_822 = vector.broadcast %max3A_821 : f32 to vector<16xf32>
        %max3A_823 = arith.maximumf %add3A_820, %max3A_822 : vector<16xf32>
        %mul3A_824 = arith.mulf %max3A_823, %get3A_13 : vector<16xf32>
        %add3A_825 = arith.addf %add3A_789, %mul3A_824 : vector<16xf32>
        %get3A_826 = arith.constant 0 : i32
        %get3A_827 = arith.index_cast %get3A_826 : i32 to index
        %get3A_828 = arith.index_cast %scan3A_749 : i32 to index
        %get3A_829 = arith.constant 64 : index
        %get3A_830 = tpu.vector_load %arg9[%get3A_827, %get3A_828, %get3A_829] {strides = array<i32>} : memref<2x40x128xf32, #tpu.memory_space<vmem>>, vector<1x1x16xf32>,
        %get3A_831 = vector.shape_cast %get3A_830 : vector<1x1x16xf32> to vector<16xf32>
        %get3A_832 = arith.constant 0 : i32
        %get3A_833 = arith.index_cast %get3A_832 : i32 to index
        %get3A_834 = arith.index_cast %scan3A_749 : i32 to index
        %get3A_835 = arith.constant 64 : index
        %get3A_836 = tpu.vector_load %arg10[%get3A_833, %get3A_834, %get3A_835] {strides = array<i32>} : memref<2x40x128xf32, #tpu.memory_space<vmem>>, vector<1x1x16xf32>,
        %get3A_837 = vector.shape_cast %get3A_836 : vector<1x1x16xf32> to vector<16xf32>
        %add3A_838 = arith.addf %get3A_831, %get3A_837 : vector<16xf32>
        %max3A_839 = arith.constant 0.000000e+00 : f32
        %max3A_840 = vector.broadcast %max3A_839 : f32 to vector<16xf32>
        %max3A_841 = arith.maximumf %add3A_838, %max3A_840 : vector<16xf32>
        %mul3A_842 = arith.mulf %max3A_841, %get3A_16 : vector<16xf32>
        %add3A_843 = arith.addf %add3A_807, %mul3A_842 : vector<16xf32>
        %get3A_844 = arith.constant 0 : i32
        %get3A_845 = arith.index_cast %get3A_844 : i32 to index
        %get3A_846 = arith.index_cast %scan3A_749 : i32 to index
        %get3A_847 = arith.constant 80 : index
        %get3A_848 = tpu.vector_load %arg9[%get3A_845, %get3A_846, %get3A_847] {strides = array<i32>} : memref<2x40x128xf32, #tpu.memory_space<vmem>>, vector<1x1x16xf32>,
        %get3A_849 = vector.shape_cast %get3A_848 : vector<1x1x16xf32> to vector<16xf32>
        %get3A_850 = arith.constant 0 : i32
        %get3A_851 = arith.index_cast %get3A_850 : i32 to index
        %get3A_852 = arith.index_cast %scan3A_749 : i32 to index
        %get3A_853 = arith.constant 80 : index
        %get3A_854 = tpu.vector_load %arg10[%get3A_851, %get3A_852, %get3A_853] {strides = array<i32>} : memref<2x40x128xf32, #tpu.memory_space<vmem>>, vector<1x1x16xf32>,
        %get3A_855 = vector.shape_cast %get3A_854 : vector<1x1x16xf32> to vector<16xf32>
        %add3A_856 = arith.addf %get3A_849, %get3A_855 : vector<16xf32>
        %max3A_857 = arith.constant 0.000000e+00 : f32
        %max3A_858 = vector.broadcast %max3A_857 : f32 to vector<16xf32>
        %max3A_859 = arith.maximumf %add3A_856, %max3A_858 : vector<16xf32>
        %mul3A_860 = arith.mulf %max3A_859, %get3A_19 : vector<16xf32>
        %add3A_861 = arith.addf %add3A_825, %mul3A_860 : vector<16xf32>
        %get3A_862 = arith.constant 0 : i32
        %get3A_863 = arith.index_cast %get3A_862 : i32 to index
        %get3A_864 = arith.index_cast %scan3A_749 : i32 to index
        %get3A_865 = arith.constant 96 : index
        %get3A_866 = tpu.vector_load %arg9[%get3A_863, %get3A_864, %get3A_865] {strides = array<i32>} : memref<2x40x128xf32, #tpu.memory_space<vmem>>, vector<1x1x16xf32>,
        %get3A_867 = vector.shape_cast %get3A_866 : vector<1x1x16xf32> to vector<16xf32>
        %get3A_868 = arith.constant 0 : i32
        %get3A_869 = arith.index_cast %get3A_868 : i32 to index
        %get3A_870 = arith.index_cast %scan3A_749 : i32 to index
        %get3A_871 = arith.constant 96 : index
        %get3A_872 = tpu.vector_load %arg10[%get3A_869, %get3A_870, %get3A_871] {strides = array<i32>} : memref<2x40x128xf32, #tpu.memory_space<vmem>>, vector<1x1x16xf32>,
        %get3A_873 = vector.shape_cast %get3A_872 : vector<1x1x16xf32> to vector<16xf32>
        %add3A_874 = arith.addf %get3A_867, %get3A_873 : vector<16xf32>
        %max3A_875 = arith.constant 0.000000e+00 : f32
        %max3A_876 = vector.broadcast %max3A_875 : f32 to vector<16xf32>
        %max3A_877 = arith.maximumf %add3A_874, %max3A_876 : vector<16xf32>
        %mul3A_878 = arith.mulf %max3A_877, %get3A_22 : vector<16xf32>
        %add3A_879 = arith.addf %add3A_843, %mul3A_878 : vector<16xf32>
        %get3A_880 = arith.constant 0 : i32
        %get3A_881 = arith.index_cast %get3A_880 : i32 to index
        %get3A_882 = arith.index_cast %scan3A_749 : i32 to index
        %get3A_883 = arith.constant 112 : index
        %get3A_884 = tpu.vector_load %arg9[%get3A_881, %get3A_882, %get3A_883] {strides = array<i32>} : memref<2x40x128xf32, #tpu.memory_space<vmem>>, vector<1x1x16xf32>,
        %get3A_885 = vector.shape_cast %get3A_884 : vector<1x1x16xf32> to vector<16xf32>
        %get3A_886 = arith.constant 0 : i32
        %get3A_887 = arith.index_cast %get3A_886 : i32 to index
        %get3A_888 = arith.index_cast %scan3A_749 : i32 to index
        %get3A_889 = arith.constant 112 : index
        %get3A_890 = tpu.vector_load %arg10[%get3A_887, %get3A_888, %get3A_889] {strides = array<i32>} : memref<2x40x128xf32, #tpu.memory_space<vmem>>, vector<1x1x16xf32>,
        %get3A_891 = vector.shape_cast %get3A_890 : vector<1x1x16xf32> to vector<16xf32>
        %add3A_892 = arith.addf %get3A_885, %get3A_891 : vector<16xf32>
        %max3A_893 = arith.constant 0.000000e+00 : f32
        %max3A_894 = vector.broadcast %max3A_893 : f32 to vector<16xf32>
        %max3A_895 = arith.maximumf %add3A_892, %max3A_894 : vector<16xf32>
        %mul3A_896 = arith.mulf %max3A_895, %get3A_25 : vector<16xf32>
        %add3A_897 = arith.addf %add3A_861, %mul3A_896 : vector<16xf32>
        %add3A_898 = arith.addf %add3A_879, %add3A_897 : vector<16xf32>
        %mul3A_899 = arith.constant 16 : i32
        %mul3A_900 = arith.muli %scan3A_749, %mul3A_899 : i32
        %swap3A_901 = arith.constant 0 : i32
        %swap3A_902 = arith.index_cast %swap3A_901 : i32 to index
        %swap3A_903 = arith.index_cast %mul3A_900 : i32 to index
        %swap3A_904 = tpu.vector_load %arg11[%swap3A_902, %swap3A_903] {strides = array<i32>} : memref<2x640xf32, #tpu.memory_space<vmem>>, vector<1x16xf32>,
        %swap3A_905 = vector.shape_cast %swap3A_904 : vector<1x16xf32> to vector<16xf32>
        %swap3A_906 = vector.shape_cast %add3A_898 : vector<16xf32> to vector<1x16xf32>
        tpu.vector_store %arg11[%swap3A_902, %swap3A_903], %swap3A_906 {strides = array<i32>} : memref<2x640xf32, #tpu.memory_space<vmem>>, vector<1x16xf32>,
      }
      %scan3A_191 = arith.constant 40 : i32
      %mul3A_192 = arith.constant 40 : i32
      %mul3A_193 = arith.muli %add3A_145, %mul3A_192 : i32
      %add3A_194 = arith.addi %mul3A_2, %mul3A_193 : i32
      %mul3A_195 = arith.constant 16 : i32
      %mul3A_196 = arith.muli %add3A_194, %mul3A_195 : i32
      %dma_start3A_197 = arith.constant 0 : i32
      %dma_start3A_198 = arith.constant 0 : i32
      %dma_start3A_199 = tpu.memref_slice %arg11[%dma_start3A_197, %dma_start3A_198] : memref<2x640xf32, #tpu.memory_space<vmem>> -> memref<1x640xf32, #tpu.memory_space<vmem>>
      %dma_start3A_200 = tpu.memref_squeeze %dma_start3A_199 : memref<1x640xf32, #tpu.memory_space<vmem>> -> memref<640xf32, #tpu.memory_space<vmem>>
      %dma_start3A_201 = tpu.memref_slice %arg6[%mul3A_196] : memref<5120000xf32, #tpu.memory_space<hbm>> -> memref<640xf32, #tpu.memory_space<hbm>>
      %dma_start3A_202 = tpu.memref_slice %arg6[%mul3A_196] : memref<5120000xf32, #tpu.memory_space<hbm>> -> memref<640xf32, #tpu.memory_space<hbm>>
      %dma_start3A_203 = arith.constant 0 : i32
      %dma_start3A_204 = tpu.memref_slice %arg11[%dma_start3A_197, %dma_start3A_203] : memref<2x640xf32, #tpu.memory_space<vmem>> -> memref<1x640xf32, #tpu.memory_space<vmem>>
      %dma_start3A_205 = tpu.memref_squeeze %dma_start3A_204 : memref<1x640xf32, #tpu.memory_space<vmem>> -> memref<640xf32, #tpu.memory_space<vmem>>
      tpu.enqueue_dma source(%dma_start3A_205 : memref<640xf32, #tpu.memory_space<vmem>>) target(%dma_start3A_202 : memref<640xf32, #tpu.memory_space<hbm>>) target_semaphore(%arg17 : memref<!tpu.dma_semaphore, #tpu.memory_space<semaphore_mem>>)
      %mul3A_206 = arith.constant 2 : i32
      %mul3A_207 = arith.muli %mul3A_206, %scan3A_141 : i32
      %add3A_208 = arith.constant 1 : i32
      %add3A_209 = arith.addi %mul3A_207, %add3A_208 : i32
      %dma_wait3A_210 = arith.constant 1 : i32
      %dma_wait3A_211 = arith.constant 1 : i32
      %dma_wait3A_212 = arith.constant 0 : i32
      %dma_wait3A_213 = arith.constant 0 : i32
      %dma_wait3A_214 = tpu.memref_slice %arg9[%dma_wait3A_211, %dma_wait3A_212, %dma_wait3A_213] : memref<2x40x128xf32, #tpu.memory_space<vmem>> -> memref<1x40x128xf32, #tpu.memory_space<vmem>>
      %dma_wait3A_215 = tpu.memref_squeeze %dma_wait3A_214 : memref<1x40x128xf32, #tpu.memory_space<vmem>> -> memref<40x128xf32, #tpu.memory_space<vmem>>
      %dma_wait3A_216 = arith.constant 0 : i32
      %dma_wait3A_217 = tpu.memref_slice %arg7[%dma_wait3A_210, %dma_wait3A_216] : memref<2x40xi32, #tpu.memory_space<vmem>> -> memref<1x40xi32, #tpu.memory_space<vmem>>
      %dma_wait3A_218 = tpu.memref_squeeze %dma_wait3A_217 : memref<1x40xi32, #tpu.memory_space<vmem>> -> memref<40xi32, #tpu.memory_space<vmem>>
      %dma_wait3A_219 = arith.constant 0 : i32
      %dma_wait3A_220 = arith.constant 0 : i32
      %dma_wait3A_221 = tpu.memref_slice %arg2[%dma_wait3A_219, %dma_wait3A_220] : memref<10000x128xf32, #tpu.memory_space<hbm>> -> memref<10000x128xf32, #tpu.memory_space<hbm>>
      tpu.wait_indirect_dma semaphore(%arg16 : memref<!tpu.dma_semaphore, #tpu.memory_space<semaphore_mem>>) src(%dma_wait3A_221 : memref<10000x128xf32, #tpu.memory_space<hbm>>) dst(%dma_wait3A_215 : memref<40x128xf32, #tpu.memory_space<vmem>>)
      %dma_wait3A_222 = arith.constant 1 : i32
      %dma_wait3A_223 = arith.constant 1 : i32
      %dma_wait3A_224 = arith.constant 0 : i32
      %dma_wait3A_225 = arith.constant 0 : i32
      %dma_wait3A_226 = tpu.memref_slice %arg10[%dma_wait3A_223, %dma_wait3A_224, %dma_wait3A_225] : memref<2x40x128xf32, #tpu.memory_space<vmem>> -> memref<1x40x128xf32, #tpu.memory_space<vmem>>
      %dma_wait3A_227 = tpu.memref_squeeze %dma_wait3A_226 : memref<1x40x128xf32, #tpu.memory_space<vmem>> -> memref<40x128xf32, #tpu.memory_space<vmem>>
      %dma_wait3A_228 = arith.constant 0 : i32
      %dma_wait3A_229 = tpu.memref_slice %arg8[%dma_wait3A_222, %dma_wait3A_228] : memref<2x40xi32, #tpu.memory_space<vmem>> -> memref<1x40xi32, #tpu.memory_space<vmem>>
      %dma_wait3A_230 = tpu.memref_squeeze %dma_wait3A_229 : memref<1x40xi32, #tpu.memory_space<vmem>> -> memref<40xi32, #tpu.memory_space<vmem>>
      %dma_wait3A_231 = arith.constant 0 : i32
      %dma_wait3A_232 = arith.constant 0 : i32
      %dma_wait3A_233 = tpu.memref_slice %arg3[%dma_wait3A_231, %dma_wait3A_232] : memref<10000x128xf32, #tpu.memory_space<hbm>> -> memref<10000x128xf32, #tpu.memory_space<hbm>>
      tpu.wait_indirect_dma semaphore(%arg16 : memref<!tpu.dma_semaphore, #tpu.memory_space<semaphore_mem>>) src(%dma_wait3A_233 : memref<10000x128xf32, #tpu.memory_space<hbm>>) dst(%dma_wait3A_227 : memref<40x128xf32, #tpu.memory_space<vmem>>)
      %add3A_234 = arith.constant 2 : i32
      %add3A_235 = arith.addi %add3A_209, %add3A_234 : i32
      %lt3A_236 = arith.constant 250 : i32
      %lt3A_237 = arith.cmpi slt, %add3A_235, %lt3A_236 : i32
      %convert_element_type3A_238 = arith.extui %lt3A_237 : i1 to i32
      %cond3A_239 = arith.constant 0 : i32
      %cond3A_240 = arith.cmpi ne, %convert_element_type3A_238, %cond3A_239 : i32
      scf.if %cond3A_240 {
        %add3A_275 = arith.constant 2 : i32
        %add3A_276 = arith.addi %add3A_209, %add3A_275 : i32
        %mul3A_277 = arith.constant 40 : i32
        %mul3A_278 = arith.muli %add3A_276, %mul3A_277 : i32
        %add3A_279 = arith.addi %mul3A_2, %mul3A_278 : i32
        %dma_start3A_280 = arith.constant 1 : i32
        %dma_start3A_281 = arith.constant 0 : i32
        %dma_start3A_282 = tpu.memref_slice %arg7[%dma_start3A_280, %dma_start3A_281] : memref<2x40xi32, #tpu.memory_space<vmem>> -> memref<1x40xi32, #tpu.memory_space<vmem>>
        %dma_start3A_283 = tpu.memref_squeeze %dma_start3A_282 : memref<1x40xi32, #tpu.memory_space<vmem>> -> memref<40xi32, #tpu.memory_space<vmem>>
        %dma_start3A_284 = tpu.memref_slice %arg4[%add3A_279] : memref<640000xi32, #tpu.memory_space<hbm>> -> memref<40xi32, #tpu.memory_space<hbm>>
        %dma_start3A_285 = arith.constant 0 : i32
        %dma_start3A_286 = tpu.memref_slice %arg7[%dma_start3A_280, %dma_start3A_285] : memref<2x40xi32, #tpu.memory_space<vmem>> -> memref<1x40xi32, #tpu.memory_space<vmem>>
        %dma_start3A_287 = tpu.memref_squeeze %dma_start3A_286 : memref<1x40xi32, #tpu.memory_space<vmem>> -> memref<40xi32, #tpu.memory_space<vmem>>
        %dma_start3A_288 = tpu.memref_slice %arg4[%add3A_279] : memref<640000xi32, #tpu.memory_space<hbm>> -> memref<40xi32, #tpu.memory_space<hbm>>
        tpu.enqueue_dma source(%dma_start3A_288 : memref<40xi32, #tpu.memory_space<hbm>>) target(%dma_start3A_287 : memref<40xi32, #tpu.memory_space<vmem>>) target_semaphore(%arg14 : memref<!tpu.dma_semaphore, #tpu.memory_space<semaphore_mem>>)
        %add3A_289 = arith.constant 320000 : i32
        %add3A_290 = arith.addi %add3A_289, %add3A_279 : i32
        %dma_start3A_291 = arith.constant 1 : i32
        %dma_start3A_292 = arith.constant 0 : i32
        %dma_start3A_293 = tpu.memref_slice %arg8[%dma_start3A_291, %dma_start3A_292] : memref<2x40xi32, #tpu.memory_space<vmem>> -> memref<1x40xi32, #tpu.memory_space<vmem>>
        %dma_start3A_294 = tpu.memref_squeeze %dma_start3A_293 : memref<1x40xi32, #tpu.memory_space<vmem>> -> memref<40xi32, #tpu.memory_space<vmem>>
        %dma_start3A_295 = tpu.memref_slice %arg4[%add3A_290] : memref<640000xi32, #tpu.memory_space<hbm>> -> memref<40xi32, #tpu.memory_space<hbm>>
        %dma_start3A_296 = arith.constant 0 : i32
        %dma_start3A_297 = tpu.memref_slice %arg8[%dma_start3A_291, %dma_start3A_296] : memref<2x40xi32, #tpu.memory_space<vmem>> -> memref<1x40xi32, #tpu.memory_space<vmem>>
        %dma_start3A_298 = tpu.memref_squeeze %dma_start3A_297 : memref<1x40xi32, #tpu.memory_space<vmem>> -> memref<40xi32, #tpu.memory_space<vmem>>
        %dma_start3A_299 = tpu.memref_slice %arg4[%add3A_290] : memref<640000xi32, #tpu.memory_space<hbm>> -> memref<40xi32, #tpu.memory_space<hbm>>
        tpu.enqueue_dma source(%dma_start3A_299 : memref<40xi32, #tpu.memory_space<hbm>>) target(%dma_start3A_298 : memref<40xi32, #tpu.memory_space<vmem>>) target_semaphore(%arg14 : memref<!tpu.dma_semaphore, #tpu.memory_space<semaphore_mem>>)
      } else {
      }
      %add3A_241 = arith.constant 2 : i32
      %add3A_242 = arith.addi %add3A_209, %add3A_241 : i32
      %sub3A_243 = arith.constant 1 : i32
      %sub3A_244 = arith.subi %add3A_242, %sub3A_243 : i32
      %lt3A_245 = arith.constant 250 : i32
      %lt3A_246 = arith.cmpi slt, %sub3A_244, %lt3A_245 : i32
      %convert_element_type3A_247 = arith.extui %lt3A_246 : i1 to i32
      %cond3A_248 = arith.constant 0 : i32
      %cond3A_249 = arith.cmpi ne, %convert_element_type3A_247, %cond3A_248 : i32
      scf.if %cond3A_249 {
        %dma_wait3A_275 = arith.constant 0 : i32
        %dma_wait3A_276 = arith.constant 0 : i32
        %dma_wait3A_277 = tpu.memref_slice %arg7[%dma_wait3A_275, %dma_wait3A_276] : memref<2x40xi32, #tpu.memory_space<vmem>> -> memref<1x40xi32, #tpu.memory_space<vmem>>
        %dma_wait3A_278 = tpu.memref_squeeze %dma_wait3A_277 : memref<1x40xi32, #tpu.memory_space<vmem>> -> memref<40xi32, #tpu.memory_space<vmem>>
        %dma_wait3A_279 = arith.constant 0 : i32
        %dma_wait3A_280 = tpu.memref_slice %arg4[%dma_wait3A_279] : memref<640000xi32, #tpu.memory_space<hbm>> -> memref<40xi32, #tpu.memory_space<hbm>>
        %dma_wait3A_281 = arith.constant 0 : i32
        %dma_wait3A_282 = tpu.memref_slice %arg7[%dma_wait3A_275, %dma_wait3A_281] : memref<2x40xi32, #tpu.memory_space<vmem>> -> memref<1x40xi32, #tpu.memory_space<vmem>>
        %dma_wait3A_283 = tpu.memref_squeeze %dma_wait3A_282 : memref<1x40xi32, #tpu.memory_space<vmem>> -> memref<40xi32, #tpu.memory_space<vmem>>
        %dma_wait3A_284 = arith.constant 0 : i32
        %dma_wait3A_285 = tpu.memref_slice %arg4[%dma_wait3A_284] : memref<640000xi32, #tpu.memory_space<hbm>> -> memref<40xi32, #tpu.memory_space<hbm>>
        tpu.wait_dma2 semaphore(%arg13 : memref<!tpu.dma_semaphore, #tpu.memory_space<semaphore_mem>>) src(%dma_wait3A_285 : memref<40xi32, #tpu.memory_space<hbm>>) dst(%dma_wait3A_283 : memref<40xi32, #tpu.memory_space<vmem>>)
        %dma_wait3A_286 = arith.constant 0 : i32
        %dma_wait3A_287 = arith.constant 0 : i32
        %dma_wait3A_288 = tpu.memref_slice %arg8[%dma_wait3A_286, %dma_wait3A_287] : memref<2x40xi32, #tpu.memory_space<vmem>> -> memref<1x40xi32, #tpu.memory_space<vmem>>
        %dma_wait3A_289 = tpu.memref_squeeze %dma_wait3A_288 : memref<1x40xi32, #tpu.memory_space<vmem>> -> memref<40xi32, #tpu.memory_space<vmem>>
        %dma_wait3A_290 = arith.constant 0 : i32
        %dma_wait3A_291 = tpu.memref_slice %arg4[%dma_wait3A_290] : memref<640000xi32, #tpu.memory_space<hbm>> -> memref<40xi32, #tpu.memory_space<hbm>>
        %dma_wait3A_292 = arith.constant 0 : i32
        %dma_wait3A_293 = tpu.memref_slice %arg8[%dma_wait3A_286, %dma_wait3A_292] : memref<2x40xi32, #tpu.memory_space<vmem>> -> memref<1x40xi32, #tpu.memory_space<vmem>>
        %dma_wait3A_294 = tpu.memref_squeeze %dma_wait3A_293 : memref<1x40xi32, #tpu.memory_space<vmem>> -> memref<40xi32, #tpu.memory_space<vmem>>
        %dma_wait3A_295 = arith.constant 0 : i32
        %dma_wait3A_296 = tpu.memref_slice %arg4[%dma_wait3A_295] : memref<640000xi32, #tpu.memory_space<hbm>> -> memref<40xi32, #tpu.memory_space<hbm>>
        tpu.wait_dma2 semaphore(%arg13 : memref<!tpu.dma_semaphore, #tpu.memory_space<semaphore_mem>>) src(%dma_wait3A_296 : memref<40xi32, #tpu.memory_space<hbm>>) dst(%dma_wait3A_294 : memref<40xi32, #tpu.memory_space<vmem>>)
        %dma_start3A_297 = arith.constant 0 : i32
        %dma_start3A_298 = arith.constant 0 : i32
        %dma_start3A_299 = arith.constant 0 : i32
        %dma_start3A_300 = arith.constant 0 : i32
        %dma_start3A_301 = tpu.memref_slice %arg9[%dma_start3A_298, %dma_start3A_299, %dma_start3A_300] : memref<2x40x128xf32, #tpu.memory_space<vmem>> -> memref<1x40x128xf32, #tpu.memory_space<vmem>>
        %dma_start3A_302 = tpu.memref_squeeze %dma_start3A_301 : memref<1x40x128xf32, #tpu.memory_space<vmem>> -> memref<40x128xf32, #tpu.memory_space<vmem>>
        %dma_start3A_303 = arith.constant 0 : i32
        %dma_start3A_304 = tpu.memref_slice %arg7[%dma_start3A_297, %dma_start3A_303] : memref<2x40xi32, #tpu.memory_space<vmem>> -> memref<1x40xi32, #tpu.memory_space<vmem>>
        %dma_start3A_305 = tpu.memref_squeeze %dma_start3A_304 : memref<1x40xi32, #tpu.memory_space<vmem>> -> memref<40xi32, #tpu.memory_space<vmem>>
        %dma_start3A_306 = arith.constant 0 : i32
        %dma_start3A_307 = arith.constant 0 : i32
        %dma_start3A_308 = tpu.memref_slice %arg2[%dma_start3A_306, %dma_start3A_307] : memref<10000x128xf32, #tpu.memory_space<hbm>> -> memref<10000x128xf32, #tpu.memory_space<hbm>>
        tpu.enqueue_indirect_dma source(%dma_start3A_308 : memref<10000x128xf32, #tpu.memory_space<hbm>>) target(%dma_start3A_302 : memref<40x128xf32, #tpu.memory_space<vmem>>) offsets(%dma_start3A_305 : memref<40xi32, #tpu.memory_space<vmem>>) semaphore(%arg15 : memref<!tpu.dma_semaphore, #tpu.memory_space<semaphore_mem>>)
        %dma_start3A_309 = arith.constant 0 : i32
        %dma_start3A_310 = arith.constant 0 : i32
        %dma_start3A_311 = arith.constant 0 : i32
        %dma_start3A_312 = arith.constant 0 : i32
        %dma_start3A_313 = tpu.memref_slice %arg10[%dma_start3A_310, %dma_start3A_311, %dma_start3A_312] : memref<2x40x128xf32, #tpu.memory_space<vmem>> -> memref<1x40x128xf32, #tpu.memory_space<vmem>>
        %dma_start3A_314 = tpu.memref_squeeze %dma_start3A_313 : memref<1x40x128xf32, #tpu.memory_space<vmem>> -> memref<40x128xf32, #tpu.memory_space<vmem>>
        %dma_start3A_315 = arith.constant 0 : i32
        %dma_start3A_316 = tpu.memref_slice %arg8[%dma_start3A_309, %dma_start3A_315] : memref<2x40xi32, #tpu.memory_space<vmem>> -> memref<1x40xi32, #tpu.memory_space<vmem>>
        %dma_start3A_317 = tpu.memref_squeeze %dma_start3A_316 : memref<1x40xi32, #tpu.memory_space<vmem>> -> memref<40xi32, #tpu.memory_space<vmem>>
        %dma_start3A_318 = arith.constant 0 : i32
        %dma_start3A_319 = arith.constant 0 : i32
        %dma_start3A_320 = tpu.memref_slice %arg3[%dma_start3A_318, %dma_start3A_319] : memref<10000x128xf32, #tpu.memory_space<hbm>> -> memref<10000x128xf32, #tpu.memory_space<hbm>>
        tpu.enqueue_indirect_dma source(%dma_start3A_320 : memref<10000x128xf32, #tpu.memory_space<hbm>>) target(%dma_start3A_314 : memref<40x128xf32, #tpu.memory_space<vmem>>) offsets(%dma_start3A_317 : memref<40xi32, #tpu.memory_space<vmem>>) semaphore(%arg15 : memref<!tpu.dma_semaphore, #tpu.memory_space<semaphore_mem>>)
      } else {
      }
      %ge3A_250 = arith.constant 2 : i32
      %ge3A_251 = arith.cmpi sge, %add3A_209, %ge3A_250 : i32
      %convert_element_type3A_252 = arith.extui %ge3A_251 : i1 to i32
      %cond3A_253 = arith.constant 0 : i32
      %cond3A_254 = arith.cmpi ne, %convert_element_type3A_252, %cond3A_253 : i32
      scf.if %cond3A_254 {
        %dma_wait3A_275 = arith.constant 1 : i32
        %dma_wait3A_276 = arith.constant 0 : i32
        %dma_wait3A_277 = tpu.memref_slice %arg11[%dma_wait3A_275, %dma_wait3A_276] : memref<2x640xf32, #tpu.memory_space<vmem>> -> memref<1x640xf32, #tpu.memory_space<vmem>>
        %dma_wait3A_278 = tpu.memref_squeeze %dma_wait3A_277 : memref<1x640xf32, #tpu.memory_space<vmem>> -> memref<640xf32, #tpu.memory_space<vmem>>
        %dma_wait3A_279 = arith.constant 0 : i32
        %dma_wait3A_280 = tpu.memref_slice %arg6[%dma_wait3A_279] : memref<5120000xf32, #tpu.memory_space<hbm>> -> memref<640xf32, #tpu.memory_space<hbm>>
        %dma_wait3A_281 = arith.constant 0 : i32
        %dma_wait3A_282 = tpu.memref_slice %arg6[%dma_wait3A_281] : memref<5120000xf32, #tpu.memory_space<hbm>> -> memref<640xf32, #tpu.memory_space<hbm>>
        %dma_wait3A_283 = arith.constant 0 : i32
        %dma_wait3A_284 = tpu.memref_slice %arg11[%dma_wait3A_275, %dma_wait3A_283] : memref<2x640xf32, #tpu.memory_space<vmem>> -> memref<1x640xf32, #tpu.memory_space<vmem>>
        %dma_wait3A_285 = tpu.memref_squeeze %dma_wait3A_284 : memref<1x640xf32, #tpu.memory_space<vmem>> -> memref<640xf32, #tpu.memory_space<vmem>>
        tpu.wait_dma2 semaphore(%arg18 : memref<!tpu.dma_semaphore, #tpu.memory_space<semaphore_mem>>) src(%dma_wait3A_285 : memref<640xf32, #tpu.memory_space<vmem>>) dst(%dma_wait3A_282 : memref<640xf32, #tpu.memory_space<hbm>>)
      } else {
      }
      %scan3A_255 = arith.constant 0 : i32
      %scan3A_256 = arith.constant 0 : i32
      %scan3A_257 = arith.constant 40 : i32
      %scan3A_258 = arith.addi %scan3A_256, %scan3A_257 : i32
      %scan3A_259 = arith.constant 4 : i32
      scf.for %scan3A_275 = %scan3A_256 to %scan3A_258 step %scan3A_259  : i32 {
        %broadcast_in_dim3A = arith.constant 0.000000e+00 : f32
        %broadcast_in_dim3A_276 = vector.broadcast %broadcast_in_dim3A : f32 to vector<16xf32>
        %broadcast_in_dim3A_277 = arith.constant 0.000000e+00 : f32
        %broadcast_in_dim3A_278 = vector.broadcast %broadcast_in_dim3A_277 : f32 to vector<16xf32>
        %get3A_279 = arith.constant 1 : i32
        %get3A_280 = arith.index_cast %get3A_279 : i32 to index
        %get3A_281 = arith.index_cast %scan3A_275 : i32 to index
        %get3A_282 = arith.constant 0 : index
        %get3A_283 = tpu.vector_load %arg9[%get3A_280, %get3A_281, %get3A_282] {strides = array<i32>} : memref<2x40x128xf32, #tpu.memory_space<vmem>>, vector<1x1x16xf32>,
        %get3A_284 = vector.shape_cast %get3A_283 : vector<1x1x16xf32> to vector<16xf32>
        %get3A_285 = arith.constant 1 : i32
        %get3A_286 = arith.index_cast %get3A_285 : i32 to index
        %get3A_287 = arith.index_cast %scan3A_275 : i32 to index
        %get3A_288 = arith.constant 0 : index
        %get3A_289 = tpu.vector_load %arg10[%get3A_286, %get3A_287, %get3A_288] {strides = array<i32>} : memref<2x40x128xf32, #tpu.memory_space<vmem>>, vector<1x1x16xf32>,
        %get3A_290 = vector.shape_cast %get3A_289 : vector<1x1x16xf32> to vector<16xf32>
        %add3A_291 = arith.addf %get3A_284, %get3A_290 : vector<16xf32>
        %max3A = arith.constant 0.000000e+00 : f32
        %max3A_292 = vector.broadcast %max3A : f32 to vector<16xf32>
        %max3A_293 = arith.maximumf %add3A_291, %max3A_292 : vector<16xf32>
        %mul3A_294 = arith.mulf %max3A_293, %get3A_4 : vector<16xf32>
        %add3A_295 = arith.addf %broadcast_in_dim3A_276, %mul3A_294 : vector<16xf32>
        %get3A_296 = arith.constant 1 : i32
        %get3A_297 = arith.index_cast %get3A_296 : i32 to index
        %get3A_298 = arith.index_cast %scan3A_275 : i32 to index
        %get3A_299 = arith.constant 16 : index
        %get3A_300 = tpu.vector_load %arg9[%get3A_297, %get3A_298, %get3A_299] {strides = array<i32>} : memref<2x40x128xf32, #tpu.memory_space<vmem>>, vector<1x1x16xf32>,
        %get3A_301 = vector.shape_cast %get3A_300 : vector<1x1x16xf32> to vector<16xf32>
        %get3A_302 = arith.constant 1 : i32
        %get3A_303 = arith.index_cast %get3A_302 : i32 to index
        %get3A_304 = arith.index_cast %scan3A_275 : i32 to index
        %get3A_305 = arith.constant 16 : index
        %get3A_306 = tpu.vector_load %arg10[%get3A_303, %get3A_304, %get3A_305] {strides = array<i32>} : memref<2x40x128xf32, #tpu.memory_space<vmem>>, vector<1x1x16xf32>,
        %get3A_307 = vector.shape_cast %get3A_306 : vector<1x1x16xf32> to vector<16xf32>
        %add3A_308 = arith.addf %get3A_301, %get3A_307 : vector<16xf32>
        %max3A_309 = arith.constant 0.000000e+00 : f32
        %max3A_310 = vector.broadcast %max3A_309 : f32 to vector<16xf32>
        %max3A_311 = arith.maximumf %add3A_308, %max3A_310 : vector<16xf32>
        %mul3A_312 = arith.mulf %max3A_311, %get3A_7 : vector<16xf32>
        %add3A_313 = arith.addf %broadcast_in_dim3A_278, %mul3A_312 : vector<16xf32>
        %get3A_314 = arith.constant 1 : i32
        %get3A_315 = arith.index_cast %get3A_314 : i32 to index
        %get3A_316 = arith.index_cast %scan3A_275 : i32 to index
        %get3A_317 = arith.constant 32 : index
        %get3A_318 = tpu.vector_load %arg9[%get3A_315, %get3A_316, %get3A_317] {strides = array<i32>} : memref<2x40x128xf32, #tpu.memory_space<vmem>>, vector<1x1x16xf32>,
        %get3A_319 = vector.shape_cast %get3A_318 : vector<1x1x16xf32> to vector<16xf32>
        %get3A_320 = arith.constant 1 : i32
        %get3A_321 = arith.index_cast %get3A_320 : i32 to index
        %get3A_322 = arith.index_cast %scan3A_275 : i32 to index
        %get3A_323 = arith.constant 32 : index
        %get3A_324 = tpu.vector_load %arg10[%get3A_321, %get3A_322, %get3A_323] {strides = array<i32>} : memref<2x40x128xf32, #tpu.memory_space<vmem>>, vector<1x1x16xf32>,
        %get3A_325 = vector.shape_cast %get3A_324 : vector<1x1x16xf32> to vector<16xf32>
        %add3A_326 = arith.addf %get3A_319, %get3A_325 : vector<16xf32>
        %max3A_327 = arith.constant 0.000000e+00 : f32
        %max3A_328 = vector.broadcast %max3A_327 : f32 to vector<16xf32>
        %max3A_329 = arith.maximumf %add3A_326, %max3A_328 : vector<16xf32>
        %mul3A_330 = arith.mulf %max3A_329, %get3A_10 : vector<16xf32>
        %add3A_331 = arith.addf %add3A_295, %mul3A_330 : vector<16xf32>
        %get3A_332 = arith.constant 1 : i32
        %get3A_333 = arith.index_cast %get3A_332 : i32 to index
        %get3A_334 = arith.index_cast %scan3A_275 : i32 to index
        %get3A_335 = arith.constant 48 : index
        %get3A_336 = tpu.vector_load %arg9[%get3A_333, %get3A_334, %get3A_335] {strides = array<i32>} : memref<2x40x128xf32, #tpu.memory_space<vmem>>, vector<1x1x16xf32>,
        %get3A_337 = vector.shape_cast %get3A_336 : vector<1x1x16xf32> to vector<16xf32>
        %get3A_338 = arith.constant 1 : i32
        %get3A_339 = arith.index_cast %get3A_338 : i32 to index
        %get3A_340 = arith.index_cast %scan3A_275 : i32 to index
        %get3A_341 = arith.constant 48 : index
        %get3A_342 = tpu.vector_load %arg10[%get3A_339, %get3A_340, %get3A_341] {strides = array<i32>} : memref<2x40x128xf32, #tpu.memory_space<vmem>>, vector<1x1x16xf32>,
        %get3A_343 = vector.shape_cast %get3A_342 : vector<1x1x16xf32> to vector<16xf32>
        %add3A_344 = arith.addf %get3A_337, %get3A_343 : vector<16xf32>
        %max3A_345 = arith.constant 0.000000e+00 : f32
        %max3A_346 = vector.broadcast %max3A_345 : f32 to vector<16xf32>
        %max3A_347 = arith.maximumf %add3A_344, %max3A_346 : vector<16xf32>
        %mul3A_348 = arith.mulf %max3A_347, %get3A_13 : vector<16xf32>
        %add3A_349 = arith.addf %add3A_313, %mul3A_348 : vector<16xf32>
        %get3A_350 = arith.constant 1 : i32
        %get3A_351 = arith.index_cast %get3A_350 : i32 to index
        %get3A_352 = arith.index_cast %scan3A_275 : i32 to index
        %get3A_353 = arith.constant 64 : index
        %get3A_354 = tpu.vector_load %arg9[%get3A_351, %get3A_352, %get3A_353] {strides = array<i32>} : memref<2x40x128xf32, #tpu.memory_space<vmem>>, vector<1x1x16xf32>,
        %get3A_355 = vector.shape_cast %get3A_354 : vector<1x1x16xf32> to vector<16xf32>
        %get3A_356 = arith.constant 1 : i32
        %get3A_357 = arith.index_cast %get3A_356 : i32 to index
        %get3A_358 = arith.index_cast %scan3A_275 : i32 to index
        %get3A_359 = arith.constant 64 : index
        %get3A_360 = tpu.vector_load %arg10[%get3A_357, %get3A_358, %get3A_359] {strides = array<i32>} : memref<2x40x128xf32, #tpu.memory_space<vmem>>, vector<1x1x16xf32>,
        %get3A_361 = vector.shape_cast %get3A_360 : vector<1x1x16xf32> to vector<16xf32>
        %add3A_362 = arith.addf %get3A_355, %get3A_361 : vector<16xf32>
        %max3A_363 = arith.constant 0.000000e+00 : f32
        %max3A_364 = vector.broadcast %max3A_363 : f32 to vector<16xf32>
        %max3A_365 = arith.maximumf %add3A_362, %max3A_364 : vector<16xf32>
        %mul3A_366 = arith.mulf %max3A_365, %get3A_16 : vector<16xf32>
        %add3A_367 = arith.addf %add3A_331, %mul3A_366 : vector<16xf32>
        %get3A_368 = arith.constant 1 : i32
        %get3A_369 = arith.index_cast %get3A_368 : i32 to index
        %get3A_370 = arith.index_cast %scan3A_275 : i32 to index
        %get3A_371 = arith.constant 80 : index
        %get3A_372 = tpu.vector_load %arg9[%get3A_369, %get3A_370, %get3A_371] {strides = array<i32>} : memref<2x40x128xf32, #tpu.memory_space<vmem>>, vector<1x1x16xf32>,
        %get3A_373 = vector.shape_cast %get3A_372 : vector<1x1x16xf32> to vector<16xf32>
        %get3A_374 = arith.constant 1 : i32
        %get3A_375 = arith.index_cast %get3A_374 : i32 to index
        %get3A_376 = arith.index_cast %scan3A_275 : i32 to index
        %get3A_377 = arith.constant 80 : index
        %get3A_378 = tpu.vector_load %arg10[%get3A_375, %get3A_376, %get3A_377] {strides = array<i32>} : memref<2x40x128xf32, #tpu.memory_space<vmem>>, vector<1x1x16xf32>,
        %get3A_379 = vector.shape_cast %get3A_378 : vector<1x1x16xf32> to vector<16xf32>
        %add3A_380 = arith.addf %get3A_373, %get3A_379 : vector<16xf32>
        %max3A_381 = arith.constant 0.000000e+00 : f32
        %max3A_382 = vector.broadcast %max3A_381 : f32 to vector<16xf32>
        %max3A_383 = arith.maximumf %add3A_380, %max3A_382 : vector<16xf32>
        %mul3A_384 = arith.mulf %max3A_383, %get3A_19 : vector<16xf32>
        %add3A_385 = arith.addf %add3A_349, %mul3A_384 : vector<16xf32>
        %get3A_386 = arith.constant 1 : i32
        %get3A_387 = arith.index_cast %get3A_386 : i32 to index
        %get3A_388 = arith.index_cast %scan3A_275 : i32 to index
        %get3A_389 = arith.constant 96 : index
        %get3A_390 = tpu.vector_load %arg9[%get3A_387, %get3A_388, %get3A_389] {strides = array<i32>} : memref<2x40x128xf32, #tpu.memory_space<vmem>>, vector<1x1x16xf32>,
        %get3A_391 = vector.shape_cast %get3A_390 : vector<1x1x16xf32> to vector<16xf32>
        %get3A_392 = arith.constant 1 : i32
        %get3A_393 = arith.index_cast %get3A_392 : i32 to index
        %get3A_394 = arith.index_cast %scan3A_275 : i32 to index
        %get3A_395 = arith.constant 96 : index
        %get3A_396 = tpu.vector_load %arg10[%get3A_393, %get3A_394, %get3A_395] {strides = array<i32>} : memref<2x40x128xf32, #tpu.memory_space<vmem>>, vector<1x1x16xf32>,
        %get3A_397 = vector.shape_cast %get3A_396 : vector<1x1x16xf32> to vector<16xf32>
        %add3A_398 = arith.addf %get3A_391, %get3A_397 : vector<16xf32>
        %max3A_399 = arith.constant 0.000000e+00 : f32
        %max3A_400 = vector.broadcast %max3A_399 : f32 to vector<16xf32>
        %max3A_401 = arith.maximumf %add3A_398, %max3A_400 : vector<16xf32>
        %mul3A_402 = arith.mulf %max3A_401, %get3A_22 : vector<16xf32>
        %add3A_403 = arith.addf %add3A_367, %mul3A_402 : vector<16xf32>
        %get3A_404 = arith.constant 1 : i32
        %get3A_405 = arith.index_cast %get3A_404 : i32 to index
        %get3A_406 = arith.index_cast %scan3A_275 : i32 to index
        %get3A_407 = arith.constant 112 : index
        %get3A_408 = tpu.vector_load %arg9[%get3A_405, %get3A_406, %get3A_407] {strides = array<i32>} : memref<2x40x128xf32, #tpu.memory_space<vmem>>, vector<1x1x16xf32>,
        %get3A_409 = vector.shape_cast %get3A_408 : vector<1x1x16xf32> to vector<16xf32>
        %get3A_410 = arith.constant 1 : i32
        %get3A_411 = arith.index_cast %get3A_410 : i32 to index
        %get3A_412 = arith.index_cast %scan3A_275 : i32 to index
        %get3A_413 = arith.constant 112 : index
        %get3A_414 = tpu.vector_load %arg10[%get3A_411, %get3A_412, %get3A_413] {strides = array<i32>} : memref<2x40x128xf32, #tpu.memory_space<vmem>>, vector<1x1x16xf32>,
        %get3A_415 = vector.shape_cast %get3A_414 : vector<1x1x16xf32> to vector<16xf32>
        %add3A_416 = arith.addf %get3A_409, %get3A_415 : vector<16xf32>
        %max3A_417 = arith.constant 0.000000e+00 : f32
        %max3A_418 = vector.broadcast %max3A_417 : f32 to vector<16xf32>
        %max3A_419 = arith.maximumf %add3A_416, %max3A_418 : vector<16xf32>
        %mul3A_420 = arith.mulf %max3A_419, %get3A_25 : vector<16xf32>
        %add3A_421 = arith.addf %add3A_385, %mul3A_420 : vector<16xf32>
        %add3A_422 = arith.addf %add3A_403, %add3A_421 : vector<16xf32>
        %mul3A_423 = arith.constant 16 : i32
        %mul3A_424 = arith.muli %scan3A_275, %mul3A_423 : i32
        %swap3A = arith.constant 1 : i32
        %swap3A_425 = arith.index_cast %swap3A : i32 to index
        %swap3A_426 = arith.index_cast %mul3A_424 : i32 to index
        %swap3A_427 = tpu.vector_load %arg11[%swap3A_425, %swap3A_426] {strides = array<i32>} : memref<2x640xf32, #tpu.memory_space<vmem>>, vector<1x16xf32>,
        %swap3A_428 = vector.shape_cast %swap3A_427 : vector<1x16xf32> to vector<16xf32>
        %swap3A_429 = vector.shape_cast %add3A_422 : vector<16xf32> to vector<1x16xf32>
        tpu.vector_store %arg11[%swap3A_425, %swap3A_426], %swap3A_429 {strides = array<i32>} : memref<2x640xf32, #tpu.memory_space<vmem>>, vector<1x16xf32>,
        %scan3A_430 = arith.constant 1 : i32
        %scan3A_431 = arith.addi %scan3A_275, %scan3A_430 : i32
        %broadcast_in_dim3A_432 = arith.constant 0.000000e+00 : f32
        %broadcast_in_dim3A_433 = vector.broadcast %broadcast_in_dim3A_432 : f32 to vector<16xf32>
        %broadcast_in_dim3A_434 = arith.constant 0.000000e+00 : f32
        %broadcast_in_dim3A_435 = vector.broadcast %broadcast_in_dim3A_434 : f32 to vector<16xf32>
        %get3A_436 = arith.constant 1 : i32
        %get3A_437 = arith.index_cast %get3A_436 : i32 to index
        %get3A_438 = arith.index_cast %scan3A_431 : i32 to index
        %get3A_439 = arith.constant 0 : index
        %get3A_440 = tpu.vector_load %arg9[%get3A_437, %get3A_438, %get3A_439] {strides = array<i32>} : memref<2x40x128xf32, #tpu.memory_space<vmem>>, vector<1x1x16xf32>,
        %get3A_441 = vector.shape_cast %get3A_440 : vector<1x1x16xf32> to vector<16xf32>
        %get3A_442 = arith.constant 1 : i32
        %get3A_443 = arith.index_cast %get3A_442 : i32 to index
        %get3A_444 = arith.index_cast %scan3A_431 : i32 to index
        %get3A_445 = arith.constant 0 : index
        %get3A_446 = tpu.vector_load %arg10[%get3A_443, %get3A_444, %get3A_445] {strides = array<i32>} : memref<2x40x128xf32, #tpu.memory_space<vmem>>, vector<1x1x16xf32>,
        %get3A_447 = vector.shape_cast %get3A_446 : vector<1x1x16xf32> to vector<16xf32>
        %add3A_448 = arith.addf %get3A_441, %get3A_447 : vector<16xf32>
        %max3A_449 = arith.constant 0.000000e+00 : f32
        %max3A_450 = vector.broadcast %max3A_449 : f32 to vector<16xf32>
        %max3A_451 = arith.maximumf %add3A_448, %max3A_450 : vector<16xf32>
        %mul3A_452 = arith.mulf %max3A_451, %get3A_4 : vector<16xf32>
        %add3A_453 = arith.addf %broadcast_in_dim3A_433, %mul3A_452 : vector<16xf32>
        %get3A_454 = arith.constant 1 : i32
        %get3A_455 = arith.index_cast %get3A_454 : i32 to index
        %get3A_456 = arith.index_cast %scan3A_431 : i32 to index
        %get3A_457 = arith.constant 16 : index
        %get3A_458 = tpu.vector_load %arg9[%get3A_455, %get3A_456, %get3A_457] {strides = array<i32>} : memref<2x40x128xf32, #tpu.memory_space<vmem>>, vector<1x1x16xf32>,
        %get3A_459 = vector.shape_cast %get3A_458 : vector<1x1x16xf32> to vector<16xf32>
        %get3A_460 = arith.constant 1 : i32
        %get3A_461 = arith.index_cast %get3A_460 : i32 to index
        %get3A_462 = arith.index_cast %scan3A_431 : i32 to index
        %get3A_463 = arith.constant 16 : index
        %get3A_464 = tpu.vector_load %arg10[%get3A_461, %get3A_462, %get3A_463] {strides = array<i32>} : memref<2x40x128xf32, #tpu.memory_space<vmem>>, vector<1x1x16xf32>,
        %get3A_465 = vector.shape_cast %get3A_464 : vector<1x1x16xf32> to vector<16xf32>
        %add3A_466 = arith.addf %get3A_459, %get3A_465 : vector<16xf32>
        %max3A_467 = arith.constant 0.000000e+00 : f32
        %max3A_468 = vector.broadcast %max3A_467 : f32 to vector<16xf32>
        %max3A_469 = arith.maximumf %add3A_466, %max3A_468 : vector<16xf32>
        %mul3A_470 = arith.mulf %max3A_469, %get3A_7 : vector<16xf32>
        %add3A_471 = arith.addf %broadcast_in_dim3A_435, %mul3A_470 : vector<16xf32>
        %get3A_472 = arith.constant 1 : i32
        %get3A_473 = arith.index_cast %get3A_472 : i32 to index
        %get3A_474 = arith.index_cast %scan3A_431 : i32 to index
        %get3A_475 = arith.constant 32 : index
        %get3A_476 = tpu.vector_load %arg9[%get3A_473, %get3A_474, %get3A_475] {strides = array<i32>} : memref<2x40x128xf32, #tpu.memory_space<vmem>>, vector<1x1x16xf32>,
        %get3A_477 = vector.shape_cast %get3A_476 : vector<1x1x16xf32> to vector<16xf32>
        %get3A_478 = arith.constant 1 : i32
        %get3A_479 = arith.index_cast %get3A_478 : i32 to index
        %get3A_480 = arith.index_cast %scan3A_431 : i32 to index
        %get3A_481 = arith.constant 32 : index
        %get3A_482 = tpu.vector_load %arg10[%get3A_479, %get3A_480, %get3A_481] {strides = array<i32>} : memref<2x40x128xf32, #tpu.memory_space<vmem>>, vector<1x1x16xf32>,
        %get3A_483 = vector.shape_cast %get3A_482 : vector<1x1x16xf32> to vector<16xf32>
        %add3A_484 = arith.addf %get3A_477, %get3A_483 : vector<16xf32>
        %max3A_485 = arith.constant 0.000000e+00 : f32
        %max3A_486 = vector.broadcast %max3A_485 : f32 to vector<16xf32>
        %max3A_487 = arith.maximumf %add3A_484, %max3A_486 : vector<16xf32>
        %mul3A_488 = arith.mulf %max3A_487, %get3A_10 : vector<16xf32>
        %add3A_489 = arith.addf %add3A_453, %mul3A_488 : vector<16xf32>
        %get3A_490 = arith.constant 1 : i32
        %get3A_491 = arith.index_cast %get3A_490 : i32 to index
        %get3A_492 = arith.index_cast %scan3A_431 : i32 to index
        %get3A_493 = arith.constant 48 : index
        %get3A_494 = tpu.vector_load %arg9[%get3A_491, %get3A_492, %get3A_493] {strides = array<i32>} : memref<2x40x128xf32, #tpu.memory_space<vmem>>, vector<1x1x16xf32>,
        %get3A_495 = vector.shape_cast %get3A_494 : vector<1x1x16xf32> to vector<16xf32>
        %get3A_496 = arith.constant 1 : i32
        %get3A_497 = arith.index_cast %get3A_496 : i32 to index
        %get3A_498 = arith.index_cast %scan3A_431 : i32 to index
        %get3A_499 = arith.constant 48 : index
        %get3A_500 = tpu.vector_load %arg10[%get3A_497, %get3A_498, %get3A_499] {strides = array<i32>} : memref<2x40x128xf32, #tpu.memory_space<vmem>>, vector<1x1x16xf32>,
        %get3A_501 = vector.shape_cast %get3A_500 : vector<1x1x16xf32> to vector<16xf32>
        %add3A_502 = arith.addf %get3A_495, %get3A_501 : vector<16xf32>
        %max3A_503 = arith.constant 0.000000e+00 : f32
        %max3A_504 = vector.broadcast %max3A_503 : f32 to vector<16xf32>
        %max3A_505 = arith.maximumf %add3A_502, %max3A_504 : vector<16xf32>
        %mul3A_506 = arith.mulf %max3A_505, %get3A_13 : vector<16xf32>
        %add3A_507 = arith.addf %add3A_471, %mul3A_506 : vector<16xf32>
        %get3A_508 = arith.constant 1 : i32
        %get3A_509 = arith.index_cast %get3A_508 : i32 to index
        %get3A_510 = arith.index_cast %scan3A_431 : i32 to index
        %get3A_511 = arith.constant 64 : index
        %get3A_512 = tpu.vector_load %arg9[%get3A_509, %get3A_510, %get3A_511] {strides = array<i32>} : memref<2x40x128xf32, #tpu.memory_space<vmem>>, vector<1x1x16xf32>,
        %get3A_513 = vector.shape_cast %get3A_512 : vector<1x1x16xf32> to vector<16xf32>
        %get3A_514 = arith.constant 1 : i32
        %get3A_515 = arith.index_cast %get3A_514 : i32 to index
        %get3A_516 = arith.index_cast %scan3A_431 : i32 to index
        %get3A_517 = arith.constant 64 : index
        %get3A_518 = tpu.vector_load %arg10[%get3A_515, %get3A_516, %get3A_517] {strides = array<i32>} : memref<2x40x128xf32, #tpu.memory_space<vmem>>, vector<1x1x16xf32>,
        %get3A_519 = vector.shape_cast %get3A_518 : vector<1x1x16xf32> to vector<16xf32>
        %add3A_520 = arith.addf %get3A_513, %get3A_519 : vector<16xf32>
        %max3A_521 = arith.constant 0.000000e+00 : f32
        %max3A_522 = vector.broadcast %max3A_521 : f32 to vector<16xf32>
        %max3A_523 = arith.maximumf %add3A_520, %max3A_522 : vector<16xf32>
        %mul3A_524 = arith.mulf %max3A_523, %get3A_16 : vector<16xf32>
        %add3A_525 = arith.addf %add3A_489, %mul3A_524 : vector<16xf32>
        %get3A_526 = arith.constant 1 : i32
        %get3A_527 = arith.index_cast %get3A_526 : i32 to index
        %get3A_528 = arith.index_cast %scan3A_431 : i32 to index
        %get3A_529 = arith.constant 80 : index
        %get3A_530 = tpu.vector_load %arg9[%get3A_527, %get3A_528, %get3A_529] {strides = array<i32>} : memref<2x40x128xf32, #tpu.memory_space<vmem>>, vector<1x1x16xf32>,
        %get3A_531 = vector.shape_cast %get3A_530 : vector<1x1x16xf32> to vector<16xf32>
        %get3A_532 = arith.constant 1 : i32
        %get3A_533 = arith.index_cast %get3A_532 : i32 to index
        %get3A_534 = arith.index_cast %scan3A_431 : i32 to index
        %get3A_535 = arith.constant 80 : index
        %get3A_536 = tpu.vector_load %arg10[%get3A_533, %get3A_534, %get3A_535] {strides = array<i32>} : memref<2x40x128xf32, #tpu.memory_space<vmem>>, vector<1x1x16xf32>,
        %get3A_537 = vector.shape_cast %get3A_536 : vector<1x1x16xf32> to vector<16xf32>
        %add3A_538 = arith.addf %get3A_531, %get3A_537 : vector<16xf32>
        %max3A_539 = arith.constant 0.000000e+00 : f32
        %max3A_540 = vector.broadcast %max3A_539 : f32 to vector<16xf32>
        %max3A_541 = arith.maximumf %add3A_538, %max3A_540 : vector<16xf32>
        %mul3A_542 = arith.mulf %max3A_541, %get3A_19 : vector<16xf32>
        %add3A_543 = arith.addf %add3A_507, %mul3A_542 : vector<16xf32>
        %get3A_544 = arith.constant 1 : i32
        %get3A_545 = arith.index_cast %get3A_544 : i32 to index
        %get3A_546 = arith.index_cast %scan3A_431 : i32 to index
        %get3A_547 = arith.constant 96 : index
        %get3A_548 = tpu.vector_load %arg9[%get3A_545, %get3A_546, %get3A_547] {strides = array<i32>} : memref<2x40x128xf32, #tpu.memory_space<vmem>>, vector<1x1x16xf32>,
        %get3A_549 = vector.shape_cast %get3A_548 : vector<1x1x16xf32> to vector<16xf32>
        %get3A_550 = arith.constant 1 : i32
        %get3A_551 = arith.index_cast %get3A_550 : i32 to index
        %get3A_552 = arith.index_cast %scan3A_431 : i32 to index
        %get3A_553 = arith.constant 96 : index
        %get3A_554 = tpu.vector_load %arg10[%get3A_551, %get3A_552, %get3A_553] {strides = array<i32>} : memref<2x40x128xf32, #tpu.memory_space<vmem>>, vector<1x1x16xf32>,
        %get3A_555 = vector.shape_cast %get3A_554 : vector<1x1x16xf32> to vector<16xf32>
        %add3A_556 = arith.addf %get3A_549, %get3A_555 : vector<16xf32>
        %max3A_557 = arith.constant 0.000000e+00 : f32
        %max3A_558 = vector.broadcast %max3A_557 : f32 to vector<16xf32>
        %max3A_559 = arith.maximumf %add3A_556, %max3A_558 : vector<16xf32>
        %mul3A_560 = arith.mulf %max3A_559, %get3A_22 : vector<16xf32>
        %add3A_561 = arith.addf %add3A_525, %mul3A_560 : vector<16xf32>
        %get3A_562 = arith.constant 1 : i32
        %get3A_563 = arith.index_cast %get3A_562 : i32 to index
        %get3A_564 = arith.index_cast %scan3A_431 : i32 to index
        %get3A_565 = arith.constant 112 : index
        %get3A_566 = tpu.vector_load %arg9[%get3A_563, %get3A_564, %get3A_565] {strides = array<i32>} : memref<2x40x128xf32, #tpu.memory_space<vmem>>, vector<1x1x16xf32>,
        %get3A_567 = vector.shape_cast %get3A_566 : vector<1x1x16xf32> to vector<16xf32>
        %get3A_568 = arith.constant 1 : i32
        %get3A_569 = arith.index_cast %get3A_568 : i32 to index
        %get3A_570 = arith.index_cast %scan3A_431 : i32 to index
        %get3A_571 = arith.constant 112 : index
        %get3A_572 = tpu.vector_load %arg10[%get3A_569, %get3A_570, %get3A_571] {strides = array<i32>} : memref<2x40x128xf32, #tpu.memory_space<vmem>>, vector<1x1x16xf32>,
        %get3A_573 = vector.shape_cast %get3A_572 : vector<1x1x16xf32> to vector<16xf32>
        %add3A_574 = arith.addf %get3A_567, %get3A_573 : vector<16xf32>
        %max3A_575 = arith.constant 0.000000e+00 : f32
        %max3A_576 = vector.broadcast %max3A_575 : f32 to vector<16xf32>
        %max3A_577 = arith.maximumf %add3A_574, %max3A_576 : vector<16xf32>
        %mul3A_578 = arith.mulf %max3A_577, %get3A_25 : vector<16xf32>
        %add3A_579 = arith.addf %add3A_543, %mul3A_578 : vector<16xf32>
        %add3A_580 = arith.addf %add3A_561, %add3A_579 : vector<16xf32>
        %mul3A_581 = arith.constant 16 : i32
        %mul3A_582 = arith.muli %scan3A_431, %mul3A_581 : i32
        %swap3A_583 = arith.constant 1 : i32
        %swap3A_584 = arith.index_cast %swap3A_583 : i32 to index
        %swap3A_585 = arith.index_cast %mul3A_582 : i32 to index
        %swap3A_586 = tpu.vector_load %arg11[%swap3A_584, %swap3A_585] {strides = array<i32>} : memref<2x640xf32, #tpu.memory_space<vmem>>, vector<1x16xf32>,
        %swap3A_587 = vector.shape_cast %swap3A_586 : vector<1x16xf32> to vector<16xf32>
        %swap3A_588 = vector.shape_cast %add3A_580 : vector<16xf32> to vector<1x16xf32>
        tpu.vector_store %arg11[%swap3A_584, %swap3A_585], %swap3A_588 {strides = array<i32>} : memref<2x640xf32, #tpu.memory_space<vmem>>, vector<1x16xf32>,
        %scan3A_589 = arith.constant 2 : i32
        %scan3A_590 = arith.addi %scan3A_275, %scan3A_589 : i32
        %broadcast_in_dim3A_591 = arith.constant 0.000000e+00 : f32
        %broadcast_in_dim3A_592 = vector.broadcast %broadcast_in_dim3A_591 : f32 to vector<16xf32>
        %broadcast_in_dim3A_593 = arith.constant 0.000000e+00 : f32
        %broadcast_in_dim3A_594 = vector.broadcast %broadcast_in_dim3A_593 : f32 to vector<16xf32>
        %get3A_595 = arith.constant 1 : i32
        %get3A_596 = arith.index_cast %get3A_595 : i32 to index
        %get3A_597 = arith.index_cast %scan3A_590 : i32 to index
        %get3A_598 = arith.constant 0 : index
        %get3A_599 = tpu.vector_load %arg9[%get3A_596, %get3A_597, %get3A_598] {strides = array<i32>} : memref<2x40x128xf32, #tpu.memory_space<vmem>>, vector<1x1x16xf32>,
        %get3A_600 = vector.shape_cast %get3A_599 : vector<1x1x16xf32> to vector<16xf32>
        %get3A_601 = arith.constant 1 : i32
        %get3A_602 = arith.index_cast %get3A_601 : i32 to index
        %get3A_603 = arith.index_cast %scan3A_590 : i32 to index
        %get3A_604 = arith.constant 0 : index
        %get3A_605 = tpu.vector_load %arg10[%get3A_602, %get3A_603, %get3A_604] {strides = array<i32>} : memref<2x40x128xf32, #tpu.memory_space<vmem>>, vector<1x1x16xf32>,
        %get3A_606 = vector.shape_cast %get3A_605 : vector<1x1x16xf32> to vector<16xf32>
        %add3A_607 = arith.addf %get3A_600, %get3A_606 : vector<16xf32>
        %max3A_608 = arith.constant 0.000000e+00 : f32
        %max3A_609 = vector.broadcast %max3A_608 : f32 to vector<16xf32>
        %max3A_610 = arith.maximumf %add3A_607, %max3A_609 : vector<16xf32>
        %mul3A_611 = arith.mulf %max3A_610, %get3A_4 : vector<16xf32>
        %add3A_612 = arith.addf %broadcast_in_dim3A_592, %mul3A_611 : vector<16xf32>
        %get3A_613 = arith.constant 1 : i32
        %get3A_614 = arith.index_cast %get3A_613 : i32 to index
        %get3A_615 = arith.index_cast %scan3A_590 : i32 to index
        %get3A_616 = arith.constant 16 : index
        %get3A_617 = tpu.vector_load %arg9[%get3A_614, %get3A_615, %get3A_616] {strides = array<i32>} : memref<2x40x128xf32, #tpu.memory_space<vmem>>, vector<1x1x16xf32>,
        %get3A_618 = vector.shape_cast %get3A_617 : vector<1x1x16xf32> to vector<16xf32>
        %get3A_619 = arith.constant 1 : i32
        %get3A_620 = arith.index_cast %get3A_619 : i32 to index
        %get3A_621 = arith.index_cast %scan3A_590 : i32 to index
        %get3A_622 = arith.constant 16 : index
        %get3A_623 = tpu.vector_load %arg10[%get3A_620, %get3A_621, %get3A_622] {strides = array<i32>} : memref<2x40x128xf32, #tpu.memory_space<vmem>>, vector<1x1x16xf32>,
        %get3A_624 = vector.shape_cast %get3A_623 : vector<1x1x16xf32> to vector<16xf32>
        %add3A_625 = arith.addf %get3A_618, %get3A_624 : vector<16xf32>
        %max3A_626 = arith.constant 0.000000e+00 : f32
        %max3A_627 = vector.broadcast %max3A_626 : f32 to vector<16xf32>
        %max3A_628 = arith.maximumf %add3A_625, %max3A_627 : vector<16xf32>
        %mul3A_629 = arith.mulf %max3A_628, %get3A_7 : vector<16xf32>
        %add3A_630 = arith.addf %broadcast_in_dim3A_594, %mul3A_629 : vector<16xf32>
        %get3A_631 = arith.constant 1 : i32
        %get3A_632 = arith.index_cast %get3A_631 : i32 to index
        %get3A_633 = arith.index_cast %scan3A_590 : i32 to index
        %get3A_634 = arith.constant 32 : index
        %get3A_635 = tpu.vector_load %arg9[%get3A_632, %get3A_633, %get3A_634] {strides = array<i32>} : memref<2x40x128xf32, #tpu.memory_space<vmem>>, vector<1x1x16xf32>,
        %get3A_636 = vector.shape_cast %get3A_635 : vector<1x1x16xf32> to vector<16xf32>
        %get3A_637 = arith.constant 1 : i32
        %get3A_638 = arith.index_cast %get3A_637 : i32 to index
        %get3A_639 = arith.index_cast %scan3A_590 : i32 to index
        %get3A_640 = arith.constant 32 : index
        %get3A_641 = tpu.vector_load %arg10[%get3A_638, %get3A_639, %get3A_640] {strides = array<i32>} : memref<2x40x128xf32, #tpu.memory_space<vmem>>, vector<1x1x16xf32>,
        %get3A_642 = vector.shape_cast %get3A_641 : vector<1x1x16xf32> to vector<16xf32>
        %add3A_643 = arith.addf %get3A_636, %get3A_642 : vector<16xf32>
        %max3A_644 = arith.constant 0.000000e+00 : f32
        %max3A_645 = vector.broadcast %max3A_644 : f32 to vector<16xf32>
        %max3A_646 = arith.maximumf %add3A_643, %max3A_645 : vector<16xf32>
        %mul3A_647 = arith.mulf %max3A_646, %get3A_10 : vector<16xf32>
        %add3A_648 = arith.addf %add3A_612, %mul3A_647 : vector<16xf32>
        %get3A_649 = arith.constant 1 : i32
        %get3A_650 = arith.index_cast %get3A_649 : i32 to index
        %get3A_651 = arith.index_cast %scan3A_590 : i32 to index
        %get3A_652 = arith.constant 48 : index
        %get3A_653 = tpu.vector_load %arg9[%get3A_650, %get3A_651, %get3A_652] {strides = array<i32>} : memref<2x40x128xf32, #tpu.memory_space<vmem>>, vector<1x1x16xf32>,
        %get3A_654 = vector.shape_cast %get3A_653 : vector<1x1x16xf32> to vector<16xf32>
        %get3A_655 = arith.constant 1 : i32
        %get3A_656 = arith.index_cast %get3A_655 : i32 to index
        %get3A_657 = arith.index_cast %scan3A_590 : i32 to index
        %get3A_658 = arith.constant 48 : index
        %get3A_659 = tpu.vector_load %arg10[%get3A_656, %get3A_657, %get3A_658] {strides = array<i32>} : memref<2x40x128xf32, #tpu.memory_space<vmem>>, vector<1x1x16xf32>,
        %get3A_660 = vector.shape_cast %get3A_659 : vector<1x1x16xf32> to vector<16xf32>
        %add3A_661 = arith.addf %get3A_654, %get3A_660 : vector<16xf32>
        %max3A_662 = arith.constant 0.000000e+00 : f32
        %max3A_663 = vector.broadcast %max3A_662 : f32 to vector<16xf32>
        %max3A_664 = arith.maximumf %add3A_661, %max3A_663 : vector<16xf32>
        %mul3A_665 = arith.mulf %max3A_664, %get3A_13 : vector<16xf32>
        %add3A_666 = arith.addf %add3A_630, %mul3A_665 : vector<16xf32>
        %get3A_667 = arith.constant 1 : i32
        %get3A_668 = arith.index_cast %get3A_667 : i32 to index
        %get3A_669 = arith.index_cast %scan3A_590 : i32 to index
        %get3A_670 = arith.constant 64 : index
        %get3A_671 = tpu.vector_load %arg9[%get3A_668, %get3A_669, %get3A_670] {strides = array<i32>} : memref<2x40x128xf32, #tpu.memory_space<vmem>>, vector<1x1x16xf32>,
        %get3A_672 = vector.shape_cast %get3A_671 : vector<1x1x16xf32> to vector<16xf32>
        %get3A_673 = arith.constant 1 : i32
        %get3A_674 = arith.index_cast %get3A_673 : i32 to index
        %get3A_675 = arith.index_cast %scan3A_590 : i32 to index
        %get3A_676 = arith.constant 64 : index
        %get3A_677 = tpu.vector_load %arg10[%get3A_674, %get3A_675, %get3A_676] {strides = array<i32>} : memref<2x40x128xf32, #tpu.memory_space<vmem>>, vector<1x1x16xf32>,
        %get3A_678 = vector.shape_cast %get3A_677 : vector<1x1x16xf32> to vector<16xf32>
        %add3A_679 = arith.addf %get3A_672, %get3A_678 : vector<16xf32>
        %max3A_680 = arith.constant 0.000000e+00 : f32
        %max3A_681 = vector.broadcast %max3A_680 : f32 to vector<16xf32>
        %max3A_682 = arith.maximumf %add3A_679, %max3A_681 : vector<16xf32>
        %mul3A_683 = arith.mulf %max3A_682, %get3A_16 : vector<16xf32>
        %add3A_684 = arith.addf %add3A_648, %mul3A_683 : vector<16xf32>
        %get3A_685 = arith.constant 1 : i32
        %get3A_686 = arith.index_cast %get3A_685 : i32 to index
        %get3A_687 = arith.index_cast %scan3A_590 : i32 to index
        %get3A_688 = arith.constant 80 : index
        %get3A_689 = tpu.vector_load %arg9[%get3A_686, %get3A_687, %get3A_688] {strides = array<i32>} : memref<2x40x128xf32, #tpu.memory_space<vmem>>, vector<1x1x16xf32>,
        %get3A_690 = vector.shape_cast %get3A_689 : vector<1x1x16xf32> to vector<16xf32>
        %get3A_691 = arith.constant 1 : i32
        %get3A_692 = arith.index_cast %get3A_691 : i32 to index
        %get3A_693 = arith.index_cast %scan3A_590 : i32 to index
        %get3A_694 = arith.constant 80 : index
        %get3A_695 = tpu.vector_load %arg10[%get3A_692, %get3A_693, %get3A_694] {strides = array<i32>} : memref<2x40x128xf32, #tpu.memory_space<vmem>>, vector<1x1x16xf32>,
        %get3A_696 = vector.shape_cast %get3A_695 : vector<1x1x16xf32> to vector<16xf32>
        %add3A_697 = arith.addf %get3A_690, %get3A_696 : vector<16xf32>
        %max3A_698 = arith.constant 0.000000e+00 : f32
        %max3A_699 = vector.broadcast %max3A_698 : f32 to vector<16xf32>
        %max3A_700 = arith.maximumf %add3A_697, %max3A_699 : vector<16xf32>
        %mul3A_701 = arith.mulf %max3A_700, %get3A_19 : vector<16xf32>
        %add3A_702 = arith.addf %add3A_666, %mul3A_701 : vector<16xf32>
        %get3A_703 = arith.constant 1 : i32
        %get3A_704 = arith.index_cast %get3A_703 : i32 to index
        %get3A_705 = arith.index_cast %scan3A_590 : i32 to index
        %get3A_706 = arith.constant 96 : index
        %get3A_707 = tpu.vector_load %arg9[%get3A_704, %get3A_705, %get3A_706] {strides = array<i32>} : memref<2x40x128xf32, #tpu.memory_space<vmem>>, vector<1x1x16xf32>,
        %get3A_708 = vector.shape_cast %get3A_707 : vector<1x1x16xf32> to vector<16xf32>
        %get3A_709 = arith.constant 1 : i32
        %get3A_710 = arith.index_cast %get3A_709 : i32 to index
        %get3A_711 = arith.index_cast %scan3A_590 : i32 to index
        %get3A_712 = arith.constant 96 : index
        %get3A_713 = tpu.vector_load %arg10[%get3A_710, %get3A_711, %get3A_712] {strides = array<i32>} : memref<2x40x128xf32, #tpu.memory_space<vmem>>, vector<1x1x16xf32>,
        %get3A_714 = vector.shape_cast %get3A_713 : vector<1x1x16xf32> to vector<16xf32>
        %add3A_715 = arith.addf %get3A_708, %get3A_714 : vector<16xf32>
        %max3A_716 = arith.constant 0.000000e+00 : f32
        %max3A_717 = vector.broadcast %max3A_716 : f32 to vector<16xf32>
        %max3A_718 = arith.maximumf %add3A_715, %max3A_717 : vector<16xf32>
        %mul3A_719 = arith.mulf %max3A_718, %get3A_22 : vector<16xf32>
        %add3A_720 = arith.addf %add3A_684, %mul3A_719 : vector<16xf32>
        %get3A_721 = arith.constant 1 : i32
        %get3A_722 = arith.index_cast %get3A_721 : i32 to index
        %get3A_723 = arith.index_cast %scan3A_590 : i32 to index
        %get3A_724 = arith.constant 112 : index
        %get3A_725 = tpu.vector_load %arg9[%get3A_722, %get3A_723, %get3A_724] {strides = array<i32>} : memref<2x40x128xf32, #tpu.memory_space<vmem>>, vector<1x1x16xf32>,
        %get3A_726 = vector.shape_cast %get3A_725 : vector<1x1x16xf32> to vector<16xf32>
        %get3A_727 = arith.constant 1 : i32
        %get3A_728 = arith.index_cast %get3A_727 : i32 to index
        %get3A_729 = arith.index_cast %scan3A_590 : i32 to index
        %get3A_730 = arith.constant 112 : index
        %get3A_731 = tpu.vector_load %arg10[%get3A_728, %get3A_729, %get3A_730] {strides = array<i32>} : memref<2x40x128xf32, #tpu.memory_space<vmem>>, vector<1x1x16xf32>,
        %get3A_732 = vector.shape_cast %get3A_731 : vector<1x1x16xf32> to vector<16xf32>
        %add3A_733 = arith.addf %get3A_726, %get3A_732 : vector<16xf32>
        %max3A_734 = arith.constant 0.000000e+00 : f32
        %max3A_735 = vector.broadcast %max3A_734 : f32 to vector<16xf32>
        %max3A_736 = arith.maximumf %add3A_733, %max3A_735 : vector<16xf32>
        %mul3A_737 = arith.mulf %max3A_736, %get3A_25 : vector<16xf32>
        %add3A_738 = arith.addf %add3A_702, %mul3A_737 : vector<16xf32>
        %add3A_739 = arith.addf %add3A_720, %add3A_738 : vector<16xf32>
        %mul3A_740 = arith.constant 16 : i32
        %mul3A_741 = arith.muli %scan3A_590, %mul3A_740 : i32
        %swap3A_742 = arith.constant 1 : i32
        %swap3A_743 = arith.index_cast %swap3A_742 : i32 to index
        %swap3A_744 = arith.index_cast %mul3A_741 : i32 to index
        %swap3A_745 = tpu.vector_load %arg11[%swap3A_743, %swap3A_744] {strides = array<i32>} : memref<2x640xf32, #tpu.memory_space<vmem>>, vector<1x16xf32>,
        %swap3A_746 = vector.shape_cast %swap3A_745 : vector<1x16xf32> to vector<16xf32>
        %swap3A_747 = vector.shape_cast %add3A_739 : vector<16xf32> to vector<1x16xf32>
        tpu.vector_store %arg11[%swap3A_743, %swap3A_744], %swap3A_747 {strides = array<i32>} : memref<2x640xf32, #tpu.memory_space<vmem>>, vector<1x16xf32>,
        %scan3A_748 = arith.constant 3 : i32
        %scan3A_749 = arith.addi %scan3A_275, %scan3A_748 : i32
        %broadcast_in_dim3A_750 = arith.constant 0.000000e+00 : f32
        %broadcast_in_dim3A_751 = vector.broadcast %broadcast_in_dim3A_750 : f32 to vector<16xf32>
        %broadcast_in_dim3A_752 = arith.constant 0.000000e+00 : f32
        %broadcast_in_dim3A_753 = vector.broadcast %broadcast_in_dim3A_752 : f32 to vector<16xf32>
        %get3A_754 = arith.constant 1 : i32
        %get3A_755 = arith.index_cast %get3A_754 : i32 to index
        %get3A_756 = arith.index_cast %scan3A_749 : i32 to index
        %get3A_757 = arith.constant 0 : index
        %get3A_758 = tpu.vector_load %arg9[%get3A_755, %get3A_756, %get3A_757] {strides = array<i32>} : memref<2x40x128xf32, #tpu.memory_space<vmem>>, vector<1x1x16xf32>,
        %get3A_759 = vector.shape_cast %get3A_758 : vector<1x1x16xf32> to vector<16xf32>
        %get3A_760 = arith.constant 1 : i32
        %get3A_761 = arith.index_cast %get3A_760 : i32 to index
        %get3A_762 = arith.index_cast %scan3A_749 : i32 to index
        %get3A_763 = arith.constant 0 : index
        %get3A_764 = tpu.vector_load %arg10[%get3A_761, %get3A_762, %get3A_763] {strides = array<i32>} : memref<2x40x128xf32, #tpu.memory_space<vmem>>, vector<1x1x16xf32>,
        %get3A_765 = vector.shape_cast %get3A_764 : vector<1x1x16xf32> to vector<16xf32>
        %add3A_766 = arith.addf %get3A_759, %get3A_765 : vector<16xf32>
        %max3A_767 = arith.constant 0.000000e+00 : f32
        %max3A_768 = vector.broadcast %max3A_767 : f32 to vector<16xf32>
        %max3A_769 = arith.maximumf %add3A_766, %max3A_768 : vector<16xf32>
        %mul3A_770 = arith.mulf %max3A_769, %get3A_4 : vector<16xf32>
        %add3A_771 = arith.addf %broadcast_in_dim3A_751, %mul3A_770 : vector<16xf32>
        %get3A_772 = arith.constant 1 : i32
        %get3A_773 = arith.index_cast %get3A_772 : i32 to index
        %get3A_774 = arith.index_cast %scan3A_749 : i32 to index
        %get3A_775 = arith.constant 16 : index
        %get3A_776 = tpu.vector_load %arg9[%get3A_773, %get3A_774, %get3A_775] {strides = array<i32>} : memref<2x40x128xf32, #tpu.memory_space<vmem>>, vector<1x1x16xf32>,
        %get3A_777 = vector.shape_cast %get3A_776 : vector<1x1x16xf32> to vector<16xf32>
        %get3A_778 = arith.constant 1 : i32
        %get3A_779 = arith.index_cast %get3A_778 : i32 to index
        %get3A_780 = arith.index_cast %scan3A_749 : i32 to index
        %get3A_781 = arith.constant 16 : index
        %get3A_782 = tpu.vector_load %arg10[%get3A_779, %get3A_780, %get3A_781] {strides = array<i32>} : memref<2x40x128xf32, #tpu.memory_space<vmem>>, vector<1x1x16xf32>,
        %get3A_783 = vector.shape_cast %get3A_782 : vector<1x1x16xf32> to vector<16xf32>
        %add3A_784 = arith.addf %get3A_777, %get3A_783 : vector<16xf32>
        %max3A_785 = arith.constant 0.000000e+00 : f32
        %max3A_786 = vector.broadcast %max3A_785 : f32 to vector<16xf32>
        %max3A_787 = arith.maximumf %add3A_784, %max3A_786 : vector<16xf32>
        %mul3A_788 = arith.mulf %max3A_787, %get3A_7 : vector<16xf32>
        %add3A_789 = arith.addf %broadcast_in_dim3A_753, %mul3A_788 : vector<16xf32>
        %get3A_790 = arith.constant 1 : i32
        %get3A_791 = arith.index_cast %get3A_790 : i32 to index
        %get3A_792 = arith.index_cast %scan3A_749 : i32 to index
        %get3A_793 = arith.constant 32 : index
        %get3A_794 = tpu.vector_load %arg9[%get3A_791, %get3A_792, %get3A_793] {strides = array<i32>} : memref<2x40x128xf32, #tpu.memory_space<vmem>>, vector<1x1x16xf32>,
        %get3A_795 = vector.shape_cast %get3A_794 : vector<1x1x16xf32> to vector<16xf32>
        %get3A_796 = arith.constant 1 : i32
        %get3A_797 = arith.index_cast %get3A_796 : i32 to index
        %get3A_798 = arith.index_cast %scan3A_749 : i32 to index
        %get3A_799 = arith.constant 32 : index
        %get3A_800 = tpu.vector_load %arg10[%get3A_797, %get3A_798, %get3A_799] {strides = array<i32>} : memref<2x40x128xf32, #tpu.memory_space<vmem>>, vector<1x1x16xf32>,
        %get3A_801 = vector.shape_cast %get3A_800 : vector<1x1x16xf32> to vector<16xf32>
        %add3A_802 = arith.addf %get3A_795, %get3A_801 : vector<16xf32>
        %max3A_803 = arith.constant 0.000000e+00 : f32
        %max3A_804 = vector.broadcast %max3A_803 : f32 to vector<16xf32>
        %max3A_805 = arith.maximumf %add3A_802, %max3A_804 : vector<16xf32>
        %mul3A_806 = arith.mulf %max3A_805, %get3A_10 : vector<16xf32>
        %add3A_807 = arith.addf %add3A_771, %mul3A_806 : vector<16xf32>
        %get3A_808 = arith.constant 1 : i32
        %get3A_809 = arith.index_cast %get3A_808 : i32 to index
        %get3A_810 = arith.index_cast %scan3A_749 : i32 to index
        %get3A_811 = arith.constant 48 : index
        %get3A_812 = tpu.vector_load %arg9[%get3A_809, %get3A_810, %get3A_811] {strides = array<i32>} : memref<2x40x128xf32, #tpu.memory_space<vmem>>, vector<1x1x16xf32>,
        %get3A_813 = vector.shape_cast %get3A_812 : vector<1x1x16xf32> to vector<16xf32>
        %get3A_814 = arith.constant 1 : i32
        %get3A_815 = arith.index_cast %get3A_814 : i32 to index
        %get3A_816 = arith.index_cast %scan3A_749 : i32 to index
        %get3A_817 = arith.constant 48 : index
        %get3A_818 = tpu.vector_load %arg10[%get3A_815, %get3A_816, %get3A_817] {strides = array<i32>} : memref<2x40x128xf32, #tpu.memory_space<vmem>>, vector<1x1x16xf32>,
        %get3A_819 = vector.shape_cast %get3A_818 : vector<1x1x16xf32> to vector<16xf32>
        %add3A_820 = arith.addf %get3A_813, %get3A_819 : vector<16xf32>
        %max3A_821 = arith.constant 0.000000e+00 : f32
        %max3A_822 = vector.broadcast %max3A_821 : f32 to vector<16xf32>
        %max3A_823 = arith.maximumf %add3A_820, %max3A_822 : vector<16xf32>
        %mul3A_824 = arith.mulf %max3A_823, %get3A_13 : vector<16xf32>
        %add3A_825 = arith.addf %add3A_789, %mul3A_824 : vector<16xf32>
        %get3A_826 = arith.constant 1 : i32
        %get3A_827 = arith.index_cast %get3A_826 : i32 to index
        %get3A_828 = arith.index_cast %scan3A_749 : i32 to index
        %get3A_829 = arith.constant 64 : index
        %get3A_830 = tpu.vector_load %arg9[%get3A_827, %get3A_828, %get3A_829] {strides = array<i32>} : memref<2x40x128xf32, #tpu.memory_space<vmem>>, vector<1x1x16xf32>,
        %get3A_831 = vector.shape_cast %get3A_830 : vector<1x1x16xf32> to vector<16xf32>
        %get3A_832 = arith.constant 1 : i32
        %get3A_833 = arith.index_cast %get3A_832 : i32 to index
        %get3A_834 = arith.index_cast %scan3A_749 : i32 to index
        %get3A_835 = arith.constant 64 : index
        %get3A_836 = tpu.vector_load %arg10[%get3A_833, %get3A_834, %get3A_835] {strides = array<i32>} : memref<2x40x128xf32, #tpu.memory_space<vmem>>, vector<1x1x16xf32>,
        %get3A_837 = vector.shape_cast %get3A_836 : vector<1x1x16xf32> to vector<16xf32>
        %add3A_838 = arith.addf %get3A_831, %get3A_837 : vector<16xf32>
        %max3A_839 = arith.constant 0.000000e+00 : f32
        %max3A_840 = vector.broadcast %max3A_839 : f32 to vector<16xf32>
        %max3A_841 = arith.maximumf %add3A_838, %max3A_840 : vector<16xf32>
        %mul3A_842 = arith.mulf %max3A_841, %get3A_16 : vector<16xf32>
        %add3A_843 = arith.addf %add3A_807, %mul3A_842 : vector<16xf32>
        %get3A_844 = arith.constant 1 : i32
        %get3A_845 = arith.index_cast %get3A_844 : i32 to index
        %get3A_846 = arith.index_cast %scan3A_749 : i32 to index
        %get3A_847 = arith.constant 80 : index
        %get3A_848 = tpu.vector_load %arg9[%get3A_845, %get3A_846, %get3A_847] {strides = array<i32>} : memref<2x40x128xf32, #tpu.memory_space<vmem>>, vector<1x1x16xf32>,
        %get3A_849 = vector.shape_cast %get3A_848 : vector<1x1x16xf32> to vector<16xf32>
        %get3A_850 = arith.constant 1 : i32
        %get3A_851 = arith.index_cast %get3A_850 : i32 to index
        %get3A_852 = arith.index_cast %scan3A_749 : i32 to index
        %get3A_853 = arith.constant 80 : index
        %get3A_854 = tpu.vector_load %arg10[%get3A_851, %get3A_852, %get3A_853] {strides = array<i32>} : memref<2x40x128xf32, #tpu.memory_space<vmem>>, vector<1x1x16xf32>,
        %get3A_855 = vector.shape_cast %get3A_854 : vector<1x1x16xf32> to vector<16xf32>
        %add3A_856 = arith.addf %get3A_849, %get3A_855 : vector<16xf32>
        %max3A_857 = arith.constant 0.000000e+00 : f32
        %max3A_858 = vector.broadcast %max3A_857 : f32 to vector<16xf32>
        %max3A_859 = arith.maximumf %add3A_856, %max3A_858 : vector<16xf32>
        %mul3A_860 = arith.mulf %max3A_859, %get3A_19 : vector<16xf32>
        %add3A_861 = arith.addf %add3A_825, %mul3A_860 : vector<16xf32>
        %get3A_862 = arith.constant 1 : i32
        %get3A_863 = arith.index_cast %get3A_862 : i32 to index
        %get3A_864 = arith.index_cast %scan3A_749 : i32 to index
        %get3A_865 = arith.constant 96 : index
        %get3A_866 = tpu.vector_load %arg9[%get3A_863, %get3A_864, %get3A_865] {strides = array<i32>} : memref<2x40x128xf32, #tpu.memory_space<vmem>>, vector<1x1x16xf32>,
        %get3A_867 = vector.shape_cast %get3A_866 : vector<1x1x16xf32> to vector<16xf32>
        %get3A_868 = arith.constant 1 : i32
        %get3A_869 = arith.index_cast %get3A_868 : i32 to index
        %get3A_870 = arith.index_cast %scan3A_749 : i32 to index
        %get3A_871 = arith.constant 96 : index
        %get3A_872 = tpu.vector_load %arg10[%get3A_869, %get3A_870, %get3A_871] {strides = array<i32>} : memref<2x40x128xf32, #tpu.memory_space<vmem>>, vector<1x1x16xf32>,
        %get3A_873 = vector.shape_cast %get3A_872 : vector<1x1x16xf32> to vector<16xf32>
        %add3A_874 = arith.addf %get3A_867, %get3A_873 : vector<16xf32>
        %max3A_875 = arith.constant 0.000000e+00 : f32
        %max3A_876 = vector.broadcast %max3A_875 : f32 to vector<16xf32>
        %max3A_877 = arith.maximumf %add3A_874, %max3A_876 : vector<16xf32>
        %mul3A_878 = arith.mulf %max3A_877, %get3A_22 : vector<16xf32>
        %add3A_879 = arith.addf %add3A_843, %mul3A_878 : vector<16xf32>
        %get3A_880 = arith.constant 1 : i32
        %get3A_881 = arith.index_cast %get3A_880 : i32 to index
        %get3A_882 = arith.index_cast %scan3A_749 : i32 to index
        %get3A_883 = arith.constant 112 : index
        %get3A_884 = tpu.vector_load %arg9[%get3A_881, %get3A_882, %get3A_883] {strides = array<i32>} : memref<2x40x128xf32, #tpu.memory_space<vmem>>, vector<1x1x16xf32>,
        %get3A_885 = vector.shape_cast %get3A_884 : vector<1x1x16xf32> to vector<16xf32>
        %get3A_886 = arith.constant 1 : i32
        %get3A_887 = arith.index_cast %get3A_886 : i32 to index
        %get3A_888 = arith.index_cast %scan3A_749 : i32 to index
        %get3A_889 = arith.constant 112 : index
        %get3A_890 = tpu.vector_load %arg10[%get3A_887, %get3A_888, %get3A_889] {strides = array<i32>} : memref<2x40x128xf32, #tpu.memory_space<vmem>>, vector<1x1x16xf32>,
        %get3A_891 = vector.shape_cast %get3A_890 : vector<1x1x16xf32> to vector<16xf32>
        %add3A_892 = arith.addf %get3A_885, %get3A_891 : vector<16xf32>
        %max3A_893 = arith.constant 0.000000e+00 : f32
        %max3A_894 = vector.broadcast %max3A_893 : f32 to vector<16xf32>
        %max3A_895 = arith.maximumf %add3A_892, %max3A_894 : vector<16xf32>
        %mul3A_896 = arith.mulf %max3A_895, %get3A_25 : vector<16xf32>
        %add3A_897 = arith.addf %add3A_861, %mul3A_896 : vector<16xf32>
        %add3A_898 = arith.addf %add3A_879, %add3A_897 : vector<16xf32>
        %mul3A_899 = arith.constant 16 : i32
        %mul3A_900 = arith.muli %scan3A_749, %mul3A_899 : i32
        %swap3A_901 = arith.constant 1 : i32
        %swap3A_902 = arith.index_cast %swap3A_901 : i32 to index
        %swap3A_903 = arith.index_cast %mul3A_900 : i32 to index
        %swap3A_904 = tpu.vector_load %arg11[%swap3A_902, %swap3A_903] {strides = array<i32>} : memref<2x640xf32, #tpu.memory_space<vmem>>, vector<1x16xf32>,
        %swap3A_905 = vector.shape_cast %swap3A_904 : vector<1x16xf32> to vector<16xf32>
        %swap3A_906 = vector.shape_cast %add3A_898 : vector<16xf32> to vector<1x16xf32>
        tpu.vector_store %arg11[%swap3A_902, %swap3A_903], %swap3A_906 {strides = array<i32>} : memref<2x640xf32, #tpu.memory_space<vmem>>, vector<1x16xf32>,
      }
      %scan3A_260 = arith.constant 40 : i32
      %mul3A_261 = arith.constant 40 : i32
      %mul3A_262 = arith.muli %add3A_209, %mul3A_261 : i32
      %add3A_263 = arith.addi %mul3A_2, %mul3A_262 : i32
      %mul3A_264 = arith.constant 16 : i32
      %mul3A_265 = arith.muli %add3A_263, %mul3A_264 : i32
      %dma_start3A_266 = arith.constant 1 : i32
      %dma_start3A_267 = arith.constant 0 : i32
      %dma_start3A_268 = tpu.memref_slice %arg11[%dma_start3A_266, %dma_start3A_267] : memref<2x640xf32, #tpu.memory_space<vmem>> -> memref<1x640xf32, #tpu.memory_space<vmem>>
      %dma_start3A_269 = tpu.memref_squeeze %dma_start3A_268 : memref<1x640xf32, #tpu.memory_space<vmem>> -> memref<640xf32, #tpu.memory_space<vmem>>
      %dma_start3A_270 = tpu.memref_slice %arg6[%mul3A_265] : memref<5120000xf32, #tpu.memory_space<hbm>> -> memref<640xf32, #tpu.memory_space<hbm>>
      %dma_start3A_271 = tpu.memref_slice %arg6[%mul3A_265] : memref<5120000xf32, #tpu.memory_space<hbm>> -> memref<640xf32, #tpu.memory_space<hbm>>
      %dma_start3A_272 = arith.constant 0 : i32
      %dma_start3A_273 = tpu.memref_slice %arg11[%dma_start3A_266, %dma_start3A_272] : memref<2x640xf32, #tpu.memory_space<vmem>> -> memref<1x640xf32, #tpu.memory_space<vmem>>
      %dma_start3A_274 = tpu.memref_squeeze %dma_start3A_273 : memref<1x640xf32, #tpu.memory_space<vmem>> -> memref<640xf32, #tpu.memory_space<vmem>>
      tpu.enqueue_dma source(%dma_start3A_274 : memref<640xf32, #tpu.memory_space<vmem>>) target(%dma_start3A_271 : memref<640xf32, #tpu.memory_space<hbm>>) target_semaphore(%arg18 : memref<!tpu.dma_semaphore, #tpu.memory_space<semaphore_mem>>)
    }
    %scan3A_118 = arith.constant 125 : i32
    %dma_wait3A_119 = arith.constant 0 : i32
    %dma_wait3A_120 = arith.constant 0 : i32
    %dma_wait3A_121 = tpu.memref_slice %arg11[%dma_wait3A_119, %dma_wait3A_120] : memref<2x640xf32, #tpu.memory_space<vmem>> -> memref<1x640xf32, #tpu.memory_space<vmem>>
    %dma_wait3A_122 = tpu.memref_squeeze %dma_wait3A_121 : memref<1x640xf32, #tpu.memory_space<vmem>> -> memref<640xf32, #tpu.memory_space<vmem>>
    %dma_wait3A_123 = arith.constant 0 : i32
    %dma_wait3A_124 = tpu.memref_slice %arg6[%dma_wait3A_123] : memref<5120000xf32, #tpu.memory_space<hbm>> -> memref<640xf32, #tpu.memory_space<hbm>>
    %dma_wait3A_125 = arith.constant 0 : i32
    %dma_wait3A_126 = tpu.memref_slice %arg6[%dma_wait3A_125] : memref<5120000xf32, #tpu.memory_space<hbm>> -> memref<640xf32, #tpu.memory_space<hbm>>
    %dma_wait3A_127 = arith.constant 0 : i32
    %dma_wait3A_128 = tpu.memref_slice %arg11[%dma_wait3A_119, %dma_wait3A_127] : memref<2x640xf32, #tpu.memory_space<vmem>> -> memref<1x640xf32, #tpu.memory_space<vmem>>
    %dma_wait3A_129 = tpu.memref_squeeze %dma_wait3A_128 : memref<1x640xf32, #tpu.memory_space<vmem>> -> memref<640xf32, #tpu.memory_space<vmem>>
    tpu.wait_dma2 semaphore(%arg17 : memref<!tpu.dma_semaphore, #tpu.memory_space<semaphore_mem>>) src(%dma_wait3A_129 : memref<640xf32, #tpu.memory_space<vmem>>) dst(%dma_wait3A_126 : memref<640xf32, #tpu.memory_space<hbm>>)
    %dma_wait3A_130 = arith.constant 1 : i32
    %dma_wait3A_131 = arith.constant 0 : i32
    %dma_wait3A_132 = tpu.memref_slice %arg11[%dma_wait3A_130, %dma_wait3A_131] : memref<2x640xf32, #tpu.memory_space<vmem>> -> memref<1x640xf32, #tpu.memory_space<vmem>>
    %dma_wait3A_133 = tpu.memref_squeeze %dma_wait3A_132 : memref<1x640xf32, #tpu.memory_space<vmem>> -> memref<640xf32, #tpu.memory_space<vmem>>
    %dma_wait3A_134 = arith.constant 0 : i32
    %dma_wait3A_135 = tpu.memref_slice %arg6[%dma_wait3A_134] : memref<5120000xf32, #tpu.memory_space<hbm>> -> memref<640xf32, #tpu.memory_space<hbm>>
    %dma_wait3A_136 = arith.constant 0 : i32
    %dma_wait3A_137 = tpu.memref_slice %arg6[%dma_wait3A_136] : memref<5120000xf32, #tpu.memory_space<hbm>> -> memref<640xf32, #tpu.memory_space<hbm>>
    %dma_wait3A_138 = arith.constant 0 : i32
    %dma_wait3A_139 = tpu.memref_slice %arg11[%dma_wait3A_130, %dma_wait3A_138] : memref<2x640xf32, #tpu.memory_space<vmem>> -> memref<1x640xf32, #tpu.memory_space<vmem>>
    %dma_wait3A_140 = tpu.memref_squeeze %dma_wait3A_139 : memref<1x640xf32, #tpu.memory_space<vmem>> -> memref<640xf32, #tpu.memory_space<vmem>>
    tpu.wait_dma2 semaphore(%arg18 : memref<!tpu.dma_semaphore, #tpu.memory_space<semaphore_mem>>) src(%dma_wait3A_140 : memref<640xf32, #tpu.memory_space<vmem>>) dst(%dma_wait3A_137 : memref<640xf32, #tpu.memory_space<hbm>>)
    return
  }
}

module attributes {stable_mosaic.version = 14 : i64} {
  func.func @_mlp1_body(%arg0: i32, %arg1: memref<1000x128xf32, #tpu.memory_space<vmem>>, %arg2: memref<128x128xf32, #tpu.memory_space<vmem>>, %arg3: memref<128x128xf32, #tpu.memory_space<vmem>>, %arg4: memref<1x128xf32, #tpu.memory_space<vmem>>, %arg5: memref<1000x128xf32, #tpu.memory_space<vmem>>, %arg6: memref<1000x128xf32, #tpu.memory_space<vmem>>) attributes {dimension_semantics = [#tpu.dimension_semantics<arbitrary>], iteration_bounds = array<i64: 10>, scalar_prefetch = 0 : i64, scratch_operands = 0 : i64, tpu.core_type = #tpu.core_type<tc>, window_params = [{transform_indices = @transform_0, window_bounds = array<i64: 1000, 128>}, {pipeline_mode = #tpu.pipeline_mode<synchronous>, transform_indices = @transform_1, window_bounds = array<i64: 128, 128>}, {pipeline_mode = #tpu.pipeline_mode<synchronous>, transform_indices = @transform_2, window_bounds = array<i64: 128, 128>}, {pipeline_mode = #tpu.pipeline_mode<synchronous>, transform_indices = @transform_3, window_bounds = array<i64: 1, 128>}, {transform_indices = @transform_4, window_bounds = array<i64: 1000, 128>}, {transform_indices = @transform_5, window_bounds = array<i64: 1000, 128>}]} {
    %get3A = arith.constant 0 : index
    %get3A_0 = arith.constant 0 : index
    %get3A_1 = vector.load %arg1[%get3A, %get3A_0] : memref<1000x128xf32, #tpu.memory_space<vmem>>, vector<1000x128xf32>
    %get3A_2 = arith.constant 0 : index
    %get3A_3 = arith.constant 0 : index
    %get3A_4 = vector.load %arg2[%get3A_2, %get3A_3] : memref<128x128xf32, #tpu.memory_space<vmem>>, vector<128x128xf32>
    %dot_general3A = arith.constant dense<0.000000e+00> : vector<1000x128xf32>
    %dot_general3A_5 = tpu.matmul %get3A_1, %get3A_4, %dot_general3A {dimension_numbers = #tpu.dot_dimension_numbers<[1], [0], [0], [1], [0, 0, 1, 1], [], []>, transpose_lhs_hint = false} : vector<1000x128xf32>, vector<128x128xf32>, vector<1000x128xf32> -> vector<1000x128xf32>
    %get3A_6 = arith.constant 0 : index
    %get3A_7 = arith.constant 0 : index
    %get3A_8 = vector.load %arg4[%get3A_6, %get3A_7] : memref<1x128xf32, #tpu.memory_space<vmem>>, vector<1x128xf32>
    %add3A = vector.broadcast %get3A_8 : vector<1x128xf32> to vector<1000x128xf32>
    %add3A_9 = arith.addf %dot_general3A_5, %add3A : vector<1000x128xf32>
    %swap3A = arith.constant 0 : index
    %swap3A_10 = arith.constant 0 : index
    %swap3A_11 = vector.load %arg5[%swap3A, %swap3A_10] : memref<1000x128xf32, #tpu.memory_space<vmem>>, vector<1000x128xf32>
    tpu.vector_store %arg5[%swap3A, %swap3A_10], %add3A_9 {strides = array<i32>} : memref<1000x128xf32, #tpu.memory_space<vmem>>, vector<1000x128xf32>,
    %get3A_12 = arith.constant 0 : index
    %get3A_13 = arith.constant 0 : index
    %get3A_14 = vector.load %arg3[%get3A_12, %get3A_13] : memref<128x128xf32, #tpu.memory_space<vmem>>, vector<128x128xf32>
    %dot_general3A_15 = arith.constant dense<0.000000e+00> : vector<1000x128xf32>
    %dot_general3A_16 = tpu.matmul %get3A_1, %get3A_14, %dot_general3A_15 {dimension_numbers = #tpu.dot_dimension_numbers<[1], [0], [0], [1], [0, 0, 1, 1], [], []>, transpose_lhs_hint = false} : vector<1000x128xf32>, vector<128x128xf32>, vector<1000x128xf32> -> vector<1000x128xf32>
    %swap3A_17 = arith.constant 0 : index
    %swap3A_18 = arith.constant 0 : index
    %swap3A_19 = vector.load %arg6[%swap3A_17, %swap3A_18] : memref<1000x128xf32, #tpu.memory_space<vmem>>, vector<1000x128xf32>
    tpu.vector_store %arg6[%swap3A_17, %swap3A_18], %dot_general3A_16 {strides = array<i32>} : memref<1000x128xf32, #tpu.memory_space<vmem>>, vector<1000x128xf32>,
    return
  }
  func.func @transform_0(%arg0: i32) -> (i32, i32) {
    %c0_i32 = arith.constant 0 : i32
    %c0_i32_0 = arith.constant 0 : i32
    return %arg0, %c0_i32 : i32, i32
  }
  func.func @transform_1(%arg0: i32) -> (i32, i32) {
    %c0_i32 = arith.constant 0 : i32
    %c0_i32_0 = arith.constant 0 : i32
    %c0_i32_1 = arith.constant 0 : i32
    return %c0_i32, %c0_i32_0 : i32, i32
  }
  func.func @transform_2(%arg0: i32) -> (i32, i32) {
    %c0_i32 = arith.constant 0 : i32
    %c0_i32_0 = arith.constant 0 : i32
    %c0_i32_1 = arith.constant 0 : i32
    return %c0_i32, %c0_i32_0 : i32, i32
  }
  func.func @transform_3(%arg0: i32) -> (i32, i32) {
    %c0_i32 = arith.constant 0 : i32
    %c0_i32_0 = arith.constant 0 : i32
    %c0_i32_1 = arith.constant 0 : i32
    return %c0_i32, %c0_i32_0 : i32, i32
  }
  func.func @transform_4(%arg0: i32) -> (i32, i32) {
    %c0_i32 = arith.constant 0 : i32
    %c0_i32_0 = arith.constant 0 : i32
    return %arg0, %c0_i32 : i32, i32
  }
  func.func @transform_5(%arg0: i32) -> (i32, i32) {
    %c0_i32 = arith.constant 0 : i32
    %c0_i32_0 = arith.constant 0 : i32
    return %arg0, %c0_i32 : i32, i32
  }
}

module attributes {stable_mosaic.version = 14 : i64} {
  func.func @_lane_sum_body(%arg0: i32, %arg1: memref<4000x128xf32, #tpu.memory_space<vmem>>, %arg2: memref<1xf32, #tpu.memory_space<smem>>, %arg3: memref<4000x8xf32, #tpu.memory_space<vmem>>) attributes {dimension_semantics = [#tpu.dimension_semantics<arbitrary>], iteration_bounds = array<i64: 10>, scalar_prefetch = 0 : i64, scratch_operands = 0 : i64, tpu.core_type = #tpu.core_type<tc>, window_params = [{transform_indices = @transform_0, window_bounds = array<i64: 4000, 128>}, {transform_indices = @transform_1, window_bounds = array<i64: 1>}, {transform_indices = @transform_2, window_bounds = array<i64: 4000, 8>}]} {
    %iota3A = tpu.iota {dimensions = array<i32: 0>} : vector<128x8xi32>
    %iota3A_0 = tpu.iota {dimensions = array<i32: 1>} : vector<128x8xi32>
    %jit3A = arith.constant 16 : i32
    %div3A = vector.broadcast %jit3A : i32 to vector<128x8xi32>
    %div3A_1 = arith.divsi %iota3A, %div3A : vector<128x8xi32>
    %sign3A = arith.constant 0 : i32
    %sign3A_2 = vector.broadcast %sign3A : i32 to vector<128x8xi32>
    %sign3A_3 = arith.cmpi sgt, %iota3A, %sign3A_2 : vector<128x8xi32>
    %sign3A_4 = arith.extui %sign3A_3 : vector<128x8xi1> to vector<128x8xi32>
    %sign3A_5 = arith.constant 0 : i32
    %sign3A_6 = vector.broadcast %sign3A_5 : i32 to vector<128x8xi32>
    %sign3A_7 = arith.cmpi slt, %iota3A, %sign3A_6 : vector<128x8xi32>
    %sign3A_8 = arith.extui %sign3A_7 : vector<128x8xi1> to vector<128x8xi32>
    %sign3A_9 = arith.subi %sign3A_4, %sign3A_8 : vector<128x8xi32>
    %sign3A_10 = arith.constant 0 : i32
    %sign3A_11 = arith.cmpi sgt, %jit3A, %sign3A_10 : i32
    %sign3A_12 = arith.extui %sign3A_11 : i1 to i32
    %sign3A_13 = arith.constant 0 : i32
    %sign3A_14 = arith.cmpi slt, %jit3A, %sign3A_13 : i32
    %sign3A_15 = arith.extui %sign3A_14 : i1 to i32
    %sign3A_16 = arith.subi %sign3A_12, %sign3A_15 : i32
    %ne3A = vector.broadcast %sign3A_16 : i32 to vector<128x8xi32>
    %ne3A_17 = arith.cmpi ne, %sign3A_9, %ne3A : vector<128x8xi32>
    %rem3A = vector.broadcast %jit3A : i32 to vector<128x8xi32>
    %rem3A_18 = arith.remsi %iota3A, %rem3A : vector<128x8xi32>
    %ne3A_19 = arith.constant 0 : i32
    %ne3A_20 = vector.broadcast %ne3A_19 : i32 to vector<128x8xi32>
    %ne3A_21 = arith.cmpi ne, %rem3A_18, %ne3A_20 : vector<128x8xi32>
    %and3A = arith.andi %ne3A_17, %ne3A_21 : vector<128x8xi1>
    %sub3A = arith.constant 1 : i32
    %sub3A_22 = vector.broadcast %sub3A : i32 to vector<128x8xi32>
    %sub3A_23 = arith.subi %div3A_1, %sub3A_22 : vector<128x8xi32>
    %select_n3A = arith.select %and3A, %sub3A_23, %div3A_1 : vector<128x8xi1>, vector<128x8xi32>
    %eq3A = arith.cmpi eq, %select_n3A, %iota3A_0 : vector<128x8xi32>
    %convert_element_type3A = arith.extui %eq3A : vector<128x8xi1> to vector<128x8xi32>
    %convert_element_type3A_24 = arith.sitofp %convert_element_type3A : vector<128x8xi32> to vector<128x8xf32>
    %get3A = arith.constant 0 : index
    %get3A_25 = arith.constant 0 : index
    %get3A_26 = vector.load %arg1[%get3A, %get3A_25] : memref<4000x128xf32, #tpu.memory_space<vmem>>, vector<4000x128xf32>
    %dot_general3A = arith.constant dense<0.000000e+00> : vector<4000x8xf32>
    %dot_general3A_27 = tpu.matmul %get3A_26, %convert_element_type3A_24, %dot_general3A {dimension_numbers = #tpu.dot_dimension_numbers<[1], [0], [0], [1], [0, 0, 1, 1], [], []>, transpose_lhs_hint = false} : vector<4000x128xf32>, vector<128x8xf32>, vector<4000x8xf32> -> vector<4000x8xf32>
    %get3A_28 = arith.constant 0 : index
    %get3A_29 = memref.load %arg2[%get3A_28] : memref<1xf32, #tpu.memory_space<smem>>
    %add3A = vector.broadcast %get3A_29 : f32 to vector<4000x8xf32>
    %add3A_30 = arith.addf %dot_general3A_27, %add3A : vector<4000x8xf32>
    %swap3A = arith.constant 0 : index
    %swap3A_31 = arith.constant 0 : index
    %swap3A_32 = vector.load %arg3[%swap3A, %swap3A_31] : memref<4000x8xf32, #tpu.memory_space<vmem>>, vector<4000x8xf32>
    tpu.vector_store %arg3[%swap3A, %swap3A_31], %add3A_30 {strides = array<i32>} : memref<4000x8xf32, #tpu.memory_space<vmem>>, vector<4000x8xf32>,
    return
  }
  func.func @transform_0(%arg0: i32) -> (i32, i32) {
    %c0_i32 = arith.constant 0 : i32
    %c0_i32_0 = arith.constant 0 : i32
    return %arg0, %c0_i32 : i32, i32
  }
  func.func @transform_1(%arg0: i32) -> i32 {
    %c0_i32 = arith.constant 0 : i32
    %c0_i32_0 = arith.constant 0 : i32
    return %c0_i32 : i32
  }
  func.func @transform_2(%arg0: i32) -> (i32, i32) {
    %c0_i32 = arith.constant 0 : i32
    %c0_i32_0 = arith.constant 0 : i32
    return %arg0, %c0_i32 : i32, i32
  }
}

</mosaic_0001>

<sc_bundles>
// kernel: kernel.5.cloned.1.call-start
scs
__scs_entry_jumppad:
0x0: {  	(pc) =	sbr.rel $0x88, $3  }
0x1: {  	(tag) =	ssettag $0x0;
	lr =	simm.s32 $0x1  }
0x2: {  	[smem:$0x3F9B] =	sst lr;
	_ =	strace $0xD0000000  }
0x3: {  	_ = 	snop  }
0x4: {  	_ = 	snop  }
0x5: {  	_ = 	snop  }
0x6: {  	_ = 	snop  }
0x7: {  	_ = 	snop  }
__scs_overlays_trampoline_lowered:
0x8: {  	[smem:$0x3FAA] =	sst s0  }
0x9: {  	[smem:$0x3FAB] =	sst s1  }
0xa: {  	[smem:$0x3FAC] =	sst s2  }
0xb: {  	[smem:$0x3FAD] =	sst s3  }
0xc: {  	[smem:$0x3FAE] =	sst s4  }
0xd: {  	[smem:$0x3FAF] =	sst s5  }
0xe: {  	[smem:$0x3FB0] =	sst s6  }
0xf: {  	[smem:$0x3FB1] =	sst s7  }
0x10: {  	[smem:$0x3FB2] =	sst s8  }
0x11: {  	[smem:$0x3FB3] =	sst s9;
	s0 =	simm.s32 @!p0 $0x0  }
0x12: {  	s1 =	sld [smem:$0x3F99];
	s0 =	simm.s32 @p0 $0x1  }
0x13: {  	[smem:$0x3FB4] =	sst s0;
	s0 =	simm.s32 @!p1 $0x0  }
0x14: {  	s2 =	sld [smem:$0x3F98];
	s0 =	simm.s32 @p1 $0x1  }
0x15: {  	[smem:$0x3FB5] =	sst s0;
	s0 =	simm.s32 @!p2 $0x0  }
0x16: {  	s3 =	sld [smem:$0x3FDB];
	s0 =	simm.s32 @p2 $0x1  }
0x17: {  	s4 =	simm.s32 $0x1BF5;
	[smem:$0x3FB7] =	sst s0  }
0x18: {  	s0 =	sld [smem:$0x3F9A];
	_ =	swait.ge [sflag:s4], $0x0  }
0x19: {  	s7 =	sld [smem:$0x3F9B]  }
0x1a: {  	s8 =	sadd.s32 $0xFFFFE003, lr  }
0x1b: {  	s9 =	sadd.s32 $0xFFFFFEF7, lr;
	s5 =	simm.s32 $0xFFFFFFFF;
	p2 =	slt.u32 s8, $0xFFFFF086  }
0x1c: {  	p1 =	slt.u32 s9, $0xF7A;
	s5 =	simm.s32 @!p2 $0x0  }
0x1d: {  	s5 =	simm.s32 @p1 $0x1;
	p0 =	seq.s32 s7, s2  }
0x1e: {  	s7 =	smul.u32 @!p0 $0xF7A, s2;
	p2 =	seq.s32 @!p0 s5, $0x0  }
0x1f: {  	s9 =	smul.u32 $0xF7A, s1;
	s8 =	simm.s32 @!p0 $0x1BF5;
	p2 =	por !p2, p0  }
0x20: {  	[sflag:s8] =	ssyncset.s32 @!p0 $0xFFFFF086;
	s6 =	sadd.s32 @!p0 s3, s7;
	s7 =	simm.s32 @!p0 $0x108  }
0x21: {  	s3 =	sadd.s32 s3, s9;
	s6 =	sadd.s32 @!p0 $0x88, s6;
	s7 =	simm.s32 @p2 $0x1082  }
0x22: {  	[simem:s7], [sflag:s8] =	dma.local @!p0 [hbm:s6], $0xF7A  }
0x23: {  	s9 =	sor.u32 $0xD0000000, s2;
	s6 =	simm.s32 $0x108;
	_ =	swait.ge @!p0 [sflag:s8], $0x0  }
0x24: {  	s3 =	sadd.s32 $0x88, s3;
	s6 =	simm.s32 @!p1 $0x1082;
	[sflag:s4] =	ssyncset.s32 $0xFFFFF086  }
0x25: {  	[simem:s6], [sflag:s4] =	dma.local [hbm:s3], $0xF7A  }
0x26: {  	[smem:$0x3F9B] =	sst s1;
	(tag) =	ssettag s2;
	_ =	strace s9  }
0x27: {  	s1 =	sld [smem:$0x3FAB]  }
0x28: {  	s2 =	sld [smem:$0x3FAC]  }
0x29: {  	s4 =	sld [smem:$0x3FAE]  }
0x2a: {  	p0 =	seq.s32 s5, $0x0;
	s5 =	sld [smem:$0x3FAF]  }
0x2b: {  	s6 =	sld [smem:$0x3FB0]  }
0x2c: {  	s7 =	sld [smem:$0x3FB1]  }
0x2d: {  	s3 =	simm.s32 $0x108;
	s8 =	sld [smem:$0x3FB2]  }
0x2e: {  	s3 =	simm.s32 @!p0 $0x1082;
	s9 =	sld [smem:$0x3FB3]  }
0x2f: {  	lr =	sadd.s32 s0, s3;
	s0 =	sld [smem:$0x3FAA]  }
0x30: {  	s3 =	sld [smem:$0x3FAD]  }
0x31: {  	[smem:$0x3FB6] =	sst s10  }
0x32: {  	s10 =	sld [smem:$0x3FB4];
	_ =	sdelay $0x3  }
0x33: {  	p0 =	seq.s32 s10, $0x1;
	s10 =	sld [smem:$0x3FB6];
	_ =	sdelay $0x3  }
0x34: {  	[smem:$0x3FB6] =	sst s10  }
0x35: {  	s10 =	sld [smem:$0x3FB5];
	_ =	sdelay $0x3  }
0x36: {  	p1 =	seq.s32 s10, $0x1;
	s10 =	sld [smem:$0x3FB6];
	_ =	sdelay $0x3  }
0x37: {  	[smem:$0x3FB6] =	sst s10  }
0x38: {  	s10 =	sld [smem:$0x3FB7]  }
0x39: {  	_ = 	snop;
	(pc) =	sbr.ind lr, $3  }
0x3a: {  	_ = 	snop  }
0x3b: {  	_ = 	snop  }
0x3c: {  	p2 =	seq.s32 s10, $0x1;
	s10 =	sld [smem:$0x3FB6]  }
0x3d: {  	_ =	shalt  }
0x3e: {  	_ =	shalt  }
0x3f: {  	_ =	shalt  }
0x40: {  	_ =	shalt  }
0x41: {  	_ =	shalt  }
0x42: {  	_ =	shalt  }
0x43: {  	_ =	shalt  }
0x44: {  	_ =	shalt  }
0x45: {  	_ =	shalt  }
0x46: {  	_ =	shalt  }
0x47: {  	_ =	shalt  }
0x48: {  	_ =	shalt  }
0x49: {  	_ =	shalt  }
0x4a: {  	_ =	shalt  }
0x4b: {  	_ =	shalt  }
0x4c: {  	_ =	shalt  }
0x4d: {  	_ =	shalt  }
0x4e: {  	_ =	shalt  }
0x4f: {  	_ =	shalt  }
0x50: {  	_ =	shalt  }
0x51: {  	_ =	shalt  }
0x52: {  	_ =	shalt  }
0x53: {  	_ =	shalt  }
0x54: {  	_ =	shalt  }
0x55: {  	_ =	shalt  }
0x56: {  	_ =	shalt  }
0x57: {  	_ =	shalt  }
0x58: {  	_ =	shalt  }
0x59: {  	_ =	shalt  }
0x5a: {  	_ =	shalt  }
0x5b: {  	_ =	shalt  }
0x5c: {  	_ =	shalt  }
0x5d: {  	_ =	shalt  }
0x5e: {  	_ =	shalt  }
0x5f: {  	_ =	shalt  }
0x60: {  	_ =	shalt  }
0x61: {  	_ =	shalt  }
0x62: {  	_ =	shalt  }
0x63: {  	_ =	shalt  }
0x64: {  	_ =	shalt  }
0x65: {  	_ =	shalt  }
0x66: {  	_ =	shalt  }
0x67: {  	_ =	shalt  }
0x68: {  	_ =	shalt  }
0x69: {  	_ =	shalt  }
0x6a: {  	_ =	shalt  }
0x6b: {  	_ =	shalt  }
0x6c: {  	_ =	shalt  }
0x6d: {  	_ =	shalt  }
0x6e: {  	_ =	shalt  }
0x6f: {  	_ =	shalt  }
0x70: {  	_ =	shalt  }
0x71: {  	_ =	shalt  }
0x72: {  	_ =	shalt  }
0x73: {  	_ =	shalt  }
0x74: {  	_ =	shalt  }
0x75: {  	_ =	shalt  }
0x76: {  	_ =	shalt  }
0x77: {  	_ =	shalt  }
0x78: {  	_ =	shalt  }
0x79: {  	_ =	shalt  }
0x7a: {  	_ =	shalt  }
0x7b: {  	_ =	shalt  }
0x7c: {  	_ =	shalt  }
0x7d: {  	_ =	shalt  }
0x7e: {  	_ =	shalt  }
0x7f: {  	_ =	shalt  }
0x80: {  	_ =	shalt  }
0x81: {  	_ =	shalt  }
0x82: {  	_ =	shalt  }
0x83: {  	_ =	shalt  }
0x84: {  	_ =	shalt  }
0x85: {  	_ =	shalt  }
0x86: {  	_ =	shalt  }
0x87: {  	_ =	shalt  }
.Lfunc_end0:
.L_simem_size_0:
called_computation_lowered:
.L_overlay_start_0:
0x88: {  	s2 =	sld [smem:$0x3FD9]  }
0x89: {  	s3 =	sld [smem:$0x3FFE];
	_ =	sdelay $0x1  }
0x8a: {  	s1 =	srdreg.scid  }
0x8b: {  	s0 =	sand.u32 $0x1, s1  }
0x8c: {  	s17 =	sshll.u32 s0, $0xA;
	s2 =	sadd.s32 s3, s2  }
0x8d: {  	s2 =	sadd.s32 s2, s17  }
0x8e: {  	[smem:$0x3FC2] =	sst s2  }
0x8f: {  	_ = 	snop  }
0x90: {  	s2 =	sld [smem:$0x3FC5];
	(tm) =	ssettm $0x1  }
0x91: {  	s18 =	sld [smem:$0x3FFB];
	_ =	sdelay $0x3  }
0x92: {  	_ =	strace s18  }
0x93: {  	s3 =	sld [smem:$0x3FFC];
	_ =	sdelay $0x3  }
0x94: {  	_ =	strace s3  }
0x95: {  	s3 =	sld [smem:$0x3FFD];
	_ =	sdelay $0x3  }
0x96: {  	_ =	strace s3  }
0x97: {  	_ =	strace $0x8FFFFFFF  }
0x98: {  	s19 =	sld [smem:$0x3FDB];
	_ =	sdelay $0x1  }
0x99: {  	s4 =	simm.s32 $_scs_section_size  }
0x9a: {  	s5 =	simm.s32 $_size__tile_overlayer_lowered;
	s6 =	simm.s32 $_tile_overlayer_lowered  }
0x9b: {  	s22 =	simm.s32 $0x1BFF;
	s21 =	sshll.u32 s6, $0x1;
	s3 =	sadd.s32 s4, s19  }
0x9c: {  	s7 =	simm.s32 $0x0;
	s20 =	sshll.u32 s5, $0x1;
	s5 =	sadd.s32 s21, s3  }
0x9d: {  	[timem:s7], [sflag:s22] =	dma.local [hbm:s5], s20  }
0x9e: {  	_ =	swait.ge [sflag:s22], s20  }
0x9f: {  	s4 =	ssub.s32 $0x0, s20;
	[sflag:s22] =	ssyncset.done $0x0  }
0xa0: {  	[sflag:s22] =	ssyncadd.s32 s4;
	_ =	sdelay $0x1  }
0xa1: {  	s23 =	simm.s32 $0x1B8B  }
0xa2: {  	_ =	swait.ge [sflag:s23], $0x1  }
0xa3: {  	[sflag:s23] =	ssyncset.done $0x0  }
0xa4: {  	s25 =	simm.s32 $0x1B8E;
	s24 =	sld [smem:$0x3FFE];
	[sflag:s23] =	ssyncadd.s32 $0xFFFFFFFF  }
0xa5: {  	s26 =	simm.s32 $execute0_lowered;
	[smem:$0x3FD2] =	sst s25  }
0xa6: {  	s5 =	sshll.u32 s26, $0x1;
	_ =	strace $0x80000046;
	[dreg:$0x1] =	wrdreg $0xFFFFFFFF  }
0xa7: {  	s28 =	simm.s32 $_size_execute0_lowered;
	s3 =	sadd.s32 s3, s5;
	[dreg:$0x0] =	wrdreg $0x0  }
0xa8: {  	s5 =	sshll.u32 s28, $0x1;
	[dreg:$0x2] =	wrdreg s3  }
0xa9: {  	[dreg:$0x3] =	wrdreg s5  }
0xaa: {  	[dreg:$0x4] =	wrdreg $0xC0  }
0xab: {  	_ =	task [dreg:s7], $0x5FFFF  }
0xac: {  	[dreg:$0x1] =	wrdreg $0xFFFFFFFF  }
0xad: {  	[dreg:$0x0] =	wrdreg $0x60  }
0xae: {  	[dreg:$0x2] =	wrdreg s24  }
0xaf: {  	[dreg:$0x3] =	wrdreg s2  }
0xb0: {  	[dreg:$0x4] =	wrdreg $0x9  }
0xb1: {  	_ =	task.clear_ibuf [dreg:s7], $0x5FFFF;
	_ =	strace $0x90000046  }
0xb2: {  	s29 =	simm.s32 $0x9;
	_ =	strace $0x80000048  }
0xb3: {  	_ =	swait.ge [sflag:s29], $0x1  }
0xb4: {  	[sflag:s29] =	ssyncadd.s32 $0xFFFFFFFF  }
0xb5: {  	_ =	strace $0x90000048  }
0xb6: {  	_ =	sfence  }
0xb7: {  	s30 =	sld [smem:$0x0];
	_ =	sdelay $0x2  }
0xb8: {  	s31 =	sshll.u32 s1, $0xD;
	s1 =	sshrl.u32 s1, $0x2  }
0xb9: {  	s3 =	sand.u32 $0x4000, s31;
	s1 =	sadd.s32 s1, s30  }
0xba: {  	s0 =	sor.u32 s3, s0;
	s1 =	sshll.u32 s1, $0x11  }
0xbb: {  	s0 =	sor.u32 s1, s0  }
0xbc: {  	s0 =	sadd.s32 $0x8F2B, s0  }
0xbd: {  	[sflag:s0] =	ssyncadd.remote.s32 $0x1  }
0xbe: {  	_ =	sfence.sel $0xFFFF  }
0xbf: {  	[dreg:$0x0] =	wrdreg $0xFFFFFFFF;
	(pc) =	sbr.abs _section_cstart, $3  }
0xc0: {  	[dreg:$0x1] =	wrdreg $0xFFFFFFFF  }
0xc1: {  	_ =	task.clear_ibuf [dreg:s7], $0x2FFFF;
	_ =	strace $0x9FFFFFFF  }
0xc2: {  	(tm) =	ssettm $0x7FFFFFFF  }
0xc3: {  	_ =	shalt  }
tec
execute0_lowered:
.L_overlay_start_1:
0x0: {  	(tag) =	ssettag $0x1  }
0x1: {  	s0 =	rddreg [dreg:$0x0]  }
0x2: {  	s3 =	simm.s32 $0x0;
	s1 =	srdreg.scid;
	s2 =	stileid.u32  }
0x3: {  	s20 =	simm.s32 $0x80;
	s21 =	simm.s32 $0x180;
	s23 =	simm.s32 $0x28  }
0x4: {  	s28 =	simm.s32 $0x2;
	s24 =	simm.s32 $0x4;
	s13 =	simm.s32 $0x5680  }
0x5: {  	[smem:$0x7FF] =	sst s3;
	s1 =	sand.u32 $0x1, s1;
	s2 =	sshll.u32 s2, $0x1  }
0x6: {  	s4 =	sadd.s32 $0x14A00, s0;
	s9 =	ssub.s32 $0x2, s1;
	s1 =	sor.u32 s1, s2  }
0x7: {  	s5 =	sadd.s32 $0x3BC00, s0;
	s7 =	sadd.s32 $0x1000, s0;
	s6 =	smul.u32 $0x2710, s1  }
0x8: {  	s8 =	sadd.s32 $0x62E00, s0;
	_ =	strace $0x80000047;
	s25 =	sshrl.u32 s9, $0x1  }
0x9: {  	s26 =	ssub.s32 s9, s25;
	s1 =	sshrl.u32 s6, $0x3;
	s9 =	sadd.s32 $0x28, s6  }
0xa: {  	s29 =	sadd.s32 $0x4E228, s6;
	s14 =	sadd.s32 $0x50, s6;
	s0 =	smax.u32 s26, $0x1  }
0xb: {  	s15 =	sadd.s32 $0x78, s6;
	s10 =	sadd.s32 s7, s1;
	[dreg:$0x7] =	wrdreg s0  }
0xc: {  	s30 =	sshrl.u32 s9, $0x3;
	[dreg:$0x3] =	wrdreg s10;
	s10 =	sadd.s32 $0x9C40, s10  }
0xd: {  	s2 =	sshrl.u32 s29, $0x3;
	s1 =	sadd.s32 s7, s30;
	[dreg:$0x4] =	wrdreg s10  }
0xe: {  	s26 =	simm.s32 $0x3;
	s31 =	sadd.s32 s7, s2;
	[dreg:$0x5] =	wrdreg s1  }
0xf: {  	[dreg:$0x6] =	wrdreg s31;
	s10 =	simm.s32 $0x6;
	s1 =	simm.s32 $0x0  }
.LBB2_1:
0x10: {  	[dreg:$0x8] =	wrdreg s1  }
0x11: {  	s0 =	rddreg [dreg:$0x1];
	s12 =	simm.s32 $0x5700;
	s16 =	simm.s32 $0x7  }
0x12: {  	[tilespmem:s12], [sflag:$0x7] =	stream.linear.gather [hbm4b:s0+s3], $0x80, $0x38;
	[tilespmem:$0x5780] =	vst v63  }
0x13: {  	_ =	swait.ge [sflag:s16], $0x80  }
0x14: {  	[sflag:s16] =	ssyncset.done $0x0  }
0x15: {  	[sflag:s16] =	ssyncadd.s32 $0xFFFFFF80  }
0x16: {  	v0 =	vld [tilespmem:$0x5700]  }
0x17: {  	v1 =	vld [tilespmem:$0x5710]  }
0x18: {  	v2 =	vld [tilespmem:$0x5720]  }
0x19: {  	v3 =	vld [tilespmem:$0x5730]  }
0x1a: {  	v4 =	vld [tilespmem:$0x5740]  }
0x1b: {  	v5 =	vld [tilespmem:$0x5750]  }
0x1c: {  	s17 =	rddreg [dreg:$0x3];
	v6 =	vld [tilespmem:$0x5760]  }
0x1d: {  	v7 =	vld [tilespmem:$0x5770];
	[tilespmem:s3], [sflag:$0x1] =	stream.linear.gather [hbm4b:s17+s3], $0x28, $0x38  }
0x1e: {  	s19 =	simm.s32 $0x100;
	s18 =	rddreg [dreg:$0x4]  }
0x1f: {  	[tilespmem:s19], [sflag:$0x1] =	stream.linear.gather [hbm4b:s18+s3], $0x28, $0x38;
	[tilespmem:$0x5780] =	vst v63  }
0x20: {  	s22 =	rddreg [dreg:$0x5]  }
0x21: {  	[tilespmem:s20], [sflag:$0x2] =	stream.linear.gather [hbm4b:s22+s3], $0x28, $0x38;
	[tilespmem:$0x5780] =	vst v63  }
0x22: {  	s29 =	simm.s32 $0x1;
	s25 =	rddreg [dreg:$0x6]  }
0x23: {  	[tilespmem:s21], [sflag:$0x2] =	stream.linear.gather [hbm4b:s25+s3], $0x28, $0x38;
	[tilespmem:$0x5780] =	vst v63  }
0x24: {  	_ =	swait.ge [sflag:s29], $0x28  }
0x25: {  	[sflag:s29] =	ssyncset.done $0x0  }
0x26: {  	[sflag:s29] =	ssyncadd.s32 $0xFFFFFFD8  }
0x27: {  	_ =	swait.ge [sflag:s29], $0x28  }
0x28: {  	[sflag:s29] =	ssyncset.done $0x0  }
0x29: {  	s30 =	simm.s32 $0x200;
	[sflag:s29] =	ssyncadd.s32 $0xFFFFFFD8  }
0x2a: {  	[tilespmem:s30], [sflag:$0x3] =	stream.indirect.gather [hbm4b:s4+s23], $0x80, s3, s23, $0xb8;
	[tilespmem:$0x5780] =	vst v63  }
0x2b: {  	s31 =	simm.s32 $0x2A00;
	s16 =	simm.s32 $0x0  }
0x2c: {  	[tilespmem:s31], [sflag:$0x3] =	stream.indirect.gather [hbm4b:s5+s23], $0x80, s19, s23, $0xb8;
	[tilespmem:$0x5780] =	vst v63  }
.LBB2_2:
0x2d: {  	_ =	swait.ge [sflag:s26], $0x1400;
	p0 =	seq.s32 s16, $0x7C  }
0x2e: {  	[sflag:s26] =	ssyncset.done $0x0;
	s0 =	smul.u32 @!p0 $0x50, s16  }
0x2f: {  	[sflag:s26] =	ssyncadd.s32 $0xFFFFEC00  }
0x30: {  	_ =	swait.ge [sflag:s26], $0x1400;
	s0 =	sadd.s32 @!p0 s0, s14  }
0x31: {  	[sflag:s26] =	ssyncset.done $0x0;
	s0 =	sshrl.u32 @!p0 s0, $0x3  }
0x32: {  	s1 =	simm.s32 @!p0 $0x0;
	[sflag:s26] =	ssyncadd.s32 $0xFFFFEC00;
	s0 =	sadd.s32 @!p0 s7, s0  }
0x33: {  	[tilespmem:s1], [sflag:$0x1] =	stream.linear.gather @!p0 [hbm4b:s0+s1], $0x28, $0x38;
	[tilespmem:$0x5780] =	vst v63  }
0x34: {  	s2 =	simm.s32 @!p0 $0x100;
	s0 =	sadd.s32 @!p0 $0x9C40, s0  }
0x35: {  	[tilespmem:s2], [sflag:$0x1] =	stream.linear.gather @!p0 [hbm4b:s0+s1], $0x28, $0x38;
	[tilespmem:$0x5780] =	vst v63  }
0x36: {  	_ =	swait.ge [sflag:s28], $0x28  }
0x37: {  	[sflag:s28] =	ssyncset.done $0x0  }
0x38: {  	[sflag:s28] =	ssyncadd.s32 $0xFFFFFFD8  }
0x39: {  	_ =	swait.ge [sflag:s28], $0x28  }
0x3a: {  	[sflag:s28] =	ssyncset.done $0x0  }
0x3b: {  	s11 =	simm.s32 $0x1600;
	p1 =	seq.s32 s16, $0x0;
	[sflag:s28] =	ssyncadd.s32 $0xFFFFFFD8  }
0x3c: {  	[tilespmem:s11], [sflag:$0x4] =	stream.indirect.gather [hbm4b:s4+s23], $0x80, s20, s23, $0xb8;
	[tilespmem:$0x5780] =	vst v63  }
0x3d: {  	s12 =	simm.s32 $0x3E00;
	s0 =	simm.s32 @!p1 $0x5  }
0x3e: {  	[tilespmem:s12], [sflag:$0x4] =	stream.indirect.gather [hbm4b:s5+s23], $0x80, s21, s23, $0xb8;
	[tilespmem:$0x5780] =	vst v63  }
0x3f: {  	_ =	swait.ge @!p1 [sflag:s0], $0x280  }
0x40: {  	[sflag:s0] =	ssyncset.done @!p1 $0x0  }
0x41: {  	s18 =	simm.s32 $0x2B00;
	[sflag:s0] =	ssyncadd.s32 @!p1 $0xFFFFFD80  }
0x42: {  	s22 =	simm.s32 $0x300;
	v8 =	vld [tilespmem:s18+$0xFFFFFF30]  }
0x43: {  	v9 =	vld [tilespmem:s22+$0xFFFFFF60]  }
0x44: {  	v10 =	vld [tilespmem:s22+$0xFFFFFF30]  }
0x45: {  	v11 =	vld [tilespmem:s18+$0xFFFFFF60]  }
0x46: {  	v12 =	vld [tilespmem:s18+$0xFFFFFF40]  }
0x47: {  	v13 =	vld [tilespmem:s22+$0xFFFFFF00]  }
0x48: {  	v14 =	vld [tilespmem:s18+$0xFFFFFF10]  }
0x49: {  	v15 =	vld [tilespmem:s22+$0xFFFFFF10]  }
0x4a: {  	v16 =	vld [tilespmem:s18+$0xFFFFFF00]  }
0x4b: {  	v17 =	vld [tilespmem:s18+$0xFFFFFF20]  }
0x4c: {  	v18 =	vld [tilespmem:s22+$0xFFFFFF20]  }
0x4d: {  	v19 =	vld [tilespmem:s18+$0xFFFFFF50]  }
0x4e: {  	v20 =	vld [tilespmem:s22+$0xFFFFFF50];
	v14 =	vadd.f32 v14, v15  }
0x4f: {  	v15 =	vld [tilespmem:s22+$0xFFFFFF40];
	v13 =	vadd.f32 v16, v13  }
0x50: {  	v8 =	vadd.f32 v8, v10;
	v10 =	vmax.f32 v14, $0.0e+00;
	v14 =	vld [tilespmem:s22+$0xFFFFFF70]  }
0x51: {  	v9 =	vadd.f32 v11, v9;
	v11 =	vmax.f32 v13, $0.0e+00;
	v13 =	vld [tilespmem:s18+$0xFFFFFF70];
	v10 =	vmul.f32 v10, v1  }
0x52: {  	v16 =	vadd.f32 v17, v18;
	v8 =	vmax.f32 v8, $0.0e+00;
	v11 =	vmul.f32 v11, v0  }
0x53: {  	v17 =	vadd.f32 v19, v20;
	v8 =	vmul.f32 v8, v3;
	v10 =	vadd.f32 $0.0e+00, v10  }
0x54: {  	v16 =	vmax.f32 v16, $0.0e+00;
	v12 =	vadd.f32 v12, v15;
	v11 =	vadd.f32 $0.0e+00, v11  }
0x55: {  	v15 =	vmul.f32 v16, v2;
	v16 =	vmax.f32 v17, $0.0e+00;
	v8 =	vadd.f32 v8, v10  }
0x56: {  	v10 =	vmax.f32 v12, $0.0e+00;
	v12 =	vmul.f32 v16, v5;
	v13 =	vadd.f32 v13, v14  }
0x57: {  	v11 =	vadd.f32 v15, v11;
	v10 =	vmul.f32 v10, v4  }
0x58: {  	v9 =	vmax.f32 v9, $0.0e+00;
	v8 =	vadd.f32 v12, v8;
	v12 =	vmax.f32 v13, $0.0e+00  }
0x59: {  	v9 =	vmul.f32 v9, v6;
	v10 =	vadd.f32 v10, v11;
	v11 =	vmul.f32 v12, v7;
	_ =	sdelay $0x1  }
0x5a: {  	s29 =	simm.s32 $0x0;
	v9 =	vadd.f32 v9, v10;
	v8 =	vadd.f32 v11, v8  }
0x5b: {  	s17 =	simm.s32 $0x0;
	s19 =	sand.u32 $0x700, s29  }
0x5c: {  	s30 =	sadd.s32 $0x5200, s19;
	s0 =	sand.u32 $0x40, s17;
	v8 =	vadd.f32 v8, v9  }
0x5d: {  	s0 =	sor.u32 s0, s30  }
0x5e: {  	[tilespmem:s0+$0x0] =	vst v8  }
0x5f: {  	v8 =	vld [tilespmem:s22+$0xFFFFFF80]  }
0x60: {  	v9 =	vld [tilespmem:s18+$0xFFFFFFA0]  }
0x61: {  	v10 =	vld [tilespmem:s22+$0xFFFFFFA0]  }
0x62: {  	v11 =	vld [tilespmem:s18+$0xFFFFFFC0]  }
0x63: {  	v12 =	vld [tilespmem:s22+$0xFFFFFFC0]  }
0x64: {  	v13 =	vld [tilespmem:s18+$0xFFFFFFD0]  }
0x65: {  	v14 =	vld [tilespmem:s22+$0xFFFFFFD0]  }
0x66: {  	v15 =	vld [tilespmem:s18+$0xFFFFFF90]  }
0x67: {  	v16 =	vld [tilespmem:s18+$0xFFFFFF80]  }
0x68: {  	v17 =	vld [tilespmem:s22+$0xFFFFFF90]  }
0x69: {  	v18 =	vld [tilespmem:s22+$0xFFFFFFB0]  }
0x6a: {  	v19 =	vld [tilespmem:s18+$0xFFFFFFB0];
	_ =	sdelay $0x1  }
0x6b: {  	v63 =	vld [tilespmem:s18+$0xFFFFFFF0]  }
0x6c: {  	v11 =	vadd.f32 v11, v12;
	v8 =	vadd.f32 v16, v8;
	v12 =	vld [tilespmem:s22+$0xFFFFFFF0]  }
0x6d: {  	v9 =	vadd.f32 v9, v10;
	v10 =	vadd.f32 v15, v17;
	v15 =	vld [tilespmem:s18+$0xFFFFFFE0]  }
0x6e: {  	v13 =	vadd.f32 v13, v14;
	v14 =	vld [tilespmem:s22+$0xFFFFFFE0];
	v16 =	vadd.f32 v19, v18;
	v8 =	vmax.f32 v8, $0.0e+00  }
0x6f: {  	v11 =	vmax.f32 v11, $0.0e+00;
	v10 =	vmax.f32 v10, $0.0e+00;
	v8 =	vmul.f32 v8, v0  }
0x70: {  	v13 =	vmax.f32 v13, $0.0e+00;
	v9 =	vmax.f32 v9, $0.0e+00;
	v10 =	vmul.f32 v10, v1  }
0x71: {  	v16 =	vmax.f32 v16, $0.0e+00;
	v9 =	vmul.f32 v9, v2;
	v8 =	vadd.f32 $0.0e+00, v8  }
0x72: {  	v16 =	vmul.f32 v16, v3;
	v10 =	vadd.f32 $0.0e+00, v10;
	v12 =	vadd.f32 v63, v12  }
0x73: {  	v8 =	vadd.f32 v9, v8;
	v9 =	vmul.f32 v11, v4;
	v11 =	vadd.f32 v15, v14  }
0x74: {  	v13 =	vmul.f32 v13, v5;
	v10 =	vadd.f32 v16, v10  }
0x75: {  	v8 =	vadd.f32 v9, v8;
	v9 =	vmax.f32 v11, $0.0e+00;
	v11 =	vmax.f32 v12, $0.0e+00  }
0x76: {  	v10 =	vadd.f32 v13, v10;
	v9 =	vmul.f32 v9, v6;
	v11 =	vmul.f32 v11, v7;
	_ =	sdelay $0x1  }
0x77: {  	v8 =	vadd.f32 v9, v8;
	v9 =	vadd.f32 v11, v10  }
0x78: {  	s25 =	simm.s32 $0x10  }
0x79: {  	s0 =	sand.u32 $0x50, s25;
	v8 =	vadd.f32 v9, v8  }
0x7a: {  	s0 =	sor.u32 s0, s30  }
0x7b: {  	[tilespmem:s0+$0x0] =	vst v8  }
0x7c: {  	v8 =	vld [tilespmem:s22+$0x40]  }
0x7d: {  	v9 =	vld [tilespmem:s18+$0x40]  }
0x7e: {  	v10 =	vld [tilespmem:s22+$0x70]  }
0x7f: {  	v11 =	vld [tilespmem:s18+$0x70]  }
0x80: {  	v12 =	vld [tilespmem:s18+$0x10]  }
0x81: {  	v13 =	vld [tilespmem:s22+$0x0]  }
0x82: {  	v14 =	vld [tilespmem:s18+$0x0]  }
0x83: {  	v15 =	vld [tilespmem:s18+$0x30]  }
0x84: {  	v16 =	vld [tilespmem:s22+$0x30]  }
0x85: {  	v17 =	vld [tilespmem:s22+$0x10];
	_ =	sdelay $0x1  }
0x86: {  	v18 =	vld [tilespmem:s18+$0x20]  }
0x87: {  	v19 =	vld [tilespmem:s22+$0x20];
	v13 =	vadd.f32 v14, v13  }
0x88: {  	v8 =	vadd.f32 v9, v8;
	v11 =	vadd.f32 v11, v10;
	v10 =	vld [tilespmem:s18+$0x50]  }
0x89: {  	v15 =	vadd.f32 v15, v16;
	v12 =	vadd.f32 v12, v17;
	v14 =	vld [tilespmem:s22+$0x50]  }
0x8a: {  	v13 =	vmax.f32 v13, $0.0e+00;
	v9 =	vmax.f32 v8, $0.0e+00;
	v8 =	vmax.f32 v11, $0.0e+00;
	v11 =	vld [tilespmem:s18+$0x60]  }
0x8b: {  	v16 =	vmax.f32 v12, $0.0e+00;
	v12 =	vld [tilespmem:s22+$0x60];
	v13 =	vmul.f32 v13, v0  }
0x8c: {  	s31 =	simm.s32 $0x30;
	s2 =	simm.s32 $0x30;
	s1 =	simm.s32 $0x0;
	v17 =	vadd.f32 v18, v19;
	v15 =	vmax.f32 v15, $0.0e+00  }
0x8d: {  	s17 =	simm.s32 $0x2D00;
	s25 =	simm.s32 $0x500;
	s0 =	simm.s32 $0x20;
	v8 =	vmul.f32 v8, v7;
	v16 =	vmul.f32 v16, v1;
	v13 =	vadd.f32 $0.0e+00, v13  }
.LBB2_3:
0x8e: {  	s1 =	sadd.s32 $0x4, s1;
	v17 =	vmax.f32 v17, $0.0e+00;
	v10 =	vadd.f32 v10, v14;
	s2 =	sadd.s32 $0x40, s2;
	s29 =	sadd.s32 $0x80, s29  }
0x8f: {  	v15 =	vmul.f32 v15, v3;
	s11 =	sadd.s32 $0xFFFFFFF0, s2;
	p1 =	slt.u32 s1, $0x24;
	v14 =	vadd.f32 $0.0e+00, v16;
	v16 =	vmul.f32 v17, v2  }
0x90: {  	v9 =	vmul.f32 v9, v4;
	v10 =	vmax.f32 v10, $0.0e+00;
	v11 =	vadd.f32 v11, v12  }
0x91: {  	v12 =	vadd.f32 v16, v13;
	v13 =	vadd.f32 v15, v14;
	v10 =	vmul.f32 v10, v5  }
0x92: {  	v11 =	vmax.f32 v11, $0.0e+00  }
0x93: {  	v9 =	vadd.f32 v9, v12;
	v10 =	vadd.f32 v10, v13;
	v11 =	vmul.f32 v11, v6;
	_ =	sdelay $0x1  }
0x94: {  	v9 =	vadd.f32 v11, v9;
	v8 =	vadd.f32 v8, v10;
	_ =	sdelay $0x1  }
0x95: {  	s19 =	sand.u32 $0x60, s0;
	s0 =	smov.u32 s11;
	v8 =	vadd.f32 v8, v9  }
0x96: {  	s11 =	sor.u32 s19, s30  }
0x97: {  	[tilespmem:s11+$0x0] =	vst v8  }
0x98: {  	v8 =	vld [tilespmem:s18+$0xC0]  }
0x99: {  	v9 =	vld [tilespmem:s18+$0x80]  }
0x9a: {  	v10 =	vld [tilespmem:s22+$0x90]  }
0x9b: {  	v11 =	vld [tilespmem:s22+$0xA0]  }
0x9c: {  	v12 =	vld [tilespmem:s22+$0xD0]  }
0x9d: {  	v13 =	vld [tilespmem:s22+$0xC0]  }
0x9e: {  	v14 =	vld [tilespmem:s22+$0xB0]  }
0x9f: {  	v15 =	vld [tilespmem:s18+$0xB0]  }
0xa0: {  	v16 =	vld [tilespmem:s18+$0xA0]  }
0xa1: {  	v17 =	vld [tilespmem:s22+$0xE0]  }
0xa2: {  	v18 =	vld [tilespmem:s18+$0xE0]  }
0xa3: {  	v19 =	vld [tilespmem:s18+$0xD0]  }
0xa4: {  	v8 =	vadd.f32 v8, v13;
	v20 =	vld [tilespmem:s18+$0x90];
	v14 =	vadd.f32 v15, v14  }
0xa5: {  	v13 =	vld [tilespmem:s22+$0x80];
	v11 =	vadd.f32 v16, v11  }
0xa6: {  	v8 =	vmax.f32 v8, $0.0e+00;
	v14 =	vmax.f32 v14, $0.0e+00;
	v15 =	vld [tilespmem:s22+$0xF0];
	s22 =	smov.u32 s25  }
0xa7: {  	v11 =	vmax.f32 v11, $0.0e+00;
	v16 =	vadd.f32 v18, v17;
	v17 =	vld [tilespmem:s18+$0xF0];
	s18 =	smov.u32 s17  }
0xa8: {  	v11 =	vmul.f32 v11, v2;
	v12 =	vadd.f32 v19, v12  }
0xa9: {  	v10 =	vadd.f32 v20, v10;
	v16 =	vmax.f32 v16, $0.0e+00  }
0xaa: {  	v8 =	vmul.f32 v8, v4;
	v9 =	vadd.f32 v9, v13;
	v12 =	vmax.f32 v12, $0.0e+00  }
0xab: {  	v10 =	vmax.f32 v10, $0.0e+00  }
0xac: {  	v13 =	vmul.f32 v16, v6;
	v9 =	vmax.f32 v9, $0.0e+00;
	v10 =	vmul.f32 v10, v1  }
0xad: {  	v15 =	vadd.f32 v17, v15;
	v9 =	vmul.f32 v9, v0  }
0xae: {  	v14 =	vmul.f32 v14, v3;
	v10 =	vadd.f32 $0.0e+00, v10  }
0xaf: {  	v15 =	vmax.f32 v15, $0.0e+00;
	v9 =	vadd.f32 $0.0e+00, v9  }
0xb0: {  	v12 =	vmul.f32 v12, v5;
	v10 =	vadd.f32 v14, v10  }
0xb1: {  	v9 =	vadd.f32 v11, v9  }
0xb2: {  	v11 =	vmul.f32 v15, v7;
	v10 =	vadd.f32 v12, v10  }
0xb3: {  	v8 =	vadd.f32 v8, v9  }
0xb4: {  	v9 =	vadd.f32 v11, v10  }
0xb5: {  	v8 =	vadd.f32 v13, v8;
	_ =	sdelay $0x1  }
0xb6: {  	s11 =	sand.u32 $0x70, s31;
	s31 =	smov.u32 s2;
	v8 =	vadd.f32 v9, v8  }
0xb7: {  	s11 =	sor.u32 s11, s30  }
0xb8: {  	[tilespmem:s11+$0x0] =	vst v8;
	_ =	sdelay $0x1  }
0xb9: {  	v8 =	vld [tilespmem:s17+$0xFFFFFF30]  }
0xba: {  	v9 =	vld [tilespmem:s25+$0xFFFFFF60]  }
0xbb: {  	v10 =	vld [tilespmem:s25+$0xFFFFFF30]  }
0xbc: {  	v11 =	vld [tilespmem:s17+$0xFFFFFF60];
	_ =	sdelay $0x1  }
0xbd: {  	v12 =	vld [tilespmem:s17+$0xFFFFFF40]  }
0xbe: {  	v13 =	vld [tilespmem:s17+$0xFFFFFF20]  }
0xbf: {  	v14 =	vld [tilespmem:s25+$0xFFFFFF00];
	v8 =	vadd.f32 v8, v10  }
0xc0: {  	v10 =	vld [tilespmem:s17+$0xFFFFFF10];
	v9 =	vadd.f32 v11, v9  }
0xc1: {  	v11 =	vld [tilespmem:s25+$0xFFFFFF10];
	v8 =	vmax.f32 v8, $0.0e+00  }
0xc2: {  	v15 =	vld [tilespmem:s17+$0xFFFFFF00];
	v9 =	vmax.f32 v9, $0.0e+00  }
0xc3: {  	v16 =	vld [tilespmem:s25+$0xFFFFFF20]  }
0xc4: {  	v17 =	vld [tilespmem:s17+$0xFFFFFF50]  }
0xc5: {  	v18 =	vld [tilespmem:s25+$0xFFFFFF50]  }
0xc6: {  	v10 =	vadd.f32 v10, v11;
	v11 =	vld [tilespmem:s25+$0xFFFFFF40]  }
0xc7: {  	v14 =	vadd.f32 v15, v14  }
0xc8: {  	v10 =	vmax.f32 v10, $0.0e+00;
	v13 =	vadd.f32 v13, v16;
	v15 =	vld [tilespmem:s25+$0xFFFFFF70]  }
0xc9: {  	v14 =	vmax.f32 v14, $0.0e+00;
	v10 =	vmul.f32 v10, v1;
	v16 =	vld [tilespmem:s17+$0xFFFFFF70]  }
0xca: {  	v14 =	vmul.f32 v14, v0;
	v13 =	vmax.f32 v13, $0.0e+00;
	v17 =	vadd.f32 v17, v18  }
0xcb: {  	v8 =	vmul.f32 v8, v3;
	v10 =	vadd.f32 $0.0e+00, v10;
	v11 =	vadd.f32 v12, v11  }
0xcc: {  	v13 =	vmul.f32 v13, v2;
	v12 =	vadd.f32 $0.0e+00, v14;
	v14 =	vmax.f32 v17, $0.0e+00  }
0xcd: {  	v8 =	vadd.f32 v8, v10;
	v10 =	vmax.f32 v11, $0.0e+00;
	v11 =	vmul.f32 v14, v5  }
0xce: {  	v12 =	vadd.f32 v13, v12;
	v10 =	vmul.f32 v10, v4;
	v13 =	vadd.f32 v16, v15  }
0xcf: {  	v8 =	vadd.f32 v11, v8  }
0xd0: {  	v9 =	vmul.f32 v9, v6;
	v10 =	vadd.f32 v10, v12;
	v11 =	vmax.f32 v13, $0.0e+00  }
0xd1: {  	v11 =	vmul.f32 v11, v7  }
0xd2: {  	v9 =	vadd.f32 v9, v10  }
0xd3: {  	v8 =	vadd.f32 v11, v8  }
0xd4: {  	s19 =	sand.u32 $0x700, s29;
	s11 =	sadd.s32 $0xFFFFFFD0, s2  }
0xd5: {  	s30 =	sadd.s32 $0x5200, s19;
	s11 =	sand.u32 $0x40, s11;
	v8 =	vadd.f32 v8, v9  }
0xd6: {  	s11 =	sor.u32 s11, s30  }
0xd7: {  	[tilespmem:s11+$0x0] =	vst v8  }
0xd8: {  	v8 =	vld [tilespmem:s25+$0xFFFFFF80]  }
0xd9: {  	v9 =	vld [tilespmem:s17+$0xFFFFFFA0]  }
0xda: {  	v10 =	vld [tilespmem:s25+$0xFFFFFFA0]  }
0xdb: {  	v11 =	vld [tilespmem:s17+$0xFFFFFFC0]  }
0xdc: {  	v12 =	vld [tilespmem:s25+$0xFFFFFFC0];
	_ =	sdelay $0x2  }
0xdd: {  	v9 =	vadd.f32 v9, v10  }
0xde: {  	v10 =	vld [tilespmem:s17+$0xFFFFFFD0]  }
0xdf: {  	v11 =	vadd.f32 v11, v12;
	v12 =	vld [tilespmem:s25+$0xFFFFFFD0];
	_ =	sdelay $0x1  }
0xe0: {  	v11 =	vmax.f32 v11, $0.0e+00;
	_ =	sdelay $0x1  }
0xe1: {  	v13 =	vld [tilespmem:s25+$0xFFFFFFB0]  }
0xe2: {  	v10 =	vadd.f32 v10, v12  }
0xe3: {  	v12 =	vld [tilespmem:s17+$0xFFFFFF90]  }
0xe4: {  	v14 =	vld [tilespmem:s17+$0xFFFFFF80];
	v10 =	vmax.f32 v10, $0.0e+00  }
0xe5: {  	v15 =	vld [tilespmem:s25+$0xFFFFFF90];
	v10 =	vmul.f32 v10, v5;
	_ =	sdelay $0x1  }
0xe6: {  	v16 =	vld [tilespmem:s17+$0xFFFFFFB0]  }
0xe7: {  	v17 =	vld [tilespmem:s17+$0xFFFFFFF0]  }
0xe8: {  	v8 =	vadd.f32 v14, v8;
	v14 =	vld [tilespmem:s25+$0xFFFFFFF0]  }
0xe9: {  	v12 =	vadd.f32 v12, v15;
	v15 =	vld [tilespmem:s17+$0xFFFFFFE0]  }
0xea: {  	v8 =	vmax.f32 v8, $0.0e+00;
	v18 =	vld [tilespmem:s25+$0xFFFFFFE0]  }
0xeb: {  	v8 =	vmul.f32 v8, v0;
	v12 =	vmax.f32 v12, $0.0e+00;
	v13 =	vadd.f32 v16, v13  }
0xec: {  	v9 =	vmax.f32 v9, $0.0e+00;
	v12 =	vmul.f32 v12, v1  }
0xed: {  	v9 =	vmul.f32 v9, v2;
	v8 =	vadd.f32 $0.0e+00, v8;
	v13 =	vmax.f32 v13, $0.0e+00  }
0xee: {  	v14 =	vadd.f32 v17, v14;
	v12 =	vadd.f32 $0.0e+00, v12;
	v13 =	vmul.f32 v13, v3  }
0xef: {  	v8 =	vadd.f32 v9, v8;
	v9 =	vmul.f32 v11, v4;
	v11 =	vadd.f32 v15, v18  }
0xf0: {  	v12 =	vadd.f32 v13, v12  }
0xf1: {  	v8 =	vadd.f32 v9, v8;
	v9 =	vmax.f32 v11, $0.0e+00;
	v11 =	vmax.f32 v14, $0.0e+00  }
0xf2: {  	v10 =	vadd.f32 v10, v12;
	v9 =	vmul.f32 v9, v6;
	v11 =	vmul.f32 v11, v7;
	_ =	sdelay $0x1  }
0xf3: {  	v8 =	vadd.f32 v9, v8;
	v9 =	vadd.f32 v11, v10  }
0xf4: {  	s11 =	sadd.s32 $0xFFFFFFE0, s2  }
0xf5: {  	s11 =	sand.u32 $0x50, s11;
	v8 =	vadd.f32 v9, v8  }
0xf6: {  	s11 =	sor.u32 s11, s30  }
0xf7: {  	[tilespmem:s11+$0x0] =	vst v8  }
0xf8: {  	v8 =	vld [tilespmem:s25+$0x40]  }
0xf9: {  	v9 =	vld [tilespmem:s17+$0x40]  }
0xfa: {  	v10 =	vld [tilespmem:s25+$0x70]  }
0xfb: {  	v11 =	vld [tilespmem:s17+$0x70]  }
0xfc: {  	v12 =	vld [tilespmem:s17+$0x10];
	_ =	sdelay $0x1  }
0xfd: {  	v8 =	vadd.f32 v9, v8;
	_ =	sdelay $0x1  }
0xfe: {  	v9 =	vmax.f32 v8, $0.0e+00;
	v8 =	vadd.f32 v11, v10;
	_ =	sdelay $0x1  }
0xff: {  	v10 =	vld [tilespmem:s25+$0x0];
	v8 =	vmax.f32 v8, $0.0e+00  }
0x100: {  	v11 =	vld [tilespmem:s17+$0x0]  }
0x101: {  	v13 =	vld [tilespmem:s17+$0x30]  }
0x102: {  	v14 =	vld [tilespmem:s25+$0x30]  }
0x103: {  	v8 =	vmul.f32 v8, v7;
	v15 =	vld [tilespmem:s25+$0x10]  }
0x104: {  	v16 =	vld [tilespmem:s17+$0x20]  }
0x105: {  	v11 =	vadd.f32 v11, v10;
	v17 =	vld [tilespmem:s25+$0x20]  }
0x106: {  	v10 =	vld [tilespmem:s17+$0x50]  }
.Ltmp0:
0x107: {  	v11 =	vmax.f32 v11, $0.0e+00;
	v13 =	vadd.f32 v13, v14;
	v14 =	vld [tilespmem:s25+$0x50];
	(pc) =	sbr.rel @p1 .LBB2_3-.Ltmp0, $4  }
0x108: {  	v18 =	vmul.f32 v11, v0;
	v19 =	vadd.f32 v12, v15;
	v11 =	vld [tilespmem:s17+$0x60]  }
0x109: {  	v15 =	vmax.f32 v13, $0.0e+00;
	v12 =	vld [tilespmem:s25+$0x60]  }
0x10a: {  	v13 =	vadd.f32 $0.0e+00, v18;
	v18 =	vmax.f32 v19, $0.0e+00;
	v17 =	vadd.f32 v16, v17  }
0x10b: {  	s17 =	sadd.s32 $0x200, s17;
	s25 =	sadd.s32 $0x200, s25;
	v16 =	vmul.f32 v18, v1  }
0x10c: {  	v17 =	vmax.f32 v17, $0.0e+00;
	v10 =	vadd.f32 v10, v14  }
0x10d: {  	v15 =	vmul.f32 v15, v3;
	v50 =	vadd.f32 $0.0e+00, v16;
	v51 =	vmul.f32 v17, v2  }
0x10e: {  	v9 =	vmul.f32 v9, v4;
	v10 =	vmax.f32 v10, $0.0e+00;
	v11 =	vadd.f32 v11, v12  }
0x10f: {  	v52 =	vadd.f32 v51, v13;
	v53 =	vadd.f32 v15, v50;
	v10 =	vmul.f32 v10, v5  }
0x110: {  	v11 =	vmax.f32 v11, $0.0e+00  }
0x111: {  	v9 =	vadd.f32 v9, v52;
	v10 =	vadd.f32 v10, v53;
	v11 =	vmul.f32 v11, v6;
	_ =	sdelay $0x1  }
0x112: {  	v9 =	vadd.f32 v11, v9;
	v8 =	vadd.f32 v8, v10;
	_ =	sdelay $0x1  }
0x113: {  	s0 =	sand.u32 $0x60, s0;
	v8 =	vadd.f32 v8, v9  }
0x114: {  	s0 =	sor.u32 s0, s30  }
0x115: {  	[tilespmem:s0+$0x0] =	vst v8  }
0x116: {  	v8 =	vld [tilespmem:s18+$0xC0]  }
0x117: {  	v9 =	vld [tilespmem:s18+$0x80]  }
0x118: {  	v10 =	vld [tilespmem:s22+$0x90]  }
0x119: {  	v11 =	vld [tilespmem:s22+$0xA0]  }
0x11a: {  	v54 =	vld [tilespmem:s22+$0xC0]  }
0x11b: {  	v55 =	vld [tilespmem:s22+$0xB0]  }
0x11c: {  	v56 =	vld [tilespmem:s18+$0xB0]  }
0x11d: {  	v57 =	vld [tilespmem:s18+$0xA0]  }
0x11e: {  	v58 =	vld [tilespmem:s18+$0x90]  }
0x11f: {  	v59 =	vld [tilespmem:s22+$0x80]  }
0x120: {  	v18 =	vld [tilespmem:s22+$0xE0]  }
0x121: {  	v19 =	vld [tilespmem:s18+$0xE0]  }
0x122: {  	v20 =	vld [tilespmem:s22+$0xD0]  }
0x123: {  	v60 =	vld [tilespmem:s18+$0xD0]  }
0x124: {  	v61 =	vld [tilespmem:s22+$0xF0]  }
0x125: {  	v62 =	vld [tilespmem:s18+$0xF0]  }
0x126: {  	v13 =	vadd.f32 v56, v55  }
0x127: {  	v8 =	vadd.f32 v8, v54;
	v10 =	vadd.f32 v58, v10  }
0x128: {  	v9 =	vadd.f32 v9, v59;
	v11 =	vadd.f32 v57, v11  }
0x129: {  	v63 =	vadd.f32 v19, v18;
	v14 =	vadd.f32 v60, v20  }
0x12a: {  	v12 =	vadd.f32 v62, v61;
	v10 =	vmax.f32 v10, $0.0e+00;
	v9 =	vmax.f32 v9, $0.0e+00  }
0x12b: {  	v11 =	vmax.f32 v11, $0.0e+00;
	v10 =	vmul.f32 v10, v1;
	v9 =	vmul.f32 v9, v0  }
0x12c: {  	v13 =	vmax.f32 v13, $0.0e+00;
	v8 =	vmax.f32 v8, $0.0e+00;
	v11 =	vmul.f32 v11, v2  }
0x12d: {  	v13 =	vmul.f32 v13, v3;
	v10 =	vadd.f32 $0.0e+00, v10;
	v9 =	vadd.f32 $0.0e+00, v9  }
0x12e: {  	v14 =	vmax.f32 v14, $0.0e+00;
	v12 =	vmax.f32 v12, $0.0e+00;
	v8 =	vmul.f32 v8, v4  }
0x12f: {  	v20 =	vmul.f32 v14, v5;
	v10 =	vadd.f32 v13, v10;
	v9 =	vadd.f32 v11, v9  }
0x130: {  	v16 =	vmax.f32 v63, $0.0e+00;
	v12 =	vmul.f32 v12, v7  }
0x131: {  	v11 =	vmul.f32 v16, v6;
	v10 =	vadd.f32 v20, v10;
	v8 =	vadd.f32 v8, v9;
	_ =	sdelay $0x1  }
0x132: {  	s22 =	smul.u32 $0x50, s16;
	v9 =	vadd.f32 v12, v10;
	v8 =	vadd.f32 v11, v8;
	_ =	sdelay $0x1  }
0x133: {  	s11 =	sand.u32 $0x70, s31;
	s1 =	sadd.s32 s6, s22;
	v8 =	vadd.f32 v9, v8  }
0x134: {  	s0 =	sor.u32 s11, s30;
	s1 =	sshll.u32 s1, $0x1  }
0x135: {  	s17 =	simm.s32 $0x5200;
	s12 =	sadd.s32 s8, s1;
	[tilespmem:s0+$0x0] =	vst v8  }
0x136: {  	[hbm4b:s12+s3] =	stream.linear.scatter [tilespmem:s17], [sflag:$0x5], $0x80, $0x38;
	[tilespmem:$0x5780] =	vst v63  }
0x137: {  	s2 =	simm.s32 $0x5300;
	s18 =	sadd.s32 $0x10, s12  }
0x138: {  	[hbm4b:s18+s3] =	stream.linear.scatter [tilespmem:s2], [sflag:$0x5], $0x80, $0x38;
	[tilespmem:$0x5780] =	vst v63  }
0x139: {  	s25 =	simm.s32 $0x5400;
	s19 =	sadd.s32 $0x20, s12  }
0x13a: {  	[hbm4b:s19+s3] =	stream.linear.scatter [tilespmem:s25], [sflag:$0x5], $0x80, $0x38;
	[tilespmem:$0x5780] =	vst v63  }
0x13b: {  	s11 =	simm.s32 $0x5500;
	s2 =	sadd.s32 $0x30, s12  }
0x13c: {  	[hbm4b:s2+s3] =	stream.linear.scatter [tilespmem:s11], [sflag:$0x5], $0x80, $0x38;
	[tilespmem:$0x5780] =	vst v63  }
0x13d: {  	s0 =	sadd.s32 $0x40, s12;
	s12 =	simm.s32 $0x5600  }
0x13e: {  	[hbm4b:s0+s3] =	stream.linear.scatter [tilespmem:s12], [sflag:$0x5], $0x80, $0x38;
	[tilespmem:$0x5780] =	vst v63  }
0x13f: {  	_ =	swait.ge [sflag:s24], $0x1400  }
0x140: {  	[sflag:s24] =	ssyncset.done $0x0  }
0x141: {  	[sflag:s24] =	ssyncadd.s32 $0xFFFFEC00  }
0x142: {  	s0 =	sadd.s32 @!p0 s22, s15;
	_ =	swait.ge [sflag:s24], $0x1400  }
0x143: {  	s1 =	simm.s32 @!p0 $0x0;
	s0 =	sshrl.u32 @!p0 s0, $0x3;
	[sflag:s24] =	ssyncset.done $0x0  }
0x144: {  	s2 =	simm.s32 @!p0 $0x80;
	s0 =	sadd.s32 @!p0 s7, s0;
	[sflag:s24] =	ssyncadd.s32 $0xFFFFEC00  }
0x145: {  	[tilespmem:s2], [sflag:$0x2] =	stream.linear.gather @!p0 [hbm4b:s0+s1], $0x28, $0x38;
	[tilespmem:$0x5780] =	vst v63  }
0x146: {  	s0 =	sadd.s32 @!p0 $0x9C40, s0;
	s2 =	simm.s32 @!p0 $0x180  }
0x147: {  	[tilespmem:s2], [sflag:$0x2] =	stream.linear.gather @!p0 [hbm4b:s0+s1], $0x28, $0x38;
	[tilespmem:$0x5780] =	vst v63  }
0x148: {  	s0 =	simm.s32 @!p0 $0x1  }
0x149: {  	_ =	swait.ge @!p0 [sflag:s0], $0x28  }
0x14a: {  	[sflag:s0] =	ssyncset.done @!p0 $0x0  }
0x14b: {  	[sflag:s0] =	ssyncadd.s32 @!p0 $0xFFFFFFD8  }
0x14c: {  	_ =	swait.ge @!p0 [sflag:s0], $0x28  }
0x14d: {  	[sflag:s0] =	ssyncset.done @!p0 $0x0  }
0x14e: {  	s2 =	simm.s32 @!p0 $0x200;
	[sflag:s0] =	ssyncadd.s32 @!p0 $0xFFFFFFD8;
	s0 =	simm.s32 @!p0 $0x28  }
0x14f: {  	[tilespmem:s2], [sflag:$0x3] =	stream.indirect.gather @!p0 [hbm4b:s4+s0], $0x80, s1, s0, $0xb8;
	[tilespmem:$0x5780] =	vst v63  }
0x150: {  	p1 =	seq.s32 @!p0 s16, $0x0;
	s1 =	simm.s32 @!p0 $0x100;
	s2 =	simm.s32 @!p0 $0x2A00  }
0x151: {  	[tilespmem:s2], [sflag:$0x3] =	stream.indirect.gather @!p0 [hbm4b:s5+s0], $0x80, s1, s0, $0xb8;
	[tilespmem:$0x5780] =	vst v63  }
0x152: {  	p0 =	por p0, !p1  }
0x153: {  	_ =	swait.ge @p0 [sflag:s10], $0x280  }
0x154: {  	[sflag:s10] =	ssyncset.done @p0 $0x0  }
0x155: {  	s29 =	simm.s32 $0x3FF0;
	[sflag:s10] =	ssyncadd.s32 @p0 $0xFFFFFD80  }
0x156: {  	v8 =	vld [tilespmem:s29+$0xFFFFFE60]  }
0x157: {  	s18 =	simm.s32 $0x17F0;
	v9 =	vld [tilespmem:s29+$0xFFFFFE40]  }
0x158: {  	v10 =	vld [tilespmem:s18+$0xFFFFFE40]  }
0x159: {  	v11 =	vld [tilespmem:s18+$0xFFFFFE60]  }
0x15a: {  	v21 =	vld [tilespmem:s18+$0xFFFFFE80]  }
0x15b: {  	v22 =	vld [tilespmem:s29+$0xFFFFFE80]  }
0x15c: {  	v23 =	vld [tilespmem:s29+$0xFFFFFE20]  }
0x15d: {  	v24 =	vld [tilespmem:s18+$0xFFFFFE20]  }
0x15e: {  	v25 =	vld [tilespmem:s29+$0xFFFFFE10]  }
0x15f: {  	v26 =	vld [tilespmem:s18+$0xFFFFFE10]  }
0x160: {  	v27 =	vld [tilespmem:s29+$0xFFFFFE30]  }
0x161: {  	v28 =	vld [tilespmem:s18+$0xFFFFFE30]  }
0x162: {  	v30 =	vld [tilespmem:s29+$0xFFFFFE70]  }
0x163: {  	v31 =	vld [tilespmem:s18+$0xFFFFFE70]  }
0x164: {  	v29 =	vld [tilespmem:s29+$0xFFFFFE50]  }
0x165: {  	v14 =	vadd.f32 v23, v24;
	v9 =	vadd.f32 v9, v10;
	v10 =	vld [tilespmem:s18+$0xFFFFFE50]  }
0x166: {  	v8 =	vadd.f32 v8, v11;
	v11 =	vadd.f32 v25, v26  }
0x167: {  	v18 =	vadd.f32 v27, v28;
	v12 =	vadd.f32 v22, v21;
	v14 =	vmax.f32 v14, $0.0e+00  }
0x168: {  	v34 =	vadd.f32 v30, v31;
	v11 =	vmax.f32 v11, $0.0e+00;
	v14 =	vmul.f32 v14, v1  }
0x169: {  	v9 =	vmax.f32 v9, $0.0e+00;
	v33 =	vmax.f32 v18, $0.0e+00;
	v11 =	vmul.f32 v11, v0  }
0x16a: {  	v9 =	vmul.f32 v9, v3;
	v32 =	vadd.f32 $0.0e+00, v14;
	v10 =	vadd.f32 v29, v10  }
0x16b: {  	v8 =	vmax.f32 v8, $0.0e+00;
	v11 =	vadd.f32 $0.0e+00, v11;
	v14 =	vmul.f32 v33, v2  }
0x16c: {  	v8 =	vmul.f32 v8, v5;
	v9 =	vadd.f32 v9, v32;
	v10 =	vmax.f32 v10, $0.0e+00  }
0x16d: {  	v11 =	vadd.f32 v14, v11;
	v10 =	vmul.f32 v10, v4  }
0x16e: {  	v12 =	vmax.f32 v12, $0.0e+00;
	v8 =	vadd.f32 v8, v9;
	v9 =	vmax.f32 v34, $0.0e+00  }
0x16f: {  	v10 =	vadd.f32 v10, v11;
	v9 =	vmul.f32 v9, v6;
	v11 =	vmul.f32 v12, v7  }
0x170: {  	s0 =	simm.s32 $0x1;
	p0 =	por $0x0, $0x0  }
0x171: {  	s0 =	simm.s32 @!p0 $0x0;
	v9 =	vadd.f32 v9, v10;
	v8 =	vadd.f32 v11, v8  }
0x172: {  	s0 =	sshll.u32 s0, $0x6  }
0x173: {  	s0 =	sadd.s32 $0x0, s0;
	v8 =	vadd.f32 v8, v9  }
0x174: {  	s0 =	sor.u32 $0x80, s0  }
0x175: {  	[tilespmem:s0+$0x5200] =	vst v8  }
0x176: {  	v8 =	vld [tilespmem:s29+$0xFFFFFED0]  }
0x177: {  	v9 =	vld [tilespmem:s18+$0xFFFFFED0]  }
0x178: {  	v10 =	vld [tilespmem:s18+$0xFFFFFEB0]  }
0x179: {  	v11 =	vld [tilespmem:s29+$0xFFFFFEB0]  }
0x17a: {  	v35 =	vld [tilespmem:s29+$0xFFFFFEE0]  }
0x17b: {  	v36 =	vld [tilespmem:s18+$0xFFFFFEC0]  }
0x17c: {  	v37 =	vld [tilespmem:s29+$0xFFFFFEA0]  }
0x17d: {  	v38 =	vld [tilespmem:s29+$0xFFFFFE90]  }
0x17e: {  	v39 =	vld [tilespmem:s18+$0xFFFFFE90]  }
0x17f: {  	v40 =	vld [tilespmem:s18+$0xFFFFFEA0]  }
0x180: {  	v41 =	vld [tilespmem:s29+$0xFFFFFEC0]  }
0x181: {  	v42 =	vld [tilespmem:s18+$0xFFFFFEE0]  }
0x182: {  	v44 =	vld [tilespmem:s29+$0xFFFFFEF0]  }
0x183: {  	v46 =	vld [tilespmem:s18+$0xFFFFFEF0];
	_ =	sdelay $0x1  }
0x184: {  	v10 =	vadd.f32 v11, v10;
	v15 =	vadd.f32 v38, v39  }
0x185: {  	v43 =	vld [tilespmem:s29+$0xFFFFFF00];
	v14 =	vadd.f32 v37, v40;
	v8 =	vadd.f32 v8, v9  }
0x186: {  	v11 =	vld [tilespmem:s18+$0xFFFFFF00];
	v9 =	vadd.f32 v41, v36;
	v12 =	vadd.f32 v35, v42;
	v45 =	vmax.f32 v15, $0.0e+00  }
0x187: {  	v47 =	vadd.f32 v44, v46;
	v14 =	vmax.f32 v14, $0.0e+00;
	v13 =	vmul.f32 v45, v0  }
0x188: {  	v10 =	vmax.f32 v10, $0.0e+00;
	v8 =	vmax.f32 v8, $0.0e+00;
	v14 =	vmul.f32 v14, v1  }
0x189: {  	v9 =	vmax.f32 v9, $0.0e+00;
	v10 =	vmul.f32 v10, v2;
	v13 =	vadd.f32 $0.0e+00, v13  }
0x18a: {  	v12 =	vmax.f32 v12, $0.0e+00;
	v9 =	vmul.f32 v9, v3;
	v14 =	vadd.f32 $0.0e+00, v14  }
0x18b: {  	v8 =	vmul.f32 v8, v4;
	v11 =	vadd.f32 v43, v11;
	v10 =	vadd.f32 v10, v13  }
0x18c: {  	v12 =	vmul.f32 v12, v5;
	v9 =	vadd.f32 v9, v14  }
0x18d: {  	v11 =	vmax.f32 v11, $0.0e+00;
	v8 =	vadd.f32 v8, v10;
	v10 =	vmax.f32 v47, $0.0e+00  }
0x18e: {  	s17 =	simm.s32 $0x0;
	v11 =	vmul.f32 v11, v7;
	v9 =	vadd.f32 v12, v9;
	v10 =	vmul.f32 v10, v6  }
0x18f: {  	s19 =	sand.u32 $0x7, s17  }
0x190: {  	s1 =	sshll.u32 s19, $0x4;
	v9 =	vadd.f32 v11, v9;
	v8 =	vadd.f32 v10, v8  }
0x191: {  	s1 =	sadd.s32 $0x0, s1  }
0x192: {  	s25 =	sadd.s32 $0x10, s1;
	v8 =	vadd.f32 v9, v8  }
0x193: {  	s2 =	sor.u32 $0x80, s25  }
0x194: {  	[tilespmem:s2+$0x5200] =	vst v8  }
0x195: {  	v8 =	vld [tilespmem:s18+$0xFFFFFF10]  }
0x196: {  	v9 =	vld [tilespmem:s29+$0xFFFFFF10]  }
0x197: {  	v10 =	vld [tilespmem:s18+$0xFFFFFF30]  }
0x198: {  	v11 =	vld [tilespmem:s29+$0xFFFFFF30]  }
0x199: {  	v48 =	vld [tilespmem:s18+$0xFFFFFF50]  }
0x19a: {  	v49 =	vld [tilespmem:s29+$0xFFFFFF50]  }
0x19b: {  	v51 =	vld [tilespmem:s29+$0xFFFFFF20]  }
0x19c: {  	v52 =	vld [tilespmem:s18+$0xFFFFFF20]  }
0x19d: {  	v53 =	vld [tilespmem:s29+$0xFFFFFF40]  }
0x19e: {  	v54 =	vld [tilespmem:s18+$0xFFFFFF40]  }
0x19f: {  	v55 =	vld [tilespmem:s29+$0xFFFFFF60]  }
0x1a0: {  	v56 =	vld [tilespmem:s18+$0xFFFFFF60]  }
0x1a1: {  	v50 =	vld [tilespmem:s18+$0xFFFFFF70];
	v8 =	vadd.f32 v9, v8  }
0x1a2: {  	v9 =	vld [tilespmem:s29+$0xFFFFFF70]  }
0x1a3: {  	v57 =	vld [tilespmem:s29+$0xFFFFFF80];
	v10 =	vadd.f32 v11, v10;
	v11 =	vadd.f32 v51, v52;
	v8 =	vmax.f32 v8, $0.0e+00  }
0x1a4: {  	v59 =	vld [tilespmem:s18+$0xFFFFFF80];
	v12 =	vadd.f32 v49, v48;
	v58 =	vadd.f32 v53, v54;
	v8 =	vmul.f32 v8, v0  }
0x1a5: {  	v60 =	vadd.f32 v55, v56;
	v10 =	vmax.f32 v10, $0.0e+00;
	v11 =	vmax.f32 v11, $0.0e+00  }
0x1a6: {  	v10 =	vmul.f32 v10, v2;
	v11 =	vmul.f32 v11, v1;
	v8 =	vadd.f32 $0.0e+00, v8  }
0x1a7: {  	v12 =	vmax.f32 v12, $0.0e+00;
	v13 =	vmax.f32 v58, $0.0e+00;
	v9 =	vadd.f32 v9, v50  }
0x1a8: {  	v8 =	vadd.f32 v10, v8;
	v10 =	vadd.f32 $0.0e+00, v11;
	v11 =	vmul.f32 v13, v3  }
0x1a9: {  	v62 =	vadd.f32 v57, v59;
	v61 =	vmax.f32 v60, $0.0e+00;
	v12 =	vmul.f32 v12, v4  }
0x1aa: {  	v9 =	vmax.f32 v9, $0.0e+00;
	v10 =	vadd.f32 v11, v10;
	v11 =	vmul.f32 v61, v5  }
0x1ab: {  	v63 =	vmax.f32 v62, $0.0e+00;
	v9 =	vmul.f32 v9, v6  }
0x1ac: {  	v8 =	vadd.f32 v12, v8;
	v10 =	vadd.f32 v11, v10;
	v11 =	vmul.f32 v63, v7  }
0x1ad: {  	s31 =	simm.s32 $0xA0;
	s30 =	simm.s32 $0x0;
	s11 =	sadd.s32 $0x30, s1  }
0x1ae: {  	s1 =	simm.s32 $0x4;
	s25 =	simm.s32 $0x80;
	s0 =	sand.u32 $0x3, s17;
	v8 =	vadd.f32 v9, v8;
	v9 =	vadd.f32 v11, v10  }
0x1af: {  	p0 =	por !p0, !p0;
	s17 =	simm.s32 $0x19F0;
	s0 =	sshll.u32 s0, $0x5  }
0x1b0: {  	s19 =	sadd.s32 $0x20, s0;
	s0 =	simm.s32 $0x3FF0;
	s2 =	simm.s32 $0x2;
	v8 =	vadd.f32 v9, v8  }
.LBB2_5:
0x1b1: {  	s30 =	sadd.s32 $0x4, s30;
	s19 =	sor.u32 $0x80, s19;
	s29 =	sadd.s32 $0x200, s29  }
0x1b2: {  	p1 =	slt.u32 s30, $0x24;
	[tilespmem:s19+$0x5200] =	vst v8;
	s19 =	smov.u32 s31  }
0x1b3: {  	v8 =	vld [tilespmem:s0+$0xFFFFFFD0]  }
0x1b4: {  	v9 =	vld [tilespmem:s18+$0xFFFFFFD0]  }
0x1b5: {  	v10 =	vld [tilespmem:s18+$0xFFFFFFA0]  }
0x1b6: {  	v11 =	vld [tilespmem:s18+$0xFFFFFFB0]  }
0x1b7: {  	v12 =	vld [tilespmem:s0+$0xFFFFFF90]  }
0x1b8: {  	v13 =	vld [tilespmem:s18+$0xFFFFFFC0]  }
0x1b9: {  	v14 =	vld [tilespmem:s0+$0xFFFFFFC0];
	v8 =	vadd.f32 v8, v9  }
0x1ba: {  	v9 =	vld [tilespmem:s0+$0xFFFFFFB0]  }
0x1bb: {  	v8 =	vmax.f32 v8, $0.0e+00;
	v15 =	vld [tilespmem:s18+$0xFFFFFFE0]  }
0x1bc: {  	v16 =	vld [tilespmem:s0+$0xFFFFFFE0]  }
0x1bd: {  	v17 =	vld [tilespmem:s18+$0xFFFFFFF0]  }
0x1be: {  	v18 =	vld [tilespmem:s18+$0xFFFFFF90];
	v13 =	vadd.f32 v14, v13  }
0x1bf: {  	v14 =	vld [tilespmem:s0+$0xFFFFFFA0];
	v9 =	vadd.f32 v9, v11  }
0x1c0: {  	v11 =	vmax.f32 v13, $0.0e+00;
	v13 =	vld [tilespmem:s0+$0xFFFFFFF0]  }
0x1c1: {  	v9 =	vmax.f32 v9, $0.0e+00;
	v15 =	vadd.f32 v16, v15;
	v16 =	vld [tilespmem:s18+$0x0];
	s18 =	smov.u32 s17  }
0x1c2: {  	v9 =	vmul.f32 v9, v2;
	v19 =	vld [tilespmem:s0+$0x0];
	s0 =	smov.u32 s29  }
0x1c3: {  	v12 =	vadd.f32 v12, v18;
	v15 =	vmax.f32 v15, $0.0e+00  }
0x1c4: {  	v10 =	vadd.f32 v14, v10  }
0x1c5: {  	v12 =	vmax.f32 v12, $0.0e+00;
	v13 =	vadd.f32 v13, v17  }
0x1c6: {  	v12 =	vmul.f32 v12, v0;
	v10 =	vmax.f32 v10, $0.0e+00  }
0x1c7: {  	v10 =	vmul.f32 v10, v1;
	v13 =	vmax.f32 v13, $0.0e+00;
	v14 =	vadd.f32 v19, v16  }
0x1c8: {  	v12 =	vadd.f32 $0.0e+00, v12  }
0x1c9: {  	v11 =	vmul.f32 v11, v3;
	v10 =	vadd.f32 $0.0e+00, v10  }
0x1ca: {  	v8 =	vmul.f32 v8, v4;
	v9 =	vadd.f32 v9, v12  }
0x1cb: {  	v10 =	vadd.f32 v11, v10;
	v11 =	vmul.f32 v15, v5  }
0x1cc: {  	v8 =	vadd.f32 v8, v9;
	v9 =	vmax.f32 v14, $0.0e+00  }
0x1cd: {  	v10 =	vadd.f32 v11, v10;
	v11 =	vmul.f32 v13, v6;
	v9 =	vmul.f32 v9, v7;
	_ =	sdelay $0x1  }
0x1ce: {  	v8 =	vadd.f32 v11, v8;
	v9 =	vadd.f32 v9, v10;
	_ =	sdelay $0x1  }
0x1cf: {  	v8 =	vadd.f32 v9, v8  }
0x1d0: {  	s11 =	sor.u32 $0x80, s11  }
0x1d1: {  	[tilespmem:s11+$0x5200] =	vst v8  }
0x1d2: {  	v8 =	vld [tilespmem:s29+$0xFFFFFE60]  }
0x1d3: {  	v9 =	vld [tilespmem:s29+$0xFFFFFE40]  }
0x1d4: {  	v10 =	vld [tilespmem:s17+$0xFFFFFE40]  }
0x1d5: {  	v11 =	vld [tilespmem:s17+$0xFFFFFE60]  }
0x1d6: {  	v12 =	vld [tilespmem:s17+$0xFFFFFE80]  }
0x1d7: {  	v13 =	vld [tilespmem:s29+$0xFFFFFE80];
	_ =	sdelay $0x1  }
0x1d8: {  	v9 =	vadd.f32 v9, v10  }
0x1d9: {  	v8 =	vadd.f32 v8, v11  }
0x1da: {  	v9 =	vmax.f32 v9, $0.0e+00  }
0x1db: {  	v8 =	vmax.f32 v8, $0.0e+00;
	v10 =	vadd.f32 v13, v12;
	_ =	sdelay $0x9  }
0x1dc: {  	v11 =	vld [tilespmem:s29+$0xFFFFFE20]  }
0x1dd: {  	v12 =	vld [tilespmem:s17+$0xFFFFFE20]  }
0x1de: {  	v13 =	vld [tilespmem:s29+$0xFFFFFE10]  }
0x1df: {  	v14 =	vld [tilespmem:s17+$0xFFFFFE10]  }
0x1e0: {  	v15 =	vld [tilespmem:s29+$0xFFFFFE30]  }
0x1e1: {  	v16 =	vld [tilespmem:s17+$0xFFFFFE30]  }
0x1e2: {  	v11 =	vadd.f32 v11, v12;
	v12 =	vld [tilespmem:s29+$0xFFFFFE50]  }
0x1e3: {  	v17 =	vld [tilespmem:s17+$0xFFFFFE50]  }
0x1e4: {  	v13 =	vadd.f32 v13, v14;
	v11 =	vmax.f32 v11, $0.0e+00;
	v14 =	vld [tilespmem:s29+$0xFFFFFE70]  }
0x1e5: {  	v11 =	vmul.f32 v11, v1;
	v18 =	vld [tilespmem:s17+$0xFFFFFE70]  }
0x1e6: {  	v13 =	vmax.f32 v13, $0.0e+00;
	v15 =	vadd.f32 v15, v16  }
0x1e7: {  	v9 =	vmul.f32 v9, v3;
	v13 =	vmul.f32 v13, v0;
	v11 =	vadd.f32 $0.0e+00, v11  }
0x1e8: {  	v8 =	vmul.f32 v8, v5;
	v15 =	vmax.f32 v15, $0.0e+00;
	v12 =	vadd.f32 v12, v17  }
0x1e9: {  	v13 =	vadd.f32 $0.0e+00, v13;
	v15 =	vmul.f32 v15, v2;
	v9 =	vadd.f32 v9, v11  }
0x1ea: {  	v11 =	vmax.f32 v12, $0.0e+00;
	v12 =	vadd.f32 v14, v18  }
0x1eb: {  	v13 =	vadd.f32 v15, v13;
	v11 =	vmul.f32 v11, v4;
	v8 =	vadd.f32 v8, v9  }
0x1ec: {  	v10 =	vmax.f32 v10, $0.0e+00;
	v9 =	vmax.f32 v12, $0.0e+00  }
0x1ed: {  	v10 =	vmul.f32 v10, v7;
	v11 =	vadd.f32 v11, v13;
	v9 =	vmul.f32 v9, v6  }
0x1ee: {  	s11 =	simm.s32 $0x1  }
0x1ef: {  	s11 =	simm.s32 @!p0 $0x0;
	v8 =	vadd.f32 v10, v8;
	v9 =	vadd.f32 v9, v11  }
0x1f0: {  	s11 =	sshll.u32 s11, $0x6  }
0x1f1: {  	s11 =	sadd.s32 s11, s25;
	v8 =	vadd.f32 v8, v9  }
0x1f2: {  	s11 =	sor.u32 $0x80, s11  }
0x1f3: {  	[tilespmem:s11+$0x5200] =	vst v8  }
0x1f4: {  	v8 =	vld [tilespmem:s29+$0xFFFFFED0]  }
0x1f5: {  	v9 =	vld [tilespmem:s17+$0xFFFFFED0]  }
0x1f6: {  	v10 =	vld [tilespmem:s17+$0xFFFFFEB0]  }
0x1f7: {  	v11 =	vld [tilespmem:s29+$0xFFFFFEB0]  }
0x1f8: {  	v12 =	vld [tilespmem:s29+$0xFFFFFEE0]  }
0x1f9: {  	v13 =	vld [tilespmem:s17+$0xFFFFFEC0]  }
0x1fa: {  	v14 =	vld [tilespmem:s29+$0xFFFFFEC0]  }
0x1fb: {  	v15 =	vld [tilespmem:s17+$0xFFFFFEE0]  }
0x1fc: {  	v16 =	vld [tilespmem:s29+$0xFFFFFEA0];
	v10 =	vadd.f32 v11, v10  }
0x1fd: {  	v11 =	vld [tilespmem:s29+$0xFFFFFE90]  }
0x1fe: {  	v8 =	vadd.f32 v8, v9;
	v17 =	vld [tilespmem:s17+$0xFFFFFE90];
	v10 =	vmax.f32 v10, $0.0e+00  }
0x1ff: {  	v9 =	vld [tilespmem:s17+$0xFFFFFEA0];
	v10 =	vmul.f32 v10, v2;
	v13 =	vadd.f32 v14, v13  }
0x200: {  	v8 =	vmax.f32 v8, $0.0e+00;
	v14 =	vld [tilespmem:s17+$0xFFFFFF00]  }
0x201: {  	v8 =	vmul.f32 v8, v4;
	v13 =	vmax.f32 v13, $0.0e+00;
	v18 =	vld [tilespmem:s29+$0xFFFFFF00];
	_ =	sdelay $0x1  }
0x202: {  	v11 =	vadd.f32 v11, v17  }
0x203: {  	v12 =	vadd.f32 v12, v15;
	v9 =	vadd.f32 v16, v9;
	v15 =	vld [tilespmem:s29+$0xFFFFFEF0]  }
0x204: {  	v11 =	vmax.f32 v11, $0.0e+00;
	v16 =	vld [tilespmem:s17+$0xFFFFFEF0]  }
0x205: {  	v11 =	vmul.f32 v11, v0;
	v9 =	vmax.f32 v9, $0.0e+00;
	v14 =	vadd.f32 v18, v14  }
0x206: {  	v9 =	vmul.f32 v9, v1  }
0x207: {  	v13 =	vmul.f32 v13, v3;
	v11 =	vadd.f32 $0.0e+00, v11;
	v14 =	vmax.f32 v14, $0.0e+00  }
0x208: {  	v12 =	vmax.f32 v12, $0.0e+00;
	v9 =	vadd.f32 $0.0e+00, v9  }
0x209: {  	v10 =	vadd.f32 v10, v11;
	v11 =	vmul.f32 v12, v5;
	v12 =	vadd.f32 v15, v16  }
0x20a: {  	v9 =	vadd.f32 v13, v9  }
0x20b: {  	v8 =	vadd.f32 v8, v10;
	v10 =	vmax.f32 v12, $0.0e+00;
	v12 =	vmul.f32 v14, v7  }
0x20c: {  	v9 =	vadd.f32 v11, v9;
	v10 =	vmul.f32 v10, v6  }
0x20d: {  	s11 =	sand.u32 $0x7, s1  }
0x20e: {  	s11 =	sshll.u32 s11, $0x4;
	v8 =	vadd.f32 v10, v8;
	v9 =	vadd.f32 v12, v9  }
0x20f: {  	s11 =	sadd.s32 s11, s25  }
0x210: {  	s12 =	sadd.s32 $0x10, s11;
	s11 =	sadd.s32 $0x30, s11;
	v8 =	vadd.f32 v9, v8  }
0x211: {  	s12 =	sor.u32 $0x80, s12  }
0x212: {  	[tilespmem:s12+$0x5200] =	vst v8  }
0x213: {  	v8 =	vld [tilespmem:s17+$0xFFFFFF10]  }
0x214: {  	v9 =	vld [tilespmem:s29+$0xFFFFFF10]  }
0x215: {  	v10 =	vld [tilespmem:s17+$0xFFFFFF30]  }
0x216: {  	v11 =	vld [tilespmem:s29+$0xFFFFFF30]  }
0x217: {  	v12 =	vld [tilespmem:s17+$0xFFFFFF50]  }
0x218: {  	v13 =	vld [tilespmem:s29+$0xFFFFFF50]  }
0x219: {  	v8 =	vadd.f32 v9, v8;
	v9 =	vld [tilespmem:s17+$0xFFFFFF70]  }
0x21a: {  	v14 =	vld [tilespmem:s29+$0xFFFFFF70]  }
0x21b: {  	v8 =	vmax.f32 v8, $0.0e+00;
	v10 =	vadd.f32 v11, v10  }
0x21c: {  	v8 =	vmul.f32 v8, v0  }
0x21d: {  	v11 =	vld [tilespmem:s29+$0xFFFFFF20];
	v10 =	vmax.f32 v10, $0.0e+00;
	v12 =	vadd.f32 v13, v12  }
0x21e: {  	v8 =	vadd.f32 $0.0e+00, v8;
	v13 =	vld [tilespmem:s17+$0xFFFFFF20];
	v10 =	vmul.f32 v10, v2  }
0x21f: {  	v15 =	vld [tilespmem:s29+$0xFFFFFF40];
	v12 =	vmax.f32 v12, $0.0e+00;
	v9 =	vadd.f32 v14, v9  }
0x220: {  	v8 =	vadd.f32 v10, v8;
	v10 =	vld [tilespmem:s17+$0xFFFFFF40];
	v12 =	vmul.f32 v12, v4  }
0x221: {  	v14 =	vld [tilespmem:s29+$0xFFFFFF60];
	v9 =	vmax.f32 v9, $0.0e+00  }
0x222: {  	v8 =	vadd.f32 v12, v8;
	v12 =	vld [tilespmem:s17+$0xFFFFFF60];
	v9 =	vmul.f32 v9, v6  }
0x223: {  	v11 =	vadd.f32 v11, v13;
	v13 =	vld [tilespmem:s29+$0xFFFFFF80]  }
0x224: {  	v8 =	vadd.f32 v9, v8;
	v9 =	vld [tilespmem:s17+$0xFFFFFF80]  }
0x225: {  	v11 =	vmax.f32 v11, $0.0e+00;
	v10 =	vadd.f32 v15, v10  }
0x226: {  	v11 =	vmul.f32 v11, v1  }
0x227: {  	v10 =	vmax.f32 v10, $0.0e+00;
	v12 =	vadd.f32 v14, v12  }
0x228: {  	v11 =	vadd.f32 $0.0e+00, v11;
	v10 =	vmul.f32 v10, v3  }
0x229: {  	v12 =	vmax.f32 v12, $0.0e+00;
	v9 =	vadd.f32 v13, v9  }
0x22a: {  	v10 =	vadd.f32 v10, v11;
	v11 =	vmul.f32 v12, v5  }
0x22b: {  	v9 =	vmax.f32 v9, $0.0e+00  }
.Ltmp1:
0x22c: {  	v10 =	vadd.f32 v11, v10;
	v9 =	vmul.f32 v9, v7;
	(pc) =	sbr.rel @p1 .LBB2_5-.Ltmp1, $4  }
0x22d: {  	_ = 	snop  }
0x22e: {  	s31 =	sadd.s32 $0x80, s31;
	s12 =	sand.u32 $0x3, s2;
	s2 =	sadd.s32 $0x2, s2;
	v9 =	vadd.f32 v9, v10  }
0x22f: {  	p0 =	por !p0, !p0;
	s1 =	sadd.s32 $0x4, s1;
	s12 =	sshll.u32 s12, $0x5  }
0x230: {  	s25 =	sadd.s32 $0x80, s25;
	s19 =	sadd.s32 s12, s19;
	s17 =	sadd.s32 $0x200, s17;
	v8 =	vadd.f32 v9, v8  }
0x231: {  	s1 =	sor.u32 $0x80, s19  }
0x232: {  	[tilespmem:s1+$0x5200] =	vst v8  }
0x233: {  	v8 =	vld [tilespmem:s0+$0xFFFFFFD0]  }
0x234: {  	v9 =	vld [tilespmem:s18+$0xFFFFFFD0]  }
0x235: {  	v10 =	vld [tilespmem:s18+$0xFFFFFFA0]  }
0x236: {  	v11 =	vld [tilespmem:s18+$0xFFFFFFB0]  }
0x237: {  	v12 =	vld [tilespmem:s0+$0xFFFFFF90]  }
0x238: {  	v13 =	vld [tilespmem:s18+$0xFFFFFFC0]  }
0x239: {  	v14 =	vld [tilespmem:s0+$0xFFFFFFC0]  }
0x23a: {  	v15 =	vld [tilespmem:s0+$0xFFFFFFB0]  }
0x23b: {  	v16 =	vld [tilespmem:s18+$0xFFFFFF90]  }
0x23c: {  	v17 =	vld [tilespmem:s0+$0xFFFFFFA0]  }
0x23d: {  	v18 =	vld [tilespmem:s18+$0xFFFFFFE0]  }
0x23e: {  	v19 =	vld [tilespmem:s0+$0xFFFFFFE0]  }
0x23f: {  	v56 =	vld [tilespmem:s18+$0xFFFFFFF0]  }
0x240: {  	v57 =	vld [tilespmem:s0+$0xFFFFFFF0]  }
0x241: {  	v58 =	vld [tilespmem:s18+$0x0]  }
0x242: {  	v59 =	vld [tilespmem:s0+$0x0]  }
0x243: {  	v8 =	vadd.f32 v8, v9  }
0x244: {  	v12 =	vadd.f32 v12, v16;
	v10 =	vadd.f32 v17, v10  }
0x245: {  	v13 =	vadd.f32 v14, v13;
	v11 =	vadd.f32 v15, v11  }
0x246: {  	v60 =	vadd.f32 v19, v18;
	v9 =	vadd.f32 v57, v56  }
0x247: {  	v14 =	vadd.f32 v59, v58;
	v12 =	vmax.f32 v12, $0.0e+00;
	v10 =	vmax.f32 v10, $0.0e+00  }
0x248: {  	v11 =	vmax.f32 v11, $0.0e+00;
	v12 =	vmul.f32 v12, v0;
	v10 =	vmul.f32 v10, v1  }
0x249: {  	v8 =	vmax.f32 v8, $0.0e+00;
	v13 =	vmax.f32 v13, $0.0e+00;
	v11 =	vmul.f32 v11, v2  }
0x24a: {  	v13 =	vmul.f32 v13, v3;
	v12 =	vadd.f32 $0.0e+00, v12;
	v10 =	vadd.f32 $0.0e+00, v10  }
0x24b: {  	v15 =	vmax.f32 v60, $0.0e+00;
	v9 =	vmax.f32 v9, $0.0e+00;
	v8 =	vmul.f32 v8, v4  }
0x24c: {  	v61 =	vmul.f32 v15, v5;
	v11 =	vadd.f32 v11, v12;
	v10 =	vadd.f32 v13, v10  }
0x24d: {  	v62 =	vmax.f32 v14, $0.0e+00;
	v9 =	vmul.f32 v9, v6  }
0x24e: {  	v8 =	vadd.f32 v8, v11;
	v10 =	vadd.f32 v61, v10;
	v11 =	vmul.f32 v62, v7;
	_ =	sdelay $0x1  }
0x24f: {  	v8 =	vadd.f32 v9, v8;
	v63 =	vadd.f32 v11, v10  }
0x250: {  	s17 =	sadd.s32 s22, s9  }
0x251: {  	s0 =	sshll.u32 s17, $0x1;
	v8 =	vadd.f32 v63, v8  }
0x252: {  	s18 =	sor.u32 $0x80, s11;
	s0 =	sand.u32 $0x1FFFFFF0, s0  }
0x253: {  	s19 =	simm.s32 $0x5280;
	s0 =	sadd.s32 s8, s0;
	[tilespmem:s18+$0x5200] =	vst v8  }
0x254: {  	[hbm4b:s0+s3] =	stream.linear.scatter [tilespmem:s19], [sflag:$0x6], $0x80, $0x38;
	[tilespmem:$0x5780] =	vst v63  }
0x255: {  	s2 =	simm.s32 $0x5380;
	s16 =	sadd.s32 $0x1, s16;
	s22 =	sadd.s32 $0x10, s0  }
0x256: {  	[hbm4b:s22+s3] =	stream.linear.scatter [tilespmem:s2], [sflag:$0x6], $0x80, $0x38;
	[tilespmem:$0x5780] =	vst v63  }
0x257: {  	s29 =	simm.s32 $0x5480;
	p0 =	sne.s32 s16, $0x7D;
	s25 =	sadd.s32 $0x20, s0  }
0x258: {  	[hbm4b:s25+s3] =	stream.linear.scatter [tilespmem:s29], [sflag:$0x6], $0x80, $0x38;
	[tilespmem:$0x5780] =	vst v63  }
.Ltmp2:
0x259: {  	_ = 	snop;
	(pc) =	sbr.rel @p0 .LBB2_2-.Ltmp2, $4  }
0x25a: {  	s31 =	simm.s32 $0x5580;
	s30 =	sadd.s32 $0x30, s0  }
0x25b: {  	[hbm4b:s30+s3] =	stream.linear.scatter [tilespmem:s31], [sflag:$0x6], $0x80, $0x38;
	[tilespmem:$0x5780] =	vst v63  }
0x25c: {  	s0 =	sadd.s32 $0x40, s0  }
0x25d: {  	[hbm4b:s0+s3] =	stream.linear.scatter [tilespmem:s13], [sflag:$0x6], $0x80, $0x38;
	[tilespmem:$0x5780] =	vst v63  }
0x25e: {  	s0 =	simm.s32 $0x5  }
0x25f: {  	_ =	swait.ge [sflag:s0], $0x280  }
0x260: {  	[sflag:s0] =	ssyncset.done $0x0  }
0x261: {  	[sflag:s0] =	ssyncadd.s32 $0xFFFFFD80  }
0x262: {  	_ =	swait.ge [sflag:s10], $0x280  }
0x263: {  	s1 =	rddreg [dreg:$0x8]  }
0x264: {  	s31 =	rddreg [dreg:$0x7];
	s1 =	sadd.s32 $0x1, s1  }
0x265: {  	p0 =	sne.s32 s1, s31  }
.Ltmp3:
0x266: {  	_ = 	snop;
	(pc) =	sbr.rel @p0 .LBB2_1-.Ltmp3, $3  }
0x267: {  	_ =	sdelay $0x1  }
0x268: {  	[sflag:s10] =	ssyncset.done $0x0  }
0x269: {  	[sflag:s10] =	ssyncadd.s32 $0xFFFFFD80  }
0x26a: {  	_ =	sfence.sel $0x180000  }
0x26b: {  	[bflag:$0x0] =	sbarrier.arrive $0xFFFF  }
0x26c: {  	_ =	strace $0x90000047  }
0x26d: {  	s0 =	stileid.u32;
	[bflag:$0x2] =	sbarrier.arrive $0xFFFF  }
0x26e: {  	p0 =	sne.s32 s0, $0x0;
	s0 =	rddreg [dreg:$0x2]  }
0x26f: {  	s0 =	sadd.s32 @!p0 $0x100000, s0  }
0x270: {  	[sflag:s0] =	ssyncadd.tile.s32 @!p0 $0x1;
	_ =	shalt  }
.Lfunc_end2:
_tile_overlayer_lowered:
.L_overlay_start_2:
0x271: {  	(tag) =	ssettag $0x2  }
0x272: {  	s0 =	rddreg [dreg:$0x0];
	s2 =	stileid.u32  }
0x273: {  	s1 =	rddreg [dreg:$0x1];
	p0 =	sne.s32 s2, $0x0  }
0x274: {  	s3 =	rddreg [dreg:$0x2];
	[bflag:$0x3] =	sbarrier.arrive $0xFFFF;
	s2 =	simm.s32 @!p0 $0x1C07  }
0x275: {  	[timem:s3], [sflag:s2] =	dma.local @!p0 [hbm:s0], s1  }
0x276: {  	s0 =	simm.s32 @!p0 $0x7  }
0x277: {  	_ =	swait.ge @!p0 [sflag:s0], s1  }
0x278: {  	s1 =	ssub.s32 @!p0 $0x0, s1;
	[sflag:s0] =	ssyncset.done @!p0 $0x0  }
0x279: {  	[sflag:s0] =	ssyncadd.s32 @!p0 s1  }
0x27a: {  	[bflag:$0x3] =	sbarrier.arrive $0xFFFF  }
0x27b: {  	_ =	shalt  }

</sc_bundles>
